<compile_context>
chip_gen: v7x
topology: tpu7x:2x2x1
jax: 0.10.2.dev20260603
libtpu: 0.0.44.dev20260713+nightly
codegen_flags: <defaults>
</compile_context>

<pallas_src>
import functools

import jax
import jax.numpy as jnp
from jax import lax
from jax.experimental import pallas as pl
from jax.experimental.pallas import tpu as pltpu
from jax.experimental.pallas import tpu_sc as plsc

_B = 16384
_S = 50
_C = 64

_NC = 2
_NS = 16
_L = 16
_NW = _NC * _NS
_VPW = _B // _NW
_VCH = 8
_CH_ROWS = _VCH * _S
_NCHUNK = _VPW // _VCH
_NPAIR = _NCHUNK // 2


def _seg_max_body(sec_hbm, out_hbm, buf0, buf1, omax, sem0, sem1):
    wid = lax.axis_index("s") * _NC + lax.axis_index("c")
    row0 = wid * _VPW * _S
    vid0 = wid * _VPW
    bufs = (buf0, buf1)
    sems = (sem0, sem1)

    def copy(g, slot):
        return pltpu.make_async_copy(
            sec_hbm.at[pl.ds(row0 + g * _CH_ROWS, _CH_ROWS)],
            bufs[slot],
            sems[slot],
        )

    def compute(buf, g):
        def one_video(v, carry):
            base = v * _S
            accs = [buf[base, pl.ds(j * _L, _L)] for j in range(_C // _L)]
            for r in range(1, _S):
                for j in range(_C // _L):
                    accs[j] = jnp.maximum(accs[j], buf[base + r, pl.ds(j * _L, _L)])
            for j in range(_C // _L):
                omax[v, pl.ds(j * _L, _L)] = accs[j]
            return carry

        lax.fori_loop(0, _VCH, one_video, 0, unroll=False)
        pltpu.sync_copy(omax, out_hbm.at[pl.ds(vid0 + g * _VCH, _VCH)])

    def pair(i, carry):
        g = i * 2
        copy(g + 1, 1).start()
        copy(g, 0).wait()
        compute(buf0, g)

        @pl.when(i + 1 < _NPAIR)
        def _():
            copy(g + 2, 0).start()

        copy(g + 1, 1).wait()
        compute(buf1, g + 1)
        return carry

    copy(0, 0).start()
    lax.fori_loop(0, _NPAIR, pair, 0, unroll=False)


_seg_max = functools.partial(
    pl.kernel,
    out_type=jax.ShapeDtypeStruct((_B, _C), jnp.float32),
    mesh=plsc.VectorSubcoreMesh(core_axis_name="c", subcore_axis_name="s"),
    scratch_types=[
        pltpu.VMEM((_CH_ROWS, _C), jnp.float32),
        pltpu.VMEM((_CH_ROWS, _C), jnp.float32),
        pltpu.VMEM((_VCH, _C), jnp.float32),
        pltpu.SemaphoreType.DMA,
        pltpu.SemaphoreType.DMA,
    ],
)(_seg_max_body)


_BCE_BLOCK = 1024
_BCE_GRID = _B // _BCE_BLOCK


def _bce_body(vmax_ref, vsc_ref, lab_ref, out_ref):
    i = pl.program_id(0)
    y = lab_ref[...]

    def terms(p):
        logp = jnp.maximum(jnp.log(p), -100.0)
        log1mp = jnp.maximum(jnp.log1p(-p), -100.0)
        return y * logp + (1.0 - y) * log1mp

    s = jnp.sum(terms(vsc_ref[...]) + terms(vmax_ref[...]))

    @pl.when(i == 0)
    def _():
        out_ref[0, 0] = 0.0

    out_ref[0, 0] += -s / (_B * _C)


def kernel(section_scores, video_scores, labels, segments):
    del segments
    vmax = _seg_max(section_scores)
    spec = pl.BlockSpec((_BCE_BLOCK, _C), lambda i: (i, 0))
    out = pl.pallas_call(
        _bce_body,
        grid=(_BCE_GRID,),
        in_specs=[spec, spec, spec],
        out_specs=pl.BlockSpec(memory_space=pltpu.SMEM),
        out_shape=jax.ShapeDtypeStruct((1, 1), jnp.float32),
    )(vmax, video_scores, labels)
    return out[0, 0]

# --- scband reference (transcript-rebuilt; emitter-appended) ---
"""Pipeline reference for scband-hierarchy-loss-with-segments-13142599926432 (READ-ONLY COPY).

The authoritative reference and input builder live on the scoring server;
editing this copy changes nothing except your own understanding.
"""

import jax, jax.numpy as jnp
import numpy as np

B = 16384
S = 50
C = 64


def _bce(p, y):
    # torch.nn.BCELoss: mean of -(y*log(p) + (1-y)*log(1-p)), logs clamped at -100
    logp = jnp.clip(jnp.log(p), -100.0, None)
    log1mp = jnp.clip(jnp.log1p(-p), -100.0, None)
    return -jnp.mean(y * logp + (1.0 - y) * log1mp)


def setup_inputs(seed: int = 0) -> dict:
    key = jax.random.key(seed)
    k1, k2, k3 = jax.random.split(key, 3)
    section_scores = jax.random.uniform(k1, (B * S, C), dtype=jnp.float32)
    video_scores = jax.random.uniform(k2, (B, C), dtype=jnp.float32)
    labels = jax.random.uniform(k3, (B, C), dtype=jnp.float32)
    # segments: each row is one video, row length = number of sections for that video
    # (uniform S sections per video); values themselves are unused by the module.
    segments = jnp.zeros((B, S), dtype=jnp.int32)
    return {
        "section_scores": section_scores,
        "video_scores": video_scores,
        "labels": labels,
        "segments": segments,
    }


def reference(section_scores, video_scores, labels, segments):
    b, s = segments.shape
    # The python loop `for video in segments: max(section_scores[start:end])` is a
    # per-video segment-max over contiguous section rows.
    seg_ids = jnp.repeat(jnp.arange(b, dtype=jnp.int32), s)
    video_scores_from_sections = jax.ops.segment_max(
        section_scores, seg_ids, num_segments=b
    )
    video_loss = _bce(video_scores, labels)
    video_loss_from_sections = _bce(video_scores_from_sections, labels)
    return video_loss + video_loss_from_sections

if __name__ == "__main__":
    import jax
    _d = setup_inputs()
    print(jax.jit(kernel)(*tuple(_d.values())))

</pallas_src>

<mosaic_0001>
#map = affine_map<(d0, d1) -> (0, 0)>
module attributes {stable_mosaic.version = 14 : i64} {
  func.func @_seg_max_body(%arg0: i32, %arg1: i32, %arg2: memref<819200x64xf32, #tpu.memory_space<hbm>>, %arg3: memref<16384x64xf32, #tpu.memory_space<hbm>>, %arg4: memref<400x64xf32, #tpu.memory_space<vmem>>, %arg5: memref<400x64xf32, #tpu.memory_space<vmem>>, %arg6: memref<8x64xf32, #tpu.memory_space<vmem>>, %arg7: memref<!tpu.dma_semaphore, #tpu.memory_space<semaphore_mem>>, %arg8: memref<!tpu.dma_semaphore, #tpu.memory_space<semaphore_mem>>) attributes {dimension_semantics = [#tpu.dimension_semantics<core_parallel>, #tpu.dimension_semantics<subcore_parallel>], iteration_bounds = array<i64: 2, 16>, scalar_prefetch = 0 : i64, scratch_operands = 5 : i64, tpu.core_type = #tpu.core_type<sc_vector_subcore>, window_params = [{transform_indices = #map}, {transform_indices = #map}]} {
    %mul3A = arith.constant 2 : i32
    %mul3A_0 = arith.muli %arg1, %mul3A : i32
    %add3A = arith.addi %mul3A_0, %arg0 : i32
    %mul3A_1 = arith.constant 512 : i32
    %mul3A_2 = arith.muli %add3A, %mul3A_1 : i32
    %mul3A_3 = arith.constant 50 : i32
    %mul3A_4 = arith.muli %mul3A_2, %mul3A_3 : i32
    %mul3A_5 = arith.constant 512 : i32
    %mul3A_6 = arith.muli %add3A, %mul3A_5 : i32
    %add3A_7 = arith.constant 0 : i32
    %add3A_8 = arith.addi %mul3A_4, %add3A_7 : i32
    %dma_start3A = arith.constant 0 : i32
    %dma_start3A_9 = tpu.memref_slice %arg2[%add3A_8, %dma_start3A] : memref<819200x64xf32, #tpu.memory_space<hbm>> -> memref<400x64xf32, #tpu.memory_space<hbm>>
    %dma_start3A_10 = arith.constant 0 : i32
    %dma_start3A_11 = tpu.memref_slice %arg2[%add3A_8, %dma_start3A_10] : memref<819200x64xf32, #tpu.memory_space<hbm>> -> memref<400x64xf32, #tpu.memory_space<hbm>>
    tpu.enqueue_dma source(%dma_start3A_11 : memref<400x64xf32, #tpu.memory_space<hbm>>) target(%arg4 : memref<400x64xf32, #tpu.memory_space<vmem>>) target_semaphore(%arg7 : memref<!tpu.dma_semaphore, #tpu.memory_space<semaphore_mem>>)
    %scan3A = arith.constant 0 : i32
    %scan3A_12 = arith.constant 0 : i32
    %scan3A_13 = arith.constant 32 : i32
    %scan3A_14 = arith.addi %scan3A_12, %scan3A_13 : i32
    %scan3A_15 = arith.constant 1 : i32
    scf.for %scan3A_17 = %scan3A_12 to %scan3A_14 step %scan3A_15  : i32 {
      %mul3A_18 = arith.constant 2 : i32
      %mul3A_19 = arith.muli %scan3A_17, %mul3A_18 : i32
      %add3A_20 = arith.constant 1 : i32
      %add3A_21 = arith.addi %mul3A_19, %add3A_20 : i32
      %mul3A_22 = arith.constant 400 : i32
      %mul3A_23 = arith.muli %add3A_21, %mul3A_22 : i32
      %add3A_24 = arith.addi %mul3A_4, %mul3A_23 : i32
      %dma_start3A_25 = arith.constant 0 : i32
      %dma_start3A_26 = tpu.memref_slice %arg2[%add3A_24, %dma_start3A_25] : memref<819200x64xf32, #tpu.memory_space<hbm>> -> memref<400x64xf32, #tpu.memory_space<hbm>>
      %dma_start3A_27 = arith.constant 0 : i32
      %dma_start3A_28 = tpu.memref_slice %arg2[%add3A_24, %dma_start3A_27] : memref<819200x64xf32, #tpu.memory_space<hbm>> -> memref<400x64xf32, #tpu.memory_space<hbm>>
      tpu.enqueue_dma source(%dma_start3A_28 : memref<400x64xf32, #tpu.memory_space<hbm>>) target(%arg5 : memref<400x64xf32, #tpu.memory_space<vmem>>) target_semaphore(%arg8 : memref<!tpu.dma_semaphore, #tpu.memory_space<semaphore_mem>>)
      %mul3A_29 = arith.constant 400 : i32
      %mul3A_30 = arith.muli %mul3A_19, %mul3A_29 : i32
      %add3A_31 = arith.addi %mul3A_4, %mul3A_30 : i32
      %dma_wait3A = arith.constant 0 : i32
      %dma_wait3A_32 = tpu.memref_slice %arg2[%add3A_31, %dma_wait3A] : memref<819200x64xf32, #tpu.memory_space<hbm>> -> memref<400x64xf32, #tpu.memory_space<hbm>>
      %dma_wait3A_33 = arith.constant 0 : i32
      %dma_wait3A_34 = tpu.memref_slice %arg2[%add3A_31, %dma_wait3A_33] : memref<819200x64xf32, #tpu.memory_space<hbm>> -> memref<400x64xf32, #tpu.memory_space<hbm>>
      tpu.wait_dma2 semaphore(%arg7 : memref<!tpu.dma_semaphore, #tpu.memory_space<semaphore_mem>>) src(%dma_wait3A_34 : memref<400x64xf32, #tpu.memory_space<hbm>>) dst(%arg4 : memref<400x64xf32, #tpu.memory_space<vmem>>)
      %scan3A_35 = arith.constant 0 : i32
      %scan3A_36 = arith.constant 0 : i32
      %scan3A_37 = arith.constant 8 : i32
      %scan3A_38 = arith.addi %scan3A_36, %scan3A_37 : i32
      %scan3A_39 = arith.constant 1 : i32
      scf.for %scan3A_68 = %scan3A_36 to %scan3A_38 step %scan3A_39  : i32 {
        %mul3A_69 = arith.constant 50 : i32
        %mul3A_70 = arith.muli %scan3A_68, %mul3A_69 : i32
        %get3A = arith.index_cast %mul3A_70 : i32 to index
        %get3A_71 = arith.constant 0 : index
        %get3A_72 = tpu.vector_load %arg4[%get3A, %get3A_71] {strides = array<i32>} : memref<400x64xf32, #tpu.memory_space<vmem>>, vector<1x16xf32>,
        %get3A_73 = vector.shape_cast %get3A_72 : vector<1x16xf32> to vector<16xf32>
        %get3A_74 = arith.index_cast %mul3A_70 : i32 to index
        %get3A_75 = arith.constant 16 : index
        %get3A_76 = tpu.vector_load %arg4[%get3A_74, %get3A_75] {strides = array<i32>} : memref<400x64xf32, #tpu.memory_space<vmem>>, vector<1x16xf32>,
        %get3A_77 = vector.shape_cast %get3A_76 : vector<1x16xf32> to vector<16xf32>
        %get3A_78 = arith.index_cast %mul3A_70 : i32 to index
        %get3A_79 = arith.constant 32 : index
        %get3A_80 = tpu.vector_load %arg4[%get3A_78, %get3A_79] {strides = array<i32>} : memref<400x64xf32, #tpu.memory_space<vmem>>, vector<1x16xf32>,
        %get3A_81 = vector.shape_cast %get3A_80 : vector<1x16xf32> to vector<16xf32>
        %get3A_82 = arith.index_cast %mul3A_70 : i32 to index
        %get3A_83 = arith.constant 48 : index
        %get3A_84 = tpu.vector_load %arg4[%get3A_82, %get3A_83] {strides = array<i32>} : memref<400x64xf32, #tpu.memory_space<vmem>>, vector<1x16xf32>,
        %get3A_85 = vector.shape_cast %get3A_84 : vector<1x16xf32> to vector<16xf32>
        %add3A_86 = arith.constant 1 : i32
        %add3A_87 = arith.addi %mul3A_70, %add3A_86 : i32
        %get3A_88 = arith.index_cast %add3A_87 : i32 to index
        %get3A_89 = arith.constant 0 : index
        %get3A_90 = tpu.vector_load %arg4[%get3A_88, %get3A_89] {strides = array<i32>} : memref<400x64xf32, #tpu.memory_space<vmem>>, vector<1x16xf32>,
        %get3A_91 = vector.shape_cast %get3A_90 : vector<1x16xf32> to vector<16xf32>
        %max3A = arith.maximumf %get3A_73, %get3A_91 : vector<16xf32>
        %add3A_92 = arith.constant 1 : i32
        %add3A_93 = arith.addi %mul3A_70, %add3A_92 : i32
        %get3A_94 = arith.index_cast %add3A_93 : i32 to index
        %get3A_95 = arith.constant 16 : index
        %get3A_96 = tpu.vector_load %arg4[%get3A_94, %get3A_95] {strides = array<i32>} : memref<400x64xf32, #tpu.memory_space<vmem>>, vector<1x16xf32>,
        %get3A_97 = vector.shape_cast %get3A_96 : vector<1x16xf32> to vector<16xf32>
        %max3A_98 = arith.maximumf %get3A_77, %get3A_97 : vector<16xf32>
        %add3A_99 = arith.constant 1 : i32
        %add3A_100 = arith.addi %mul3A_70, %add3A_99 : i32
        %get3A_101 = arith.index_cast %add3A_100 : i32 to index
        %get3A_102 = arith.constant 32 : index
        %get3A_103 = tpu.vector_load %arg4[%get3A_101, %get3A_102] {strides = array<i32>} : memref<400x64xf32, #tpu.memory_space<vmem>>, vector<1x16xf32>,
        %get3A_104 = vector.shape_cast %get3A_103 : vector<1x16xf32> to vector<16xf32>
        %max3A_105 = arith.maximumf %get3A_81, %get3A_104 : vector<16xf32>
        %add3A_106 = arith.constant 1 : i32
        %add3A_107 = arith.addi %mul3A_70, %add3A_106 : i32
        %get3A_108 = arith.index_cast %add3A_107 : i32 to index
        %get3A_109 = arith.constant 48 : index
        %get3A_110 = tpu.vector_load %arg4[%get3A_108, %get3A_109] {strides = array<i32>} : memref<400x64xf32, #tpu.memory_space<vmem>>, vector<1x16xf32>,
        %get3A_111 = vector.shape_cast %get3A_110 : vector<1x16xf32> to vector<16xf32>
        %max3A_112 = arith.maximumf %get3A_85, %get3A_111 : vector<16xf32>
        %add3A_113 = arith.constant 2 : i32
        %add3A_114 = arith.addi %mul3A_70, %add3A_113 : i32
        %get3A_115 = arith.index_cast %add3A_114 : i32 to index
        %get3A_116 = arith.constant 0 : index
        %get3A_117 = tpu.vector_load %arg4[%get3A_115, %get3A_116] {strides = array<i32>} : memref<400x64xf32, #tpu.memory_space<vmem>>, vector<1x16xf32>,
        %get3A_118 = vector.shape_cast %get3A_117 : vector<1x16xf32> to vector<16xf32>
        %max3A_119 = arith.maximumf %max3A, %get3A_118 : vector<16xf32>
        %add3A_120 = arith.constant 2 : i32
        %add3A_121 = arith.addi %mul3A_70, %add3A_120 : i32
        %get3A_122 = arith.index_cast %add3A_121 : i32 to index
        %get3A_123 = arith.constant 16 : index
        %get3A_124 = tpu.vector_load %arg4[%get3A_122, %get3A_123] {strides = array<i32>} : memref<400x64xf32, #tpu.memory_space<vmem>>, vector<1x16xf32>,
        %get3A_125 = vector.shape_cast %get3A_124 : vector<1x16xf32> to vector<16xf32>
        %max3A_126 = arith.maximumf %max3A_98, %get3A_125 : vector<16xf32>
        %add3A_127 = arith.constant 2 : i32
        %add3A_128 = arith.addi %mul3A_70, %add3A_127 : i32
        %get3A_129 = arith.index_cast %add3A_128 : i32 to index
        %get3A_130 = arith.constant 32 : index
        %get3A_131 = tpu.vector_load %arg4[%get3A_129, %get3A_130] {strides = array<i32>} : memref<400x64xf32, #tpu.memory_space<vmem>>, vector<1x16xf32>,
        %get3A_132 = vector.shape_cast %get3A_131 : vector<1x16xf32> to vector<16xf32>
        %max3A_133 = arith.maximumf %max3A_105, %get3A_132 : vector<16xf32>
        %add3A_134 = arith.constant 2 : i32
        %add3A_135 = arith.addi %mul3A_70, %add3A_134 : i32
        %get3A_136 = arith.index_cast %add3A_135 : i32 to index
        %get3A_137 = arith.constant 48 : index
        %get3A_138 = tpu.vector_load %arg4[%get3A_136, %get3A_137] {strides = array<i32>} : memref<400x64xf32, #tpu.memory_space<vmem>>, vector<1x16xf32>,
        %get3A_139 = vector.shape_cast %get3A_138 : vector<1x16xf32> to vector<16xf32>
        %max3A_140 = arith.maximumf %max3A_112, %get3A_139 : vector<16xf32>
        %add3A_141 = arith.constant 3 : i32
        %add3A_142 = arith.addi %mul3A_70, %add3A_141 : i32
        %get3A_143 = arith.index_cast %add3A_142 : i32 to index
        %get3A_144 = arith.constant 0 : index
        %get3A_145 = tpu.vector_load %arg4[%get3A_143, %get3A_144] {strides = array<i32>} : memref<400x64xf32, #tpu.memory_space<vmem>>, vector<1x16xf32>,
        %get3A_146 = vector.shape_cast %get3A_145 : vector<1x16xf32> to vector<16xf32>
        %max3A_147 = arith.maximumf %max3A_119, %get3A_146 : vector<16xf32>
        %add3A_148 = arith.constant 3 : i32
        %add3A_149 = arith.addi %mul3A_70, %add3A_148 : i32
        %get3A_150 = arith.index_cast %add3A_149 : i32 to index
        %get3A_151 = arith.constant 16 : index
        %get3A_152 = tpu.vector_load %arg4[%get3A_150, %get3A_151] {strides = array<i32>} : memref<400x64xf32, #tpu.memory_space<vmem>>, vector<1x16xf32>,
        %get3A_153 = vector.shape_cast %get3A_152 : vector<1x16xf32> to vector<16xf32>
        %max3A_154 = arith.maximumf %max3A_126, %get3A_153 : vector<16xf32>
        %add3A_155 = arith.constant 3 : i32
        %add3A_156 = arith.addi %mul3A_70, %add3A_155 : i32
        %get3A_157 = arith.index_cast %add3A_156 : i32 to index
        %get3A_158 = arith.constant 32 : index
        %get3A_159 = tpu.vector_load %arg4[%get3A_157, %get3A_158] {strides = array<i32>} : memref<400x64xf32, #tpu.memory_space<vmem>>, vector<1x16xf32>,
        %get3A_160 = vector.shape_cast %get3A_159 : vector<1x16xf32> to vector<16xf32>
        %max3A_161 = arith.maximumf %max3A_133, %get3A_160 : vector<16xf32>
        %add3A_162 = arith.constant 3 : i32
        %add3A_163 = arith.addi %mul3A_70, %add3A_162 : i32
        %get3A_164 = arith.index_cast %add3A_163 : i32 to index
        %get3A_165 = arith.constant 48 : index
        %get3A_166 = tpu.vector_load %arg4[%get3A_164, %get3A_165] {strides = array<i32>} : memref<400x64xf32, #tpu.memory_space<vmem>>, vector<1x16xf32>,
        %get3A_167 = vector.shape_cast %get3A_166 : vector<1x16xf32> to vector<16xf32>
        %max3A_168 = arith.maximumf %max3A_140, %get3A_167 : vector<16xf32>
        %add3A_169 = arith.constant 4 : i32
        %add3A_170 = arith.addi %mul3A_70, %add3A_169 : i32
        %get3A_171 = arith.index_cast %add3A_170 : i32 to index
        %get3A_172 = arith.constant 0 : index
        %get3A_173 = tpu.vector_load %arg4[%get3A_171, %get3A_172] {strides = array<i32>} : memref<400x64xf32, #tpu.memory_space<vmem>>, vector<1x16xf32>,
        %get3A_174 = vector.shape_cast %get3A_173 : vector<1x16xf32> to vector<16xf32>
        %max3A_175 = arith.maximumf %max3A_147, %get3A_174 : vector<16xf32>
        %add3A_176 = arith.constant 4 : i32
        %add3A_177 = arith.addi %mul3A_70, %add3A_176 : i32
        %get3A_178 = arith.index_cast %add3A_177 : i32 to index
        %get3A_179 = arith.constant 16 : index
        %get3A_180 = tpu.vector_load %arg4[%get3A_178, %get3A_179] {strides = array<i32>} : memref<400x64xf32, #tpu.memory_space<vmem>>, vector<1x16xf32>,
        %get3A_181 = vector.shape_cast %get3A_180 : vector<1x16xf32> to vector<16xf32>
        %max3A_182 = arith.maximumf %max3A_154, %get3A_181 : vector<16xf32>
        %add3A_183 = arith.constant 4 : i32
        %add3A_184 = arith.addi %mul3A_70, %add3A_183 : i32
        %get3A_185 = arith.index_cast %add3A_184 : i32 to index
        %get3A_186 = arith.constant 32 : index
        %get3A_187 = tpu.vector_load %arg4[%get3A_185, %get3A_186] {strides = array<i32>} : memref<400x64xf32, #tpu.memory_space<vmem>>, vector<1x16xf32>,
        %get3A_188 = vector.shape_cast %get3A_187 : vector<1x16xf32> to vector<16xf32>
        %max3A_189 = arith.maximumf %max3A_161, %get3A_188 : vector<16xf32>
        %add3A_190 = arith.constant 4 : i32
        %add3A_191 = arith.addi %mul3A_70, %add3A_190 : i32
        %get3A_192 = arith.index_cast %add3A_191 : i32 to index
        %get3A_193 = arith.constant 48 : index
        %get3A_194 = tpu.vector_load %arg4[%get3A_192, %get3A_193] {strides = array<i32>} : memref<400x64xf32, #tpu.memory_space<vmem>>, vector<1x16xf32>,
        %get3A_195 = vector.shape_cast %get3A_194 : vector<1x16xf32> to vector<16xf32>
        %max3A_196 = arith.maximumf %max3A_168, %get3A_195 : vector<16xf32>
        %add3A_197 = arith.constant 5 : i32
        %add3A_198 = arith.addi %mul3A_70, %add3A_197 : i32
        %get3A_199 = arith.index_cast %add3A_198 : i32 to index
        %get3A_200 = arith.constant 0 : index
        %get3A_201 = tpu.vector_load %arg4[%get3A_199, %get3A_200] {strides = array<i32>} : memref<400x64xf32, #tpu.memory_space<vmem>>, vector<1x16xf32>,
        %get3A_202 = vector.shape_cast %get3A_201 : vector<1x16xf32> to vector<16xf32>
        %max3A_203 = arith.maximumf %max3A_175, %get3A_202 : vector<16xf32>
        %add3A_204 = arith.constant 5 : i32
        %add3A_205 = arith.addi %mul3A_70, %add3A_204 : i32
        %get3A_206 = arith.index_cast %add3A_205 : i32 to index
        %get3A_207 = arith.constant 16 : index
        %get3A_208 = tpu.vector_load %arg4[%get3A_206, %get3A_207] {strides = array<i32>} : memref<400x64xf32, #tpu.memory_space<vmem>>, vector<1x16xf32>,
        %get3A_209 = vector.shape_cast %get3A_208 : vector<1x16xf32> to vector<16xf32>
        %max3A_210 = arith.maximumf %max3A_182, %get3A_209 : vector<16xf32>
        %add3A_211 = arith.constant 5 : i32
        %add3A_212 = arith.addi %mul3A_70, %add3A_211 : i32
        %get3A_213 = arith.index_cast %add3A_212 : i32 to index
        %get3A_214 = arith.constant 32 : index
        %get3A_215 = tpu.vector_load %arg4[%get3A_213, %get3A_214] {strides = array<i32>} : memref<400x64xf32, #tpu.memory_space<vmem>>, vector<1x16xf32>,
        %get3A_216 = vector.shape_cast %get3A_215 : vector<1x16xf32> to vector<16xf32>
        %max3A_217 = arith.maximumf %max3A_189, %get3A_216 : vector<16xf32>
        %add3A_218 = arith.constant 5 : i32
        %add3A_219 = arith.addi %mul3A_70, %add3A_218 : i32
        %get3A_220 = arith.index_cast %add3A_219 : i32 to index
        %get3A_221 = arith.constant 48 : index
        %get3A_222 = tpu.vector_load %arg4[%get3A_220, %get3A_221] {strides = array<i32>} : memref<400x64xf32, #tpu.memory_space<vmem>>, vector<1x16xf32>,
        %get3A_223 = vector.shape_cast %get3A_222 : vector<1x16xf32> to vector<16xf32>
        %max3A_224 = arith.maximumf %max3A_196, %get3A_223 : vector<16xf32>
        %add3A_225 = arith.constant 6 : i32
        %add3A_226 = arith.addi %mul3A_70, %add3A_225 : i32
        %get3A_227 = arith.index_cast %add3A_226 : i32 to index
        %get3A_228 = arith.constant 0 : index
        %get3A_229 = tpu.vector_load %arg4[%get3A_227, %get3A_228] {strides = array<i32>} : memref<400x64xf32, #tpu.memory_space<vmem>>, vector<1x16xf32>,
        %get3A_230 = vector.shape_cast %get3A_229 : vector<1x16xf32> to vector<16xf32>
        %max3A_231 = arith.maximumf %max3A_203, %get3A_230 : vector<16xf32>
        %add3A_232 = arith.constant 6 : i32
        %add3A_233 = arith.addi %mul3A_70, %add3A_232 : i32
        %get3A_234 = arith.index_cast %add3A_233 : i32 to index
        %get3A_235 = arith.constant 16 : index
        %get3A_236 = tpu.vector_load %arg4[%get3A_234, %get3A_235] {strides = array<i32>} : memref<400x64xf32, #tpu.memory_space<vmem>>, vector<1x16xf32>,
        %get3A_237 = vector.shape_cast %get3A_236 : vector<1x16xf32> to vector<16xf32>
        %max3A_238 = arith.maximumf %max3A_210, %get3A_237 : vector<16xf32>
        %add3A_239 = arith.constant 6 : i32
        %add3A_240 = arith.addi %mul3A_70, %add3A_239 : i32
        %get3A_241 = arith.index_cast %add3A_240 : i32 to index
        %get3A_242 = arith.constant 32 : index
        %get3A_243 = tpu.vector_load %arg4[%get3A_241, %get3A_242] {strides = array<i32>} : memref<400x64xf32, #tpu.memory_space<vmem>>, vector<1x16xf32>,
        %get3A_244 = vector.shape_cast %get3A_243 : vector<1x16xf32> to vector<16xf32>
        %max3A_245 = arith.maximumf %max3A_217, %get3A_244 : vector<16xf32>
        %add3A_246 = arith.constant 6 : i32
        %add3A_247 = arith.addi %mul3A_70, %add3A_246 : i32
        %get3A_248 = arith.index_cast %add3A_247 : i32 to index
        %get3A_249 = arith.constant 48 : index
        %get3A_250 = tpu.vector_load %arg4[%get3A_248, %get3A_249] {strides = array<i32>} : memref<400x64xf32, #tpu.memory_space<vmem>>, vector<1x16xf32>,
        %get3A_251 = vector.shape_cast %get3A_250 : vector<1x16xf32> to vector<16xf32>
        %max3A_252 = arith.maximumf %max3A_224, %get3A_251 : vector<16xf32>
        %add3A_253 = arith.constant 7 : i32
        %add3A_254 = arith.addi %mul3A_70, %add3A_253 : i32
        %get3A_255 = arith.index_cast %add3A_254 : i32 to index
        %get3A_256 = arith.constant 0 : index
        %get3A_257 = tpu.vector_load %arg4[%get3A_255, %get3A_256] {strides = array<i32>} : memref<400x64xf32, #tpu.memory_space<vmem>>, vector<1x16xf32>,
        %get3A_258 = vector.shape_cast %get3A_257 : vector<1x16xf32> to vector<16xf32>
        %max3A_259 = arith.maximumf %max3A_231, %get3A_258 : vector<16xf32>
        %add3A_260 = arith.constant 7 : i32
        %add3A_261 = arith.addi %mul3A_70, %add3A_260 : i32
        %get3A_262 = arith.index_cast %add3A_261 : i32 to index
        %get3A_263 = arith.constant 16 : index
        %get3A_264 = tpu.vector_load %arg4[%get3A_262, %get3A_263] {strides = array<i32>} : memref<400x64xf32, #tpu.memory_space<vmem>>, vector<1x16xf32>,
        %get3A_265 = vector.shape_cast %get3A_264 : vector<1x16xf32> to vector<16xf32>
        %max3A_266 = arith.maximumf %max3A_238, %get3A_265 : vector<16xf32>
        %add3A_267 = arith.constant 7 : i32
        %add3A_268 = arith.addi %mul3A_70, %add3A_267 : i32
        %get3A_269 = arith.index_cast %add3A_268 : i32 to index
        %get3A_270 = arith.constant 32 : index
        %get3A_271 = tpu.vector_load %arg4[%get3A_269, %get3A_270] {strides = array<i32>} : memref<400x64xf32, #tpu.memory_space<vmem>>, vector<1x16xf32>,
        %get3A_272 = vector.shape_cast %get3A_271 : vector<1x16xf32> to vector<16xf32>
        %max3A_273 = arith.maximumf %max3A_245, %get3A_272 : vector<16xf32>
        %add3A_274 = arith.constant 7 : i32
        %add3A_275 = arith.addi %mul3A_70, %add3A_274 : i32
        %get3A_276 = arith.index_cast %add3A_275 : i32 to index
        %get3A_277 = arith.constant 48 : index
        %get3A_278 = tpu.vector_load %arg4[%get3A_276, %get3A_277] {strides = array<i32>} : memref<400x64xf32, #tpu.memory_space<vmem>>, vector<1x16xf32>,
        %get3A_279 = vector.shape_cast %get3A_278 : vector<1x16xf32> to vector<16xf32>
        %max3A_280 = arith.maximumf %max3A_252, %get3A_279 : vector<16xf32>
        %add3A_281 = arith.constant 8 : i32
        %add3A_282 = arith.addi %mul3A_70, %add3A_281 : i32
        %get3A_283 = arith.index_cast %add3A_282 : i32 to index
        %get3A_284 = arith.constant 0 : index
        %get3A_285 = tpu.vector_load %arg4[%get3A_283, %get3A_284] {strides = array<i32>} : memref<400x64xf32, #tpu.memory_space<vmem>>, vector<1x16xf32>,
        %get3A_286 = vector.shape_cast %get3A_285 : vector<1x16xf32> to vector<16xf32>
        %max3A_287 = arith.maximumf %max3A_259, %get3A_286 : vector<16xf32>
        %add3A_288 = arith.constant 8 : i32
        %add3A_289 = arith.addi %mul3A_70, %add3A_288 : i32
        %get3A_290 = arith.index_cast %add3A_289 : i32 to index
        %get3A_291 = arith.constant 16 : index
        %get3A_292 = tpu.vector_load %arg4[%get3A_290, %get3A_291] {strides = array<i32>} : memref<400x64xf32, #tpu.memory_space<vmem>>, vector<1x16xf32>,
        %get3A_293 = vector.shape_cast %get3A_292 : vector<1x16xf32> to vector<16xf32>
        %max3A_294 = arith.maximumf %max3A_266, %get3A_293 : vector<16xf32>
        %add3A_295 = arith.constant 8 : i32
        %add3A_296 = arith.addi %mul3A_70, %add3A_295 : i32
        %get3A_297 = arith.index_cast %add3A_296 : i32 to index
        %get3A_298 = arith.constant 32 : index
        %get3A_299 = tpu.vector_load %arg4[%get3A_297, %get3A_298] {strides = array<i32>} : memref<400x64xf32, #tpu.memory_space<vmem>>, vector<1x16xf32>,
        %get3A_300 = vector.shape_cast %get3A_299 : vector<1x16xf32> to vector<16xf32>
        %max3A_301 = arith.maximumf %max3A_273, %get3A_300 : vector<16xf32>
        %add3A_302 = arith.constant 8 : i32
        %add3A_303 = arith.addi %mul3A_70, %add3A_302 : i32
        %get3A_304 = arith.index_cast %add3A_303 : i32 to index
        %get3A_305 = arith.constant 48 : index
        %get3A_306 = tpu.vector_load %arg4[%get3A_304, %get3A_305] {strides = array<i32>} : memref<400x64xf32, #tpu.memory_space<vmem>>, vector<1x16xf32>,
        %get3A_307 = vector.shape_cast %get3A_306 : vector<1x16xf32> to vector<16xf32>
        %max3A_308 = arith.maximumf %max3A_280, %get3A_307 : vector<16xf32>
        %add3A_309 = arith.constant 9 : i32
        %add3A_310 = arith.addi %mul3A_70, %add3A_309 : i32
        %get3A_311 = arith.index_cast %add3A_310 : i32 to index
        %get3A_312 = arith.constant 0 : index
        %get3A_313 = tpu.vector_load %arg4[%get3A_311, %get3A_312] {strides = array<i32>} : memref<400x64xf32, #tpu.memory_space<vmem>>, vector<1x16xf32>,
        %get3A_314 = vector.shape_cast %get3A_313 : vector<1x16xf32> to vector<16xf32>
        %max3A_315 = arith.maximumf %max3A_287, %get3A_314 : vector<16xf32>
        %add3A_316 = arith.constant 9 : i32
        %add3A_317 = arith.addi %mul3A_70, %add3A_316 : i32
        %get3A_318 = arith.index_cast %add3A_317 : i32 to index
        %get3A_319 = arith.constant 16 : index
        %get3A_320 = tpu.vector_load %arg4[%get3A_318, %get3A_319] {strides = array<i32>} : memref<400x64xf32, #tpu.memory_space<vmem>>, vector<1x16xf32>,
        %get3A_321 = vector.shape_cast %get3A_320 : vector<1x16xf32> to vector<16xf32>
        %max3A_322 = arith.maximumf %max3A_294, %get3A_321 : vector<16xf32>
        %add3A_323 = arith.constant 9 : i32
        %add3A_324 = arith.addi %mul3A_70, %add3A_323 : i32
        %get3A_325 = arith.index_cast %add3A_324 : i32 to index
        %get3A_326 = arith.constant 32 : index
        %get3A_327 = tpu.vector_load %arg4[%get3A_325, %get3A_326] {strides = array<i32>} : memref<400x64xf32, #tpu.memory_space<vmem>>, vector<1x16xf32>,
        %get3A_328 = vector.shape_cast %get3A_327 : vector<1x16xf32> to vector<16xf32>
        %max3A_329 = arith.maximumf %max3A_301, %get3A_328 : vector<16xf32>
        %add3A_330 = arith.constant 9 : i32
        %add3A_331 = arith.addi %mul3A_70, %add3A_330 : i32
        %get3A_332 = arith.index_cast %add3A_331 : i32 to index
        %get3A_333 = arith.constant 48 : index
        %get3A_334 = tpu.vector_load %arg4[%get3A_332, %get3A_333] {strides = array<i32>} : memref<400x64xf32, #tpu.memory_space<vmem>>, vector<1x16xf32>,
        %get3A_335 = vector.shape_cast %get3A_334 : vector<1x16xf32> to vector<16xf32>
        %max3A_336 = arith.maximumf %max3A_308, %get3A_335 : vector<16xf32>
        %add3A_337 = arith.constant 10 : i32
        %add3A_338 = arith.addi %mul3A_70, %add3A_337 : i32
        %get3A_339 = arith.index_cast %add3A_338 : i32 to index
        %get3A_340 = arith.constant 0 : index
        %get3A_341 = tpu.vector_load %arg4[%get3A_339, %get3A_340] {strides = array<i32>} : memref<400x64xf32, #tpu.memory_space<vmem>>, vector<1x16xf32>,
        %get3A_342 = vector.shape_cast %get3A_341 : vector<1x16xf32> to vector<16xf32>
        %max3A_343 = arith.maximumf %max3A_315, %get3A_342 : vector<16xf32>
        %add3A_344 = arith.constant 10 : i32
        %add3A_345 = arith.addi %mul3A_70, %add3A_344 : i32
        %get3A_346 = arith.index_cast %add3A_345 : i32 to index
        %get3A_347 = arith.constant 16 : index
        %get3A_348 = tpu.vector_load %arg4[%get3A_346, %get3A_347] {strides = array<i32>} : memref<400x64xf32, #tpu.memory_space<vmem>>, vector<1x16xf32>,
        %get3A_349 = vector.shape_cast %get3A_348 : vector<1x16xf32> to vector<16xf32>
        %max3A_350 = arith.maximumf %max3A_322, %get3A_349 : vector<16xf32>
        %add3A_351 = arith.constant 10 : i32
        %add3A_352 = arith.addi %mul3A_70, %add3A_351 : i32
        %get3A_353 = arith.index_cast %add3A_352 : i32 to index
        %get3A_354 = arith.constant 32 : index
        %get3A_355 = tpu.vector_load %arg4[%get3A_353, %get3A_354] {strides = array<i32>} : memref<400x64xf32, #tpu.memory_space<vmem>>, vector<1x16xf32>,
        %get3A_356 = vector.shape_cast %get3A_355 : vector<1x16xf32> to vector<16xf32>
        %max3A_357 = arith.maximumf %max3A_329, %get3A_356 : vector<16xf32>
        %add3A_358 = arith.constant 10 : i32
        %add3A_359 = arith.addi %mul3A_70, %add3A_358 : i32
        %get3A_360 = arith.index_cast %add3A_359 : i32 to index
        %get3A_361 = arith.constant 48 : index
        %get3A_362 = tpu.vector_load %arg4[%get3A_360, %get3A_361] {strides = array<i32>} : memref<400x64xf32, #tpu.memory_space<vmem>>, vector<1x16xf32>,
        %get3A_363 = vector.shape_cast %get3A_362 : vector<1x16xf32> to vector<16xf32>
        %max3A_364 = arith.maximumf %max3A_336, %get3A_363 : vector<16xf32>
        %add3A_365 = arith.constant 11 : i32
        %add3A_366 = arith.addi %mul3A_70, %add3A_365 : i32
        %get3A_367 = arith.index_cast %add3A_366 : i32 to index
        %get3A_368 = arith.constant 0 : index
        %get3A_369 = tpu.vector_load %arg4[%get3A_367, %get3A_368] {strides = array<i32>} : memref<400x64xf32, #tpu.memory_space<vmem>>, vector<1x16xf32>,
        %get3A_370 = vector.shape_cast %get3A_369 : vector<1x16xf32> to vector<16xf32>
        %max3A_371 = arith.maximumf %max3A_343, %get3A_370 : vector<16xf32>
        %add3A_372 = arith.constant 11 : i32
        %add3A_373 = arith.addi %mul3A_70, %add3A_372 : i32
        %get3A_374 = arith.index_cast %add3A_373 : i32 to index
        %get3A_375 = arith.constant 16 : index
        %get3A_376 = tpu.vector_load %arg4[%get3A_374, %get3A_375] {strides = array<i32>} : memref<400x64xf32, #tpu.memory_space<vmem>>, vector<1x16xf32>,
        %get3A_377 = vector.shape_cast %get3A_376 : vector<1x16xf32> to vector<16xf32>
        %max3A_378 = arith.maximumf %max3A_350, %get3A_377 : vector<16xf32>
        %add3A_379 = arith.constant 11 : i32
        %add3A_380 = arith.addi %mul3A_70, %add3A_379 : i32
        %get3A_381 = arith.index_cast %add3A_380 : i32 to index
        %get3A_382 = arith.constant 32 : index
        %get3A_383 = tpu.vector_load %arg4[%get3A_381, %get3A_382] {strides = array<i32>} : memref<400x64xf32, #tpu.memory_space<vmem>>, vector<1x16xf32>,
        %get3A_384 = vector.shape_cast %get3A_383 : vector<1x16xf32> to vector<16xf32>
        %max3A_385 = arith.maximumf %max3A_357, %get3A_384 : vector<16xf32>
        %add3A_386 = arith.constant 11 : i32
        %add3A_387 = arith.addi %mul3A_70, %add3A_386 : i32
        %get3A_388 = arith.index_cast %add3A_387 : i32 to index
        %get3A_389 = arith.constant 48 : index
        %get3A_390 = tpu.vector_load %arg4[%get3A_388, %get3A_389] {strides = array<i32>} : memref<400x64xf32, #tpu.memory_space<vmem>>, vector<1x16xf32>,
        %get3A_391 = vector.shape_cast %get3A_390 : vector<1x16xf32> to vector<16xf32>
        %max3A_392 = arith.maximumf %max3A_364, %get3A_391 : vector<16xf32>
        %add3A_393 = arith.constant 12 : i32
        %add3A_394 = arith.addi %mul3A_70, %add3A_393 : i32
        %get3A_395 = arith.index_cast %add3A_394 : i32 to index
        %get3A_396 = arith.constant 0 : index
        %get3A_397 = tpu.vector_load %arg4[%get3A_395, %get3A_396] {strides = array<i32>} : memref<400x64xf32, #tpu.memory_space<vmem>>, vector<1x16xf32>,
        %get3A_398 = vector.shape_cast %get3A_397 : vector<1x16xf32> to vector<16xf32>
        %max3A_399 = arith.maximumf %max3A_371, %get3A_398 : vector<16xf32>
        %add3A_400 = arith.constant 12 : i32
        %add3A_401 = arith.addi %mul3A_70, %add3A_400 : i32
        %get3A_402 = arith.index_cast %add3A_401 : i32 to index
        %get3A_403 = arith.constant 16 : index
        %get3A_404 = tpu.vector_load %arg4[%get3A_402, %get3A_403] {strides = array<i32>} : memref<400x64xf32, #tpu.memory_space<vmem>>, vector<1x16xf32>,
        %get3A_405 = vector.shape_cast %get3A_404 : vector<1x16xf32> to vector<16xf32>
        %max3A_406 = arith.maximumf %max3A_378, %get3A_405 : vector<16xf32>
        %add3A_407 = arith.constant 12 : i32
        %add3A_408 = arith.addi %mul3A_70, %add3A_407 : i32
        %get3A_409 = arith.index_cast %add3A_408 : i32 to index
        %get3A_410 = arith.constant 32 : index
        %get3A_411 = tpu.vector_load %arg4[%get3A_409, %get3A_410] {strides = array<i32>} : memref<400x64xf32, #tpu.memory_space<vmem>>, vector<1x16xf32>,
        %get3A_412 = vector.shape_cast %get3A_411 : vector<1x16xf32> to vector<16xf32>
        %max3A_413 = arith.maximumf %max3A_385, %get3A_412 : vector<16xf32>
        %add3A_414 = arith.constant 12 : i32
        %add3A_415 = arith.addi %mul3A_70, %add3A_414 : i32
        %get3A_416 = arith.index_cast %add3A_415 : i32 to index
        %get3A_417 = arith.constant 48 : index
        %get3A_418 = tpu.vector_load %arg4[%get3A_416, %get3A_417] {strides = array<i32>} : memref<400x64xf32, #tpu.memory_space<vmem>>, vector<1x16xf32>,
        %get3A_419 = vector.shape_cast %get3A_418 : vector<1x16xf32> to vector<16xf32>
        %max3A_420 = arith.maximumf %max3A_392, %get3A_419 : vector<16xf32>
        %add3A_421 = arith.constant 13 : i32
        %add3A_422 = arith.addi %mul3A_70, %add3A_421 : i32
        %get3A_423 = arith.index_cast %add3A_422 : i32 to index
        %get3A_424 = arith.constant 0 : index
        %get3A_425 = tpu.vector_load %arg4[%get3A_423, %get3A_424] {strides = array<i32>} : memref<400x64xf32, #tpu.memory_space<vmem>>, vector<1x16xf32>,
        %get3A_426 = vector.shape_cast %get3A_425 : vector<1x16xf32> to vector<16xf32>
        %max3A_427 = arith.maximumf %max3A_399, %get3A_426 : vector<16xf32>
        %add3A_428 = arith.constant 13 : i32
        %add3A_429 = arith.addi %mul3A_70, %add3A_428 : i32
        %get3A_430 = arith.index_cast %add3A_429 : i32 to index
        %get3A_431 = arith.constant 16 : index
        %get3A_432 = tpu.vector_load %arg4[%get3A_430, %get3A_431] {strides = array<i32>} : memref<400x64xf32, #tpu.memory_space<vmem>>, vector<1x16xf32>,
        %get3A_433 = vector.shape_cast %get3A_432 : vector<1x16xf32> to vector<16xf32>
        %max3A_434 = arith.maximumf %max3A_406, %get3A_433 : vector<16xf32>
        %add3A_435 = arith.constant 13 : i32
        %add3A_436 = arith.addi %mul3A_70, %add3A_435 : i32
        %get3A_437 = arith.index_cast %add3A_436 : i32 to index
        %get3A_438 = arith.constant 32 : index
        %get3A_439 = tpu.vector_load %arg4[%get3A_437, %get3A_438] {strides = array<i32>} : memref<400x64xf32, #tpu.memory_space<vmem>>, vector<1x16xf32>,
        %get3A_440 = vector.shape_cast %get3A_439 : vector<1x16xf32> to vector<16xf32>
        %max3A_441 = arith.maximumf %max3A_413, %get3A_440 : vector<16xf32>
        %add3A_442 = arith.constant 13 : i32
        %add3A_443 = arith.addi %mul3A_70, %add3A_442 : i32
        %get3A_444 = arith.index_cast %add3A_443 : i32 to index
        %get3A_445 = arith.constant 48 : index
        %get3A_446 = tpu.vector_load %arg4[%get3A_444, %get3A_445] {strides = array<i32>} : memref<400x64xf32, #tpu.memory_space<vmem>>, vector<1x16xf32>,
        %get3A_447 = vector.shape_cast %get3A_446 : vector<1x16xf32> to vector<16xf32>
        %max3A_448 = arith.maximumf %max3A_420, %get3A_447 : vector<16xf32>
        %add3A_449 = arith.constant 14 : i32
        %add3A_450 = arith.addi %mul3A_70, %add3A_449 : i32
        %get3A_451 = arith.index_cast %add3A_450 : i32 to index
        %get3A_452 = arith.constant 0 : index
        %get3A_453 = tpu.vector_load %arg4[%get3A_451, %get3A_452] {strides = array<i32>} : memref<400x64xf32, #tpu.memory_space<vmem>>, vector<1x16xf32>,
        %get3A_454 = vector.shape_cast %get3A_453 : vector<1x16xf32> to vector<16xf32>
        %max3A_455 = arith.maximumf %max3A_427, %get3A_454 : vector<16xf32>
        %add3A_456 = arith.constant 14 : i32
        %add3A_457 = arith.addi %mul3A_70, %add3A_456 : i32
        %get3A_458 = arith.index_cast %add3A_457 : i32 to index
        %get3A_459 = arith.constant 16 : index
        %get3A_460 = tpu.vector_load %arg4[%get3A_458, %get3A_459] {strides = array<i32>} : memref<400x64xf32, #tpu.memory_space<vmem>>, vector<1x16xf32>,
        %get3A_461 = vector.shape_cast %get3A_460 : vector<1x16xf32> to vector<16xf32>
        %max3A_462 = arith.maximumf %max3A_434, %get3A_461 : vector<16xf32>
        %add3A_463 = arith.constant 14 : i32
        %add3A_464 = arith.addi %mul3A_70, %add3A_463 : i32
        %get3A_465 = arith.index_cast %add3A_464 : i32 to index
        %get3A_466 = arith.constant 32 : index
        %get3A_467 = tpu.vector_load %arg4[%get3A_465, %get3A_466] {strides = array<i32>} : memref<400x64xf32, #tpu.memory_space<vmem>>, vector<1x16xf32>,
        %get3A_468 = vector.shape_cast %get3A_467 : vector<1x16xf32> to vector<16xf32>
        %max3A_469 = arith.maximumf %max3A_441, %get3A_468 : vector<16xf32>
        %add3A_470 = arith.constant 14 : i32
        %add3A_471 = arith.addi %mul3A_70, %add3A_470 : i32
        %get3A_472 = arith.index_cast %add3A_471 : i32 to index
        %get3A_473 = arith.constant 48 : index
        %get3A_474 = tpu.vector_load %arg4[%get3A_472, %get3A_473] {strides = array<i32>} : memref<400x64xf32, #tpu.memory_space<vmem>>, vector<1x16xf32>,
        %get3A_475 = vector.shape_cast %get3A_474 : vector<1x16xf32> to vector<16xf32>
        %max3A_476 = arith.maximumf %max3A_448, %get3A_475 : vector<16xf32>
        %add3A_477 = arith.constant 15 : i32
        %add3A_478 = arith.addi %mul3A_70, %add3A_477 : i32
        %get3A_479 = arith.index_cast %add3A_478 : i32 to index
        %get3A_480 = arith.constant 0 : index
        %get3A_481 = tpu.vector_load %arg4[%get3A_479, %get3A_480] {strides = array<i32>} : memref<400x64xf32, #tpu.memory_space<vmem>>, vector<1x16xf32>,
        %get3A_482 = vector.shape_cast %get3A_481 : vector<1x16xf32> to vector<16xf32>
        %max3A_483 = arith.maximumf %max3A_455, %get3A_482 : vector<16xf32>
        %add3A_484 = arith.constant 15 : i32
        %add3A_485 = arith.addi %mul3A_70, %add3A_484 : i32
        %get3A_486 = arith.index_cast %add3A_485 : i32 to index
        %get3A_487 = arith.constant 16 : index
        %get3A_488 = tpu.vector_load %arg4[%get3A_486, %get3A_487] {strides = array<i32>} : memref<400x64xf32, #tpu.memory_space<vmem>>, vector<1x16xf32>,
        %get3A_489 = vector.shape_cast %get3A_488 : vector<1x16xf32> to vector<16xf32>
        %max3A_490 = arith.maximumf %max3A_462, %get3A_489 : vector<16xf32>
        %add3A_491 = arith.constant 15 : i32
        %add3A_492 = arith.addi %mul3A_70, %add3A_491 : i32
        %get3A_493 = arith.index_cast %add3A_492 : i32 to index
        %get3A_494 = arith.constant 32 : index
        %get3A_495 = tpu.vector_load %arg4[%get3A_493, %get3A_494] {strides = array<i32>} : memref<400x64xf32, #tpu.memory_space<vmem>>, vector<1x16xf32>,
        %get3A_496 = vector.shape_cast %get3A_495 : vector<1x16xf32> to vector<16xf32>
        %max3A_497 = arith.maximumf %max3A_469, %get3A_496 : vector<16xf32>
        %add3A_498 = arith.constant 15 : i32
        %add3A_499 = arith.addi %mul3A_70, %add3A_498 : i32
        %get3A_500 = arith.index_cast %add3A_499 : i32 to index
        %get3A_501 = arith.constant 48 : index
        %get3A_502 = tpu.vector_load %arg4[%get3A_500, %get3A_501] {strides = array<i32>} : memref<400x64xf32, #tpu.memory_space<vmem>>, vector<1x16xf32>,
        %get3A_503 = vector.shape_cast %get3A_502 : vector<1x16xf32> to vector<16xf32>
        %max3A_504 = arith.maximumf %max3A_476, %get3A_503 : vector<16xf32>
        %add3A_505 = arith.constant 16 : i32
        %add3A_506 = arith.addi %mul3A_70, %add3A_505 : i32
        %get3A_507 = arith.index_cast %add3A_506 : i32 to index
        %get3A_508 = arith.constant 0 : index
        %get3A_509 = tpu.vector_load %arg4[%get3A_507, %get3A_508] {strides = array<i32>} : memref<400x64xf32, #tpu.memory_space<vmem>>, vector<1x16xf32>,
        %get3A_510 = vector.shape_cast %get3A_509 : vector<1x16xf32> to vector<16xf32>
        %max3A_511 = arith.maximumf %max3A_483, %get3A_510 : vector<16xf32>
        %add3A_512 = arith.constant 16 : i32
        %add3A_513 = arith.addi %mul3A_70, %add3A_512 : i32
        %get3A_514 = arith.index_cast %add3A_513 : i32 to index
        %get3A_515 = arith.constant 16 : index
        %get3A_516 = tpu.vector_load %arg4[%get3A_514, %get3A_515] {strides = array<i32>} : memref<400x64xf32, #tpu.memory_space<vmem>>, vector<1x16xf32>,
        %get3A_517 = vector.shape_cast %get3A_516 : vector<1x16xf32> to vector<16xf32>
        %max3A_518 = arith.maximumf %max3A_490, %get3A_517 : vector<16xf32>
        %add3A_519 = arith.constant 16 : i32
        %add3A_520 = arith.addi %mul3A_70, %add3A_519 : i32
        %get3A_521 = arith.index_cast %add3A_520 : i32 to index
        %get3A_522 = arith.constant 32 : index
        %get3A_523 = tpu.vector_load %arg4[%get3A_521, %get3A_522] {strides = array<i32>} : memref<400x64xf32, #tpu.memory_space<vmem>>, vector<1x16xf32>,
        %get3A_524 = vector.shape_cast %get3A_523 : vector<1x16xf32> to vector<16xf32>
        %max3A_525 = arith.maximumf %max3A_497, %get3A_524 : vector<16xf32>
        %add3A_526 = arith.constant 16 : i32
        %add3A_527 = arith.addi %mul3A_70, %add3A_526 : i32
        %get3A_528 = arith.index_cast %add3A_527 : i32 to index
        %get3A_529 = arith.constant 48 : index
        %get3A_530 = tpu.vector_load %arg4[%get3A_528, %get3A_529] {strides = array<i32>} : memref<400x64xf32, #tpu.memory_space<vmem>>, vector<1x16xf32>,
        %get3A_531 = vector.shape_cast %get3A_530 : vector<1x16xf32> to vector<16xf32>
        %max3A_532 = arith.maximumf %max3A_504, %get3A_531 : vector<16xf32>
        %add3A_533 = arith.constant 17 : i32
        %add3A_534 = arith.addi %mul3A_70, %add3A_533 : i32
        %get3A_535 = arith.index_cast %add3A_534 : i32 to index
        %get3A_536 = arith.constant 0 : index
        %get3A_537 = tpu.vector_load %arg4[%get3A_535, %get3A_536] {strides = array<i32>} : memref<400x64xf32, #tpu.memory_space<vmem>>, vector<1x16xf32>,
        %get3A_538 = vector.shape_cast %get3A_537 : vector<1x16xf32> to vector<16xf32>
        %max3A_539 = arith.maximumf %max3A_511, %get3A_538 : vector<16xf32>
        %add3A_540 = arith.constant 17 : i32
        %add3A_541 = arith.addi %mul3A_70, %add3A_540 : i32
        %get3A_542 = arith.index_cast %add3A_541 : i32 to index
        %get3A_543 = arith.constant 16 : index
        %get3A_544 = tpu.vector_load %arg4[%get3A_542, %get3A_543] {strides = array<i32>} : memref<400x64xf32, #tpu.memory_space<vmem>>, vector<1x16xf32>,
        %get3A_545 = vector.shape_cast %get3A_544 : vector<1x16xf32> to vector<16xf32>
        %max3A_546 = arith.maximumf %max3A_518, %get3A_545 : vector<16xf32>
        %add3A_547 = arith.constant 17 : i32
        %add3A_548 = arith.addi %mul3A_70, %add3A_547 : i32
        %get3A_549 = arith.index_cast %add3A_548 : i32 to index
        %get3A_550 = arith.constant 32 : index
        %get3A_551 = tpu.vector_load %arg4[%get3A_549, %get3A_550] {strides = array<i32>} : memref<400x64xf32, #tpu.memory_space<vmem>>, vector<1x16xf32>,
        %get3A_552 = vector.shape_cast %get3A_551 : vector<1x16xf32> to vector<16xf32>
        %max3A_553 = arith.maximumf %max3A_525, %get3A_552 : vector<16xf32>
        %add3A_554 = arith.constant 17 : i32
        %add3A_555 = arith.addi %mul3A_70, %add3A_554 : i32
        %get3A_556 = arith.index_cast %add3A_555 : i32 to index
        %get3A_557 = arith.constant 48 : index
        %get3A_558 = tpu.vector_load %arg4[%get3A_556, %get3A_557] {strides = array<i32>} : memref<400x64xf32, #tpu.memory_space<vmem>>, vector<1x16xf32>,
        %get3A_559 = vector.shape_cast %get3A_558 : vector<1x16xf32> to vector<16xf32>
        %max3A_560 = arith.maximumf %max3A_532, %get3A_559 : vector<16xf32>
        %add3A_561 = arith.constant 18 : i32
        %add3A_562 = arith.addi %mul3A_70, %add3A_561 : i32
        %get3A_563 = arith.index_cast %add3A_562 : i32 to index
        %get3A_564 = arith.constant 0 : index
        %get3A_565 = tpu.vector_load %arg4[%get3A_563, %get3A_564] {strides = array<i32>} : memref<400x64xf32, #tpu.memory_space<vmem>>, vector<1x16xf32>,
        %get3A_566 = vector.shape_cast %get3A_565 : vector<1x16xf32> to vector<16xf32>
        %max3A_567 = arith.maximumf %max3A_539, %get3A_566 : vector<16xf32>
        %add3A_568 = arith.constant 18 : i32
        %add3A_569 = arith.addi %mul3A_70, %add3A_568 : i32
        %get3A_570 = arith.index_cast %add3A_569 : i32 to index
        %get3A_571 = arith.constant 16 : index
        %get3A_572 = tpu.vector_load %arg4[%get3A_570, %get3A_571] {strides = array<i32>} : memref<400x64xf32, #tpu.memory_space<vmem>>, vector<1x16xf32>,
        %get3A_573 = vector.shape_cast %get3A_572 : vector<1x16xf32> to vector<16xf32>
        %max3A_574 = arith.maximumf %max3A_546, %get3A_573 : vector<16xf32>
        %add3A_575 = arith.constant 18 : i32
        %add3A_576 = arith.addi %mul3A_70, %add3A_575 : i32
        %get3A_577 = arith.index_cast %add3A_576 : i32 to index
        %get3A_578 = arith.constant 32 : index
        %get3A_579 = tpu.vector_load %arg4[%get3A_577, %get3A_578] {strides = array<i32>} : memref<400x64xf32, #tpu.memory_space<vmem>>, vector<1x16xf32>,
        %get3A_580 = vector.shape_cast %get3A_579 : vector<1x16xf32> to vector<16xf32>
        %max3A_581 = arith.maximumf %max3A_553, %get3A_580 : vector<16xf32>
        %add3A_582 = arith.constant 18 : i32
        %add3A_583 = arith.addi %mul3A_70, %add3A_582 : i32
        %get3A_584 = arith.index_cast %add3A_583 : i32 to index
        %get3A_585 = arith.constant 48 : index
        %get3A_586 = tpu.vector_load %arg4[%get3A_584, %get3A_585] {strides = array<i32>} : memref<400x64xf32, #tpu.memory_space<vmem>>, vector<1x16xf32>,
        %get3A_587 = vector.shape_cast %get3A_586 : vector<1x16xf32> to vector<16xf32>
        %max3A_588 = arith.maximumf %max3A_560, %get3A_587 : vector<16xf32>
        %add3A_589 = arith.constant 19 : i32
        %add3A_590 = arith.addi %mul3A_70, %add3A_589 : i32
        %get3A_591 = arith.index_cast %add3A_590 : i32 to index
        %get3A_592 = arith.constant 0 : index
        %get3A_593 = tpu.vector_load %arg4[%get3A_591, %get3A_592] {strides = array<i32>} : memref<400x64xf32, #tpu.memory_space<vmem>>, vector<1x16xf32>,
        %get3A_594 = vector.shape_cast %get3A_593 : vector<1x16xf32> to vector<16xf32>
        %max3A_595 = arith.maximumf %max3A_567, %get3A_594 : vector<16xf32>
        %add3A_596 = arith.constant 19 : i32
        %add3A_597 = arith.addi %mul3A_70, %add3A_596 : i32
        %get3A_598 = arith.index_cast %add3A_597 : i32 to index
        %get3A_599 = arith.constant 16 : index
        %get3A_600 = tpu.vector_load %arg4[%get3A_598, %get3A_599] {strides = array<i32>} : memref<400x64xf32, #tpu.memory_space<vmem>>, vector<1x16xf32>,
        %get3A_601 = vector.shape_cast %get3A_600 : vector<1x16xf32> to vector<16xf32>
        %max3A_602 = arith.maximumf %max3A_574, %get3A_601 : vector<16xf32>
        %add3A_603 = arith.constant 19 : i32
        %add3A_604 = arith.addi %mul3A_70, %add3A_603 : i32
        %get3A_605 = arith.index_cast %add3A_604 : i32 to index
        %get3A_606 = arith.constant 32 : index
        %get3A_607 = tpu.vector_load %arg4[%get3A_605, %get3A_606] {strides = array<i32>} : memref<400x64xf32, #tpu.memory_space<vmem>>, vector<1x16xf32>,
        %get3A_608 = vector.shape_cast %get3A_607 : vector<1x16xf32> to vector<16xf32>
        %max3A_609 = arith.maximumf %max3A_581, %get3A_608 : vector<16xf32>
        %add3A_610 = arith.constant 19 : i32
        %add3A_611 = arith.addi %mul3A_70, %add3A_610 : i32
        %get3A_612 = arith.index_cast %add3A_611 : i32 to index
        %get3A_613 = arith.constant 48 : index
        %get3A_614 = tpu.vector_load %arg4[%get3A_612, %get3A_613] {strides = array<i32>} : memref<400x64xf32, #tpu.memory_space<vmem>>, vector<1x16xf32>,
        %get3A_615 = vector.shape_cast %get3A_614 : vector<1x16xf32> to vector<16xf32>
        %max3A_616 = arith.maximumf %max3A_588, %get3A_615 : vector<16xf32>
        %add3A_617 = arith.constant 20 : i32
        %add3A_618 = arith.addi %mul3A_70, %add3A_617 : i32
        %get3A_619 = arith.index_cast %add3A_618 : i32 to index
        %get3A_620 = arith.constant 0 : index
        %get3A_621 = tpu.vector_load %arg4[%get3A_619, %get3A_620] {strides = array<i32>} : memref<400x64xf32, #tpu.memory_space<vmem>>, vector<1x16xf32>,
        %get3A_622 = vector.shape_cast %get3A_621 : vector<1x16xf32> to vector<16xf32>
        %max3A_623 = arith.maximumf %max3A_595, %get3A_622 : vector<16xf32>
        %add3A_624 = arith.constant 20 : i32
        %add3A_625 = arith.addi %mul3A_70, %add3A_624 : i32
        %get3A_626 = arith.index_cast %add3A_625 : i32 to index
        %get3A_627 = arith.constant 16 : index
        %get3A_628 = tpu.vector_load %arg4[%get3A_626, %get3A_627] {strides = array<i32>} : memref<400x64xf32, #tpu.memory_space<vmem>>, vector<1x16xf32>,
        %get3A_629 = vector.shape_cast %get3A_628 : vector<1x16xf32> to vector<16xf32>
        %max3A_630 = arith.maximumf %max3A_602, %get3A_629 : vector<16xf32>
        %add3A_631 = arith.constant 20 : i32
        %add3A_632 = arith.addi %mul3A_70, %add3A_631 : i32
        %get3A_633 = arith.index_cast %add3A_632 : i32 to index
        %get3A_634 = arith.constant 32 : index
        %get3A_635 = tpu.vector_load %arg4[%get3A_633, %get3A_634] {strides = array<i32>} : memref<400x64xf32, #tpu.memory_space<vmem>>, vector<1x16xf32>,
        %get3A_636 = vector.shape_cast %get3A_635 : vector<1x16xf32> to vector<16xf32>
        %max3A_637 = arith.maximumf %max3A_609, %get3A_636 : vector<16xf32>
        %add3A_638 = arith.constant 20 : i32
        %add3A_639 = arith.addi %mul3A_70, %add3A_638 : i32
        %get3A_640 = arith.index_cast %add3A_639 : i32 to index
        %get3A_641 = arith.constant 48 : index
        %get3A_642 = tpu.vector_load %arg4[%get3A_640, %get3A_641] {strides = array<i32>} : memref<400x64xf32, #tpu.memory_space<vmem>>, vector<1x16xf32>,
        %get3A_643 = vector.shape_cast %get3A_642 : vector<1x16xf32> to vector<16xf32>
        %max3A_644 = arith.maximumf %max3A_616, %get3A_643 : vector<16xf32>
        %add3A_645 = arith.constant 21 : i32
        %add3A_646 = arith.addi %mul3A_70, %add3A_645 : i32
        %get3A_647 = arith.index_cast %add3A_646 : i32 to index
        %get3A_648 = arith.constant 0 : index
        %get3A_649 = tpu.vector_load %arg4[%get3A_647, %get3A_648] {strides = array<i32>} : memref<400x64xf32, #tpu.memory_space<vmem>>, vector<1x16xf32>,
        %get3A_650 = vector.shape_cast %get3A_649 : vector<1x16xf32> to vector<16xf32>
        %max3A_651 = arith.maximumf %max3A_623, %get3A_650 : vector<16xf32>
        %add3A_652 = arith.constant 21 : i32
        %add3A_653 = arith.addi %mul3A_70, %add3A_652 : i32
        %get3A_654 = arith.index_cast %add3A_653 : i32 to index
        %get3A_655 = arith.constant 16 : index
        %get3A_656 = tpu.vector_load %arg4[%get3A_654, %get3A_655] {strides = array<i32>} : memref<400x64xf32, #tpu.memory_space<vmem>>, vector<1x16xf32>,
        %get3A_657 = vector.shape_cast %get3A_656 : vector<1x16xf32> to vector<16xf32>
        %max3A_658 = arith.maximumf %max3A_630, %get3A_657 : vector<16xf32>
        %add3A_659 = arith.constant 21 : i32
        %add3A_660 = arith.addi %mul3A_70, %add3A_659 : i32
        %get3A_661 = arith.index_cast %add3A_660 : i32 to index
        %get3A_662 = arith.constant 32 : index
        %get3A_663 = tpu.vector_load %arg4[%get3A_661, %get3A_662] {strides = array<i32>} : memref<400x64xf32, #tpu.memory_space<vmem>>, vector<1x16xf32>,
        %get3A_664 = vector.shape_cast %get3A_663 : vector<1x16xf32> to vector<16xf32>
        %max3A_665 = arith.maximumf %max3A_637, %get3A_664 : vector<16xf32>
        %add3A_666 = arith.constant 21 : i32
        %add3A_667 = arith.addi %mul3A_70, %add3A_666 : i32
        %get3A_668 = arith.index_cast %add3A_667 : i32 to index
        %get3A_669 = arith.constant 48 : index
        %get3A_670 = tpu.vector_load %arg4[%get3A_668, %get3A_669] {strides = array<i32>} : memref<400x64xf32, #tpu.memory_space<vmem>>, vector<1x16xf32>,
        %get3A_671 = vector.shape_cast %get3A_670 : vector<1x16xf32> to vector<16xf32>
        %max3A_672 = arith.maximumf %max3A_644, %get3A_671 : vector<16xf32>
        %add3A_673 = arith.constant 22 : i32
        %add3A_674 = arith.addi %mul3A_70, %add3A_673 : i32
        %get3A_675 = arith.index_cast %add3A_674 : i32 to index
        %get3A_676 = arith.constant 0 : index
        %get3A_677 = tpu.vector_load %arg4[%get3A_675, %get3A_676] {strides = array<i32>} : memref<400x64xf32, #tpu.memory_space<vmem>>, vector<1x16xf32>,
        %get3A_678 = vector.shape_cast %get3A_677 : vector<1x16xf32> to vector<16xf32>
        %max3A_679 = arith.maximumf %max3A_651, %get3A_678 : vector<16xf32>
        %add3A_680 = arith.constant 22 : i32
        %add3A_681 = arith.addi %mul3A_70, %add3A_680 : i32
        %get3A_682 = arith.index_cast %add3A_681 : i32 to index
        %get3A_683 = arith.constant 16 : index
        %get3A_684 = tpu.vector_load %arg4[%get3A_682, %get3A_683] {strides = array<i32>} : memref<400x64xf32, #tpu.memory_space<vmem>>, vector<1x16xf32>,
        %get3A_685 = vector.shape_cast %get3A_684 : vector<1x16xf32> to vector<16xf32>
        %max3A_686 = arith.maximumf %max3A_658, %get3A_685 : vector<16xf32>
        %add3A_687 = arith.constant 22 : i32
        %add3A_688 = arith.addi %mul3A_70, %add3A_687 : i32
        %get3A_689 = arith.index_cast %add3A_688 : i32 to index
        %get3A_690 = arith.constant 32 : index
        %get3A_691 = tpu.vector_load %arg4[%get3A_689, %get3A_690] {strides = array<i32>} : memref<400x64xf32, #tpu.memory_space<vmem>>, vector<1x16xf32>,
        %get3A_692 = vector.shape_cast %get3A_691 : vector<1x16xf32> to vector<16xf32>
        %max3A_693 = arith.maximumf %max3A_665, %get3A_692 : vector<16xf32>
        %add3A_694 = arith.constant 22 : i32
        %add3A_695 = arith.addi %mul3A_70, %add3A_694 : i32
        %get3A_696 = arith.index_cast %add3A_695 : i32 to index
        %get3A_697 = arith.constant 48 : index
        %get3A_698 = tpu.vector_load %arg4[%get3A_696, %get3A_697] {strides = array<i32>} : memref<400x64xf32, #tpu.memory_space<vmem>>, vector<1x16xf32>,
        %get3A_699 = vector.shape_cast %get3A_698 : vector<1x16xf32> to vector<16xf32>
        %max3A_700 = arith.maximumf %max3A_672, %get3A_699 : vector<16xf32>
        %add3A_701 = arith.constant 23 : i32
        %add3A_702 = arith.addi %mul3A_70, %add3A_701 : i32
        %get3A_703 = arith.index_cast %add3A_702 : i32 to index
        %get3A_704 = arith.constant 0 : index
        %get3A_705 = tpu.vector_load %arg4[%get3A_703, %get3A_704] {strides = array<i32>} : memref<400x64xf32, #tpu.memory_space<vmem>>, vector<1x16xf32>,
        %get3A_706 = vector.shape_cast %get3A_705 : vector<1x16xf32> to vector<16xf32>
        %max3A_707 = arith.maximumf %max3A_679, %get3A_706 : vector<16xf32>
        %add3A_708 = arith.constant 23 : i32
        %add3A_709 = arith.addi %mul3A_70, %add3A_708 : i32
        %get3A_710 = arith.index_cast %add3A_709 : i32 to index
        %get3A_711 = arith.constant 16 : index
        %get3A_712 = tpu.vector_load %arg4[%get3A_710, %get3A_711] {strides = array<i32>} : memref<400x64xf32, #tpu.memory_space<vmem>>, vector<1x16xf32>,
        %get3A_713 = vector.shape_cast %get3A_712 : vector<1x16xf32> to vector<16xf32>
        %max3A_714 = arith.maximumf %max3A_686, %get3A_713 : vector<16xf32>
        %add3A_715 = arith.constant 23 : i32
        %add3A_716 = arith.addi %mul3A_70, %add3A_715 : i32
        %get3A_717 = arith.index_cast %add3A_716 : i32 to index
        %get3A_718 = arith.constant 32 : index
        %get3A_719 = tpu.vector_load %arg4[%get3A_717, %get3A_718] {strides = array<i32>} : memref<400x64xf32, #tpu.memory_space<vmem>>, vector<1x16xf32>,
        %get3A_720 = vector.shape_cast %get3A_719 : vector<1x16xf32> to vector<16xf32>
        %max3A_721 = arith.maximumf %max3A_693, %get3A_720 : vector<16xf32>
        %add3A_722 = arith.constant 23 : i32
        %add3A_723 = arith.addi %mul3A_70, %add3A_722 : i32
        %get3A_724 = arith.index_cast %add3A_723 : i32 to index
        %get3A_725 = arith.constant 48 : index
        %get3A_726 = tpu.vector_load %arg4[%get3A_724, %get3A_725] {strides = array<i32>} : memref<400x64xf32, #tpu.memory_space<vmem>>, vector<1x16xf32>,
        %get3A_727 = vector.shape_cast %get3A_726 : vector<1x16xf32> to vector<16xf32>
        %max3A_728 = arith.maximumf %max3A_700, %get3A_727 : vector<16xf32>
        %add3A_729 = arith.constant 24 : i32
        %add3A_730 = arith.addi %mul3A_70, %add3A_729 : i32
        %get3A_731 = arith.index_cast %add3A_730 : i32 to index
        %get3A_732 = arith.constant 0 : index
        %get3A_733 = tpu.vector_load %arg4[%get3A_731, %get3A_732] {strides = array<i32>} : memref<400x64xf32, #tpu.memory_space<vmem>>, vector<1x16xf32>,
        %get3A_734 = vector.shape_cast %get3A_733 : vector<1x16xf32> to vector<16xf32>
        %max3A_735 = arith.maximumf %max3A_707, %get3A_734 : vector<16xf32>
        %add3A_736 = arith.constant 24 : i32
        %add3A_737 = arith.addi %mul3A_70, %add3A_736 : i32
        %get3A_738 = arith.index_cast %add3A_737 : i32 to index
        %get3A_739 = arith.constant 16 : index
        %get3A_740 = tpu.vector_load %arg4[%get3A_738, %get3A_739] {strides = array<i32>} : memref<400x64xf32, #tpu.memory_space<vmem>>, vector<1x16xf32>,
        %get3A_741 = vector.shape_cast %get3A_740 : vector<1x16xf32> to vector<16xf32>
        %max3A_742 = arith.maximumf %max3A_714, %get3A_741 : vector<16xf32>
        %add3A_743 = arith.constant 24 : i32
        %add3A_744 = arith.addi %mul3A_70, %add3A_743 : i32
        %get3A_745 = arith.index_cast %add3A_744 : i32 to index
        %get3A_746 = arith.constant 32 : index
        %get3A_747 = tpu.vector_load %arg4[%get3A_745, %get3A_746] {strides = array<i32>} : memref<400x64xf32, #tpu.memory_space<vmem>>, vector<1x16xf32>,
        %get3A_748 = vector.shape_cast %get3A_747 : vector<1x16xf32> to vector<16xf32>
        %max3A_749 = arith.maximumf %max3A_721, %get3A_748 : vector<16xf32>
        %add3A_750 = arith.constant 24 : i32
        %add3A_751 = arith.addi %mul3A_70, %add3A_750 : i32
        %get3A_752 = arith.index_cast %add3A_751 : i32 to index
        %get3A_753 = arith.constant 48 : index
        %get3A_754 = tpu.vector_load %arg4[%get3A_752, %get3A_753] {strides = array<i32>} : memref<400x64xf32, #tpu.memory_space<vmem>>, vector<1x16xf32>,
        %get3A_755 = vector.shape_cast %get3A_754 : vector<1x16xf32> to vector<16xf32>
        %max3A_756 = arith.maximumf %max3A_728, %get3A_755 : vector<16xf32>
        %add3A_757 = arith.constant 25 : i32
        %add3A_758 = arith.addi %mul3A_70, %add3A_757 : i32
        %get3A_759 = arith.index_cast %add3A_758 : i32 to index
        %get3A_760 = arith.constant 0 : index
        %get3A_761 = tpu.vector_load %arg4[%get3A_759, %get3A_760] {strides = array<i32>} : memref<400x64xf32, #tpu.memory_space<vmem>>, vector<1x16xf32>,
        %get3A_762 = vector.shape_cast %get3A_761 : vector<1x16xf32> to vector<16xf32>
        %max3A_763 = arith.maximumf %max3A_735, %get3A_762 : vector<16xf32>
        %add3A_764 = arith.constant 25 : i32
        %add3A_765 = arith.addi %mul3A_70, %add3A_764 : i32
        %get3A_766 = arith.index_cast %add3A_765 : i32 to index
        %get3A_767 = arith.constant 16 : index
        %get3A_768 = tpu.vector_load %arg4[%get3A_766, %get3A_767] {strides = array<i32>} : memref<400x64xf32, #tpu.memory_space<vmem>>, vector<1x16xf32>,
        %get3A_769 = vector.shape_cast %get3A_768 : vector<1x16xf32> to vector<16xf32>
        %max3A_770 = arith.maximumf %max3A_742, %get3A_769 : vector<16xf32>
        %add3A_771 = arith.constant 25 : i32
        %add3A_772 = arith.addi %mul3A_70, %add3A_771 : i32
        %get3A_773 = arith.index_cast %add3A_772 : i32 to index
        %get3A_774 = arith.constant 32 : index
        %get3A_775 = tpu.vector_load %arg4[%get3A_773, %get3A_774] {strides = array<i32>} : memref<400x64xf32, #tpu.memory_space<vmem>>, vector<1x16xf32>,
        %get3A_776 = vector.shape_cast %get3A_775 : vector<1x16xf32> to vector<16xf32>
        %max3A_777 = arith.maximumf %max3A_749, %get3A_776 : vector<16xf32>
        %add3A_778 = arith.constant 25 : i32
        %add3A_779 = arith.addi %mul3A_70, %add3A_778 : i32
        %get3A_780 = arith.index_cast %add3A_779 : i32 to index
        %get3A_781 = arith.constant 48 : index
        %get3A_782 = tpu.vector_load %arg4[%get3A_780, %get3A_781] {strides = array<i32>} : memref<400x64xf32, #tpu.memory_space<vmem>>, vector<1x16xf32>,
        %get3A_783 = vector.shape_cast %get3A_782 : vector<1x16xf32> to vector<16xf32>
        %max3A_784 = arith.maximumf %max3A_756, %get3A_783 : vector<16xf32>
        %add3A_785 = arith.constant 26 : i32
        %add3A_786 = arith.addi %mul3A_70, %add3A_785 : i32
        %get3A_787 = arith.index_cast %add3A_786 : i32 to index
        %get3A_788 = arith.constant 0 : index
        %get3A_789 = tpu.vector_load %arg4[%get3A_787, %get3A_788] {strides = array<i32>} : memref<400x64xf32, #tpu.memory_space<vmem>>, vector<1x16xf32>,
        %get3A_790 = vector.shape_cast %get3A_789 : vector<1x16xf32> to vector<16xf32>
        %max3A_791 = arith.maximumf %max3A_763, %get3A_790 : vector<16xf32>
        %add3A_792 = arith.constant 26 : i32
        %add3A_793 = arith.addi %mul3A_70, %add3A_792 : i32
        %get3A_794 = arith.index_cast %add3A_793 : i32 to index
        %get3A_795 = arith.constant 16 : index
        %get3A_796 = tpu.vector_load %arg4[%get3A_794, %get3A_795] {strides = array<i32>} : memref<400x64xf32, #tpu.memory_space<vmem>>, vector<1x16xf32>,
        %get3A_797 = vector.shape_cast %get3A_796 : vector<1x16xf32> to vector<16xf32>
        %max3A_798 = arith.maximumf %max3A_770, %get3A_797 : vector<16xf32>
        %add3A_799 = arith.constant 26 : i32
        %add3A_800 = arith.addi %mul3A_70, %add3A_799 : i32
        %get3A_801 = arith.index_cast %add3A_800 : i32 to index
        %get3A_802 = arith.constant 32 : index
        %get3A_803 = tpu.vector_load %arg4[%get3A_801, %get3A_802] {strides = array<i32>} : memref<400x64xf32, #tpu.memory_space<vmem>>, vector<1x16xf32>,
        %get3A_804 = vector.shape_cast %get3A_803 : vector<1x16xf32> to vector<16xf32>
        %max3A_805 = arith.maximumf %max3A_777, %get3A_804 : vector<16xf32>
        %add3A_806 = arith.constant 26 : i32
        %add3A_807 = arith.addi %mul3A_70, %add3A_806 : i32
        %get3A_808 = arith.index_cast %add3A_807 : i32 to index
        %get3A_809 = arith.constant 48 : index
        %get3A_810 = tpu.vector_load %arg4[%get3A_808, %get3A_809] {strides = array<i32>} : memref<400x64xf32, #tpu.memory_space<vmem>>, vector<1x16xf32>,
        %get3A_811 = vector.shape_cast %get3A_810 : vector<1x16xf32> to vector<16xf32>
        %max3A_812 = arith.maximumf %max3A_784, %get3A_811 : vector<16xf32>
        %add3A_813 = arith.constant 27 : i32
        %add3A_814 = arith.addi %mul3A_70, %add3A_813 : i32
        %get3A_815 = arith.index_cast %add3A_814 : i32 to index
        %get3A_816 = arith.constant 0 : index
        %get3A_817 = tpu.vector_load %arg4[%get3A_815, %get3A_816] {strides = array<i32>} : memref<400x64xf32, #tpu.memory_space<vmem>>, vector<1x16xf32>,
        %get3A_818 = vector.shape_cast %get3A_817 : vector<1x16xf32> to vector<16xf32>
        %max3A_819 = arith.maximumf %max3A_791, %get3A_818 : vector<16xf32>
        %add3A_820 = arith.constant 27 : i32
        %add3A_821 = arith.addi %mul3A_70, %add3A_820 : i32
        %get3A_822 = arith.index_cast %add3A_821 : i32 to index
        %get3A_823 = arith.constant 16 : index
        %get3A_824 = tpu.vector_load %arg4[%get3A_822, %get3A_823] {strides = array<i32>} : memref<400x64xf32, #tpu.memory_space<vmem>>, vector<1x16xf32>,
        %get3A_825 = vector.shape_cast %get3A_824 : vector<1x16xf32> to vector<16xf32>
        %max3A_826 = arith.maximumf %max3A_798, %get3A_825 : vector<16xf32>
        %add3A_827 = arith.constant 27 : i32
        %add3A_828 = arith.addi %mul3A_70, %add3A_827 : i32
        %get3A_829 = arith.index_cast %add3A_828 : i32 to index
        %get3A_830 = arith.constant 32 : index
        %get3A_831 = tpu.vector_load %arg4[%get3A_829, %get3A_830] {strides = array<i32>} : memref<400x64xf32, #tpu.memory_space<vmem>>, vector<1x16xf32>,
        %get3A_832 = vector.shape_cast %get3A_831 : vector<1x16xf32> to vector<16xf32>
        %max3A_833 = arith.maximumf %max3A_805, %get3A_832 : vector<16xf32>
        %add3A_834 = arith.constant 27 : i32
        %add3A_835 = arith.addi %mul3A_70, %add3A_834 : i32
        %get3A_836 = arith.index_cast %add3A_835 : i32 to index
        %get3A_837 = arith.constant 48 : index
        %get3A_838 = tpu.vector_load %arg4[%get3A_836, %get3A_837] {strides = array<i32>} : memref<400x64xf32, #tpu.memory_space<vmem>>, vector<1x16xf32>,
        %get3A_839 = vector.shape_cast %get3A_838 : vector<1x16xf32> to vector<16xf32>
        %max3A_840 = arith.maximumf %max3A_812, %get3A_839 : vector<16xf32>
        %add3A_841 = arith.constant 28 : i32
        %add3A_842 = arith.addi %mul3A_70, %add3A_841 : i32
        %get3A_843 = arith.index_cast %add3A_842 : i32 to index
        %get3A_844 = arith.constant 0 : index
        %get3A_845 = tpu.vector_load %arg4[%get3A_843, %get3A_844] {strides = array<i32>} : memref<400x64xf32, #tpu.memory_space<vmem>>, vector<1x16xf32>,
        %get3A_846 = vector.shape_cast %get3A_845 : vector<1x16xf32> to vector<16xf32>
        %max3A_847 = arith.maximumf %max3A_819, %get3A_846 : vector<16xf32>
        %add3A_848 = arith.constant 28 : i32
        %add3A_849 = arith.addi %mul3A_70, %add3A_848 : i32
        %get3A_850 = arith.index_cast %add3A_849 : i32 to index
        %get3A_851 = arith.constant 16 : index
        %get3A_852 = tpu.vector_load %arg4[%get3A_850, %get3A_851] {strides = array<i32>} : memref<400x64xf32, #tpu.memory_space<vmem>>, vector<1x16xf32>,
        %get3A_853 = vector.shape_cast %get3A_852 : vector<1x16xf32> to vector<16xf32>
        %max3A_854 = arith.maximumf %max3A_826, %get3A_853 : vector<16xf32>
        %add3A_855 = arith.constant 28 : i32
        %add3A_856 = arith.addi %mul3A_70, %add3A_855 : i32
        %get3A_857 = arith.index_cast %add3A_856 : i32 to index
        %get3A_858 = arith.constant 32 : index
        %get3A_859 = tpu.vector_load %arg4[%get3A_857, %get3A_858] {strides = array<i32>} : memref<400x64xf32, #tpu.memory_space<vmem>>, vector<1x16xf32>,
        %get3A_860 = vector.shape_cast %get3A_859 : vector<1x16xf32> to vector<16xf32>
        %max3A_861 = arith.maximumf %max3A_833, %get3A_860 : vector<16xf32>
        %add3A_862 = arith.constant 28 : i32
        %add3A_863 = arith.addi %mul3A_70, %add3A_862 : i32
        %get3A_864 = arith.index_cast %add3A_863 : i32 to index
        %get3A_865 = arith.constant 48 : index
        %get3A_866 = tpu.vector_load %arg4[%get3A_864, %get3A_865] {strides = array<i32>} : memref<400x64xf32, #tpu.memory_space<vmem>>, vector<1x16xf32>,
        %get3A_867 = vector.shape_cast %get3A_866 : vector<1x16xf32> to vector<16xf32>
        %max3A_868 = arith.maximumf %max3A_840, %get3A_867 : vector<16xf32>
        %add3A_869 = arith.constant 29 : i32
        %add3A_870 = arith.addi %mul3A_70, %add3A_869 : i32
        %get3A_871 = arith.index_cast %add3A_870 : i32 to index
        %get3A_872 = arith.constant 0 : index
        %get3A_873 = tpu.vector_load %arg4[%get3A_871, %get3A_872] {strides = array<i32>} : memref<400x64xf32, #tpu.memory_space<vmem>>, vector<1x16xf32>,
        %get3A_874 = vector.shape_cast %get3A_873 : vector<1x16xf32> to vector<16xf32>
        %max3A_875 = arith.maximumf %max3A_847, %get3A_874 : vector<16xf32>
        %add3A_876 = arith.constant 29 : i32
        %add3A_877 = arith.addi %mul3A_70, %add3A_876 : i32
        %get3A_878 = arith.index_cast %add3A_877 : i32 to index
        %get3A_879 = arith.constant 16 : index
        %get3A_880 = tpu.vector_load %arg4[%get3A_878, %get3A_879] {strides = array<i32>} : memref<400x64xf32, #tpu.memory_space<vmem>>, vector<1x16xf32>,
        %get3A_881 = vector.shape_cast %get3A_880 : vector<1x16xf32> to vector<16xf32>
        %max3A_882 = arith.maximumf %max3A_854, %get3A_881 : vector<16xf32>
        %add3A_883 = arith.constant 29 : i32
        %add3A_884 = arith.addi %mul3A_70, %add3A_883 : i32
        %get3A_885 = arith.index_cast %add3A_884 : i32 to index
        %get3A_886 = arith.constant 32 : index
        %get3A_887 = tpu.vector_load %arg4[%get3A_885, %get3A_886] {strides = array<i32>} : memref<400x64xf32, #tpu.memory_space<vmem>>, vector<1x16xf32>,
        %get3A_888 = vector.shape_cast %get3A_887 : vector<1x16xf32> to vector<16xf32>
        %max3A_889 = arith.maximumf %max3A_861, %get3A_888 : vector<16xf32>
        %add3A_890 = arith.constant 29 : i32
        %add3A_891 = arith.addi %mul3A_70, %add3A_890 : i32
        %get3A_892 = arith.index_cast %add3A_891 : i32 to index
        %get3A_893 = arith.constant 48 : index
        %get3A_894 = tpu.vector_load %arg4[%get3A_892, %get3A_893] {strides = array<i32>} : memref<400x64xf32, #tpu.memory_space<vmem>>, vector<1x16xf32>,
        %get3A_895 = vector.shape_cast %get3A_894 : vector<1x16xf32> to vector<16xf32>
        %max3A_896 = arith.maximumf %max3A_868, %get3A_895 : vector<16xf32>
        %add3A_897 = arith.constant 30 : i32
        %add3A_898 = arith.addi %mul3A_70, %add3A_897 : i32
        %get3A_899 = arith.index_cast %add3A_898 : i32 to index
        %get3A_900 = arith.constant 0 : index
        %get3A_901 = tpu.vector_load %arg4[%get3A_899, %get3A_900] {strides = array<i32>} : memref<400x64xf32, #tpu.memory_space<vmem>>, vector<1x16xf32>,
        %get3A_902 = vector.shape_cast %get3A_901 : vector<1x16xf32> to vector<16xf32>
        %max3A_903 = arith.maximumf %max3A_875, %get3A_902 : vector<16xf32>
        %add3A_904 = arith.constant 30 : i32
        %add3A_905 = arith.addi %mul3A_70, %add3A_904 : i32
        %get3A_906 = arith.index_cast %add3A_905 : i32 to index
        %get3A_907 = arith.constant 16 : index
        %get3A_908 = tpu.vector_load %arg4[%get3A_906, %get3A_907] {strides = array<i32>} : memref<400x64xf32, #tpu.memory_space<vmem>>, vector<1x16xf32>,
        %get3A_909 = vector.shape_cast %get3A_908 : vector<1x16xf32> to vector<16xf32>
        %max3A_910 = arith.maximumf %max3A_882, %get3A_909 : vector<16xf32>
        %add3A_911 = arith.constant 30 : i32
        %add3A_912 = arith.addi %mul3A_70, %add3A_911 : i32
        %get3A_913 = arith.index_cast %add3A_912 : i32 to index
        %get3A_914 = arith.constant 32 : index
        %get3A_915 = tpu.vector_load %arg4[%get3A_913, %get3A_914] {strides = array<i32>} : memref<400x64xf32, #tpu.memory_space<vmem>>, vector<1x16xf32>,
        %get3A_916 = vector.shape_cast %get3A_915 : vector<1x16xf32> to vector<16xf32>
        %max3A_917 = arith.maximumf %max3A_889, %get3A_916 : vector<16xf32>
        %add3A_918 = arith.constant 30 : i32
        %add3A_919 = arith.addi %mul3A_70, %add3A_918 : i32
        %get3A_920 = arith.index_cast %add3A_919 : i32 to index
        %get3A_921 = arith.constant 48 : index
        %get3A_922 = tpu.vector_load %arg4[%get3A_920, %get3A_921] {strides = array<i32>} : memref<400x64xf32, #tpu.memory_space<vmem>>, vector<1x16xf32>,
        %get3A_923 = vector.shape_cast %get3A_922 : vector<1x16xf32> to vector<16xf32>
        %max3A_924 = arith.maximumf %max3A_896, %get3A_923 : vector<16xf32>
        %add3A_925 = arith.constant 31 : i32
        %add3A_926 = arith.addi %mul3A_70, %add3A_925 : i32
        %get3A_927 = arith.index_cast %add3A_926 : i32 to index
        %get3A_928 = arith.constant 0 : index
        %get3A_929 = tpu.vector_load %arg4[%get3A_927, %get3A_928] {strides = array<i32>} : memref<400x64xf32, #tpu.memory_space<vmem>>, vector<1x16xf32>,
        %get3A_930 = vector.shape_cast %get3A_929 : vector<1x16xf32> to vector<16xf32>
        %max3A_931 = arith.maximumf %max3A_903, %get3A_930 : vector<16xf32>
        %add3A_932 = arith.constant 31 : i32
        %add3A_933 = arith.addi %mul3A_70, %add3A_932 : i32
        %get3A_934 = arith.index_cast %add3A_933 : i32 to index
        %get3A_935 = arith.constant 16 : index
        %get3A_936 = tpu.vector_load %arg4[%get3A_934, %get3A_935] {strides = array<i32>} : memref<400x64xf32, #tpu.memory_space<vmem>>, vector<1x16xf32>,
        %get3A_937 = vector.shape_cast %get3A_936 : vector<1x16xf32> to vector<16xf32>
        %max3A_938 = arith.maximumf %max3A_910, %get3A_937 : vector<16xf32>
        %add3A_939 = arith.constant 31 : i32
        %add3A_940 = arith.addi %mul3A_70, %add3A_939 : i32
        %get3A_941 = arith.index_cast %add3A_940 : i32 to index
        %get3A_942 = arith.constant 32 : index
        %get3A_943 = tpu.vector_load %arg4[%get3A_941, %get3A_942] {strides = array<i32>} : memref<400x64xf32, #tpu.memory_space<vmem>>, vector<1x16xf32>,
        %get3A_944 = vector.shape_cast %get3A_943 : vector<1x16xf32> to vector<16xf32>
        %max3A_945 = arith.maximumf %max3A_917, %get3A_944 : vector<16xf32>
        %add3A_946 = arith.constant 31 : i32
        %add3A_947 = arith.addi %mul3A_70, %add3A_946 : i32
        %get3A_948 = arith.index_cast %add3A_947 : i32 to index
        %get3A_949 = arith.constant 48 : index
        %get3A_950 = tpu.vector_load %arg4[%get3A_948, %get3A_949] {strides = array<i32>} : memref<400x64xf32, #tpu.memory_space<vmem>>, vector<1x16xf32>,
        %get3A_951 = vector.shape_cast %get3A_950 : vector<1x16xf32> to vector<16xf32>
        %max3A_952 = arith.maximumf %max3A_924, %get3A_951 : vector<16xf32>
        %add3A_953 = arith.constant 32 : i32
        %add3A_954 = arith.addi %mul3A_70, %add3A_953 : i32
        %get3A_955 = arith.index_cast %add3A_954 : i32 to index
        %get3A_956 = arith.constant 0 : index
        %get3A_957 = tpu.vector_load %arg4[%get3A_955, %get3A_956] {strides = array<i32>} : memref<400x64xf32, #tpu.memory_space<vmem>>, vector<1x16xf32>,
        %get3A_958 = vector.shape_cast %get3A_957 : vector<1x16xf32> to vector<16xf32>
        %max3A_959 = arith.maximumf %max3A_931, %get3A_958 : vector<16xf32>
        %add3A_960 = arith.constant 32 : i32
        %add3A_961 = arith.addi %mul3A_70, %add3A_960 : i32
        %get3A_962 = arith.index_cast %add3A_961 : i32 to index
        %get3A_963 = arith.constant 16 : index
        %get3A_964 = tpu.vector_load %arg4[%get3A_962, %get3A_963] {strides = array<i32>} : memref<400x64xf32, #tpu.memory_space<vmem>>, vector<1x16xf32>,
        %get3A_965 = vector.shape_cast %get3A_964 : vector<1x16xf32> to vector<16xf32>
        %max3A_966 = arith.maximumf %max3A_938, %get3A_965 : vector<16xf32>
        %add3A_967 = arith.constant 32 : i32
        %add3A_968 = arith.addi %mul3A_70, %add3A_967 : i32
        %get3A_969 = arith.index_cast %add3A_968 : i32 to index
        %get3A_970 = arith.constant 32 : index
        %get3A_971 = tpu.vector_load %arg4[%get3A_969, %get3A_970] {strides = array<i32>} : memref<400x64xf32, #tpu.memory_space<vmem>>, vector<1x16xf32>,
        %get3A_972 = vector.shape_cast %get3A_971 : vector<1x16xf32> to vector<16xf32>
        %max3A_973 = arith.maximumf %max3A_945, %get3A_972 : vector<16xf32>
        %add3A_974 = arith.constant 32 : i32
        %add3A_975 = arith.addi %mul3A_70, %add3A_974 : i32
        %get3A_976 = arith.index_cast %add3A_975 : i32 to index
        %get3A_977 = arith.constant 48 : index
        %get3A_978 = tpu.vector_load %arg4[%get3A_976, %get3A_977] {strides = array<i32>} : memref<400x64xf32, #tpu.memory_space<vmem>>, vector<1x16xf32>,
        %get3A_979 = vector.shape_cast %get3A_978 : vector<1x16xf32> to vector<16xf32>
        %max3A_980 = arith.maximumf %max3A_952, %get3A_979 : vector<16xf32>
        %add3A_981 = arith.constant 33 : i32
        %add3A_982 = arith.addi %mul3A_70, %add3A_981 : i32
        %get3A_983 = arith.index_cast %add3A_982 : i32 to index
        %get3A_984 = arith.constant 0 : index
        %get3A_985 = tpu.vector_load %arg4[%get3A_983, %get3A_984] {strides = array<i32>} : memref<400x64xf32, #tpu.memory_space<vmem>>, vector<1x16xf32>,
        %get3A_986 = vector.shape_cast %get3A_985 : vector<1x16xf32> to vector<16xf32>
        %max3A_987 = arith.maximumf %max3A_959, %get3A_986 : vector<16xf32>
        %add3A_988 = arith.constant 33 : i32
        %add3A_989 = arith.addi %mul3A_70, %add3A_988 : i32
        %get3A_990 = arith.index_cast %add3A_989 : i32 to index
        %get3A_991 = arith.constant 16 : index
        %get3A_992 = tpu.vector_load %arg4[%get3A_990, %get3A_991] {strides = array<i32>} : memref<400x64xf32, #tpu.memory_space<vmem>>, vector<1x16xf32>,
        %get3A_993 = vector.shape_cast %get3A_992 : vector<1x16xf32> to vector<16xf32>
        %max3A_994 = arith.maximumf %max3A_966, %get3A_993 : vector<16xf32>
        %add3A_995 = arith.constant 33 : i32
        %add3A_996 = arith.addi %mul3A_70, %add3A_995 : i32
        %get3A_997 = arith.index_cast %add3A_996 : i32 to index
        %get3A_998 = arith.constant 32 : index
        %get3A_999 = tpu.vector_load %arg4[%get3A_997, %get3A_998] {strides = array<i32>} : memref<400x64xf32, #tpu.memory_space<vmem>>, vector<1x16xf32>,
        %get3A_1000 = vector.shape_cast %get3A_999 : vector<1x16xf32> to vector<16xf32>
        %max3A_1001 = arith.maximumf %max3A_973, %get3A_1000 : vector<16xf32>
        %add3A_1002 = arith.constant 33 : i32
        %add3A_1003 = arith.addi %mul3A_70, %add3A_1002 : i32
        %get3A_1004 = arith.index_cast %add3A_1003 : i32 to index
        %get3A_1005 = arith.constant 48 : index
        %get3A_1006 = tpu.vector_load %arg4[%get3A_1004, %get3A_1005] {strides = array<i32>} : memref<400x64xf32, #tpu.memory_space<vmem>>, vector<1x16xf32>,
        %get3A_1007 = vector.shape_cast %get3A_1006 : vector<1x16xf32> to vector<16xf32>
        %max3A_1008 = arith.maximumf %max3A_980, %get3A_1007 : vector<16xf32>
        %add3A_1009 = arith.constant 34 : i32
        %add3A_1010 = arith.addi %mul3A_70, %add3A_1009 : i32
        %get3A_1011 = arith.index_cast %add3A_1010 : i32 to index
        %get3A_1012 = arith.constant 0 : index
        %get3A_1013 = tpu.vector_load %arg4[%get3A_1011, %get3A_1012] {strides = array<i32>} : memref<400x64xf32, #tpu.memory_space<vmem>>, vector<1x16xf32>,
        %get3A_1014 = vector.shape_cast %get3A_1013 : vector<1x16xf32> to vector<16xf32>
        %max3A_1015 = arith.maximumf %max3A_987, %get3A_1014 : vector<16xf32>
        %add3A_1016 = arith.constant 34 : i32
        %add3A_1017 = arith.addi %mul3A_70, %add3A_1016 : i32
        %get3A_1018 = arith.index_cast %add3A_1017 : i32 to index
        %get3A_1019 = arith.constant 16 : index
        %get3A_1020 = tpu.vector_load %arg4[%get3A_1018, %get3A_1019] {strides = array<i32>} : memref<400x64xf32, #tpu.memory_space<vmem>>, vector<1x16xf32>,
        %get3A_1021 = vector.shape_cast %get3A_1020 : vector<1x16xf32> to vector<16xf32>
        %max3A_1022 = arith.maximumf %max3A_994, %get3A_1021 : vector<16xf32>
        %add3A_1023 = arith.constant 34 : i32
        %add3A_1024 = arith.addi %mul3A_70, %add3A_1023 : i32
        %get3A_1025 = arith.index_cast %add3A_1024 : i32 to index
        %get3A_1026 = arith.constant 32 : index
        %get3A_1027 = tpu.vector_load %arg4[%get3A_1025, %get3A_1026] {strides = array<i32>} : memref<400x64xf32, #tpu.memory_space<vmem>>, vector<1x16xf32>,
        %get3A_1028 = vector.shape_cast %get3A_1027 : vector<1x16xf32> to vector<16xf32>
        %max3A_1029 = arith.maximumf %max3A_1001, %get3A_1028 : vector<16xf32>
        %add3A_1030 = arith.constant 34 : i32
        %add3A_1031 = arith.addi %mul3A_70, %add3A_1030 : i32
        %get3A_1032 = arith.index_cast %add3A_1031 : i32 to index
        %get3A_1033 = arith.constant 48 : index
        %get3A_1034 = tpu.vector_load %arg4[%get3A_1032, %get3A_1033] {strides = array<i32>} : memref<400x64xf32, #tpu.memory_space<vmem>>, vector<1x16xf32>,
        %get3A_1035 = vector.shape_cast %get3A_1034 : vector<1x16xf32> to vector<16xf32>
        %max3A_1036 = arith.maximumf %max3A_1008, %get3A_1035 : vector<16xf32>
        %add3A_1037 = arith.constant 35 : i32
        %add3A_1038 = arith.addi %mul3A_70, %add3A_1037 : i32
        %get3A_1039 = arith.index_cast %add3A_1038 : i32 to index
        %get3A_1040 = arith.constant 0 : index
        %get3A_1041 = tpu.vector_load %arg4[%get3A_1039, %get3A_1040] {strides = array<i32>} : memref<400x64xf32, #tpu.memory_space<vmem>>, vector<1x16xf32>,
        %get3A_1042 = vector.shape_cast %get3A_1041 : vector<1x16xf32> to vector<16xf32>
        %max3A_1043 = arith.maximumf %max3A_1015, %get3A_1042 : vector<16xf32>
        %add3A_1044 = arith.constant 35 : i32
        %add3A_1045 = arith.addi %mul3A_70, %add3A_1044 : i32
        %get3A_1046 = arith.index_cast %add3A_1045 : i32 to index
        %get3A_1047 = arith.constant 16 : index
        %get3A_1048 = tpu.vector_load %arg4[%get3A_1046, %get3A_1047] {strides = array<i32>} : memref<400x64xf32, #tpu.memory_space<vmem>>, vector<1x16xf32>,
        %get3A_1049 = vector.shape_cast %get3A_1048 : vector<1x16xf32> to vector<16xf32>
        %max3A_1050 = arith.maximumf %max3A_1022, %get3A_1049 : vector<16xf32>
        %add3A_1051 = arith.constant 35 : i32
        %add3A_1052 = arith.addi %mul3A_70, %add3A_1051 : i32
        %get3A_1053 = arith.index_cast %add3A_1052 : i32 to index
        %get3A_1054 = arith.constant 32 : index
        %get3A_1055 = tpu.vector_load %arg4[%get3A_1053, %get3A_1054] {strides = array<i32>} : memref<400x64xf32, #tpu.memory_space<vmem>>, vector<1x16xf32>,
        %get3A_1056 = vector.shape_cast %get3A_1055 : vector<1x16xf32> to vector<16xf32>
        %max3A_1057 = arith.maximumf %max3A_1029, %get3A_1056 : vector<16xf32>
        %add3A_1058 = arith.constant 35 : i32
        %add3A_1059 = arith.addi %mul3A_70, %add3A_1058 : i32
        %get3A_1060 = arith.index_cast %add3A_1059 : i32 to index
        %get3A_1061 = arith.constant 48 : index
        %get3A_1062 = tpu.vector_load %arg4[%get3A_1060, %get3A_1061] {strides = array<i32>} : memref<400x64xf32, #tpu.memory_space<vmem>>, vector<1x16xf32>,
        %get3A_1063 = vector.shape_cast %get3A_1062 : vector<1x16xf32> to vector<16xf32>
        %max3A_1064 = arith.maximumf %max3A_1036, %get3A_1063 : vector<16xf32>
        %add3A_1065 = arith.constant 36 : i32
        %add3A_1066 = arith.addi %mul3A_70, %add3A_1065 : i32
        %get3A_1067 = arith.index_cast %add3A_1066 : i32 to index
        %get3A_1068 = arith.constant 0 : index
        %get3A_1069 = tpu.vector_load %arg4[%get3A_1067, %get3A_1068] {strides = array<i32>} : memref<400x64xf32, #tpu.memory_space<vmem>>, vector<1x16xf32>,
        %get3A_1070 = vector.shape_cast %get3A_1069 : vector<1x16xf32> to vector<16xf32>
        %max3A_1071 = arith.maximumf %max3A_1043, %get3A_1070 : vector<16xf32>
        %add3A_1072 = arith.constant 36 : i32
        %add3A_1073 = arith.addi %mul3A_70, %add3A_1072 : i32
        %get3A_1074 = arith.index_cast %add3A_1073 : i32 to index
        %get3A_1075 = arith.constant 16 : index
        %get3A_1076 = tpu.vector_load %arg4[%get3A_1074, %get3A_1075] {strides = array<i32>} : memref<400x64xf32, #tpu.memory_space<vmem>>, vector<1x16xf32>,
        %get3A_1077 = vector.shape_cast %get3A_1076 : vector<1x16xf32> to vector<16xf32>
        %max3A_1078 = arith.maximumf %max3A_1050, %get3A_1077 : vector<16xf32>
        %add3A_1079 = arith.constant 36 : i32
        %add3A_1080 = arith.addi %mul3A_70, %add3A_1079 : i32
        %get3A_1081 = arith.index_cast %add3A_1080 : i32 to index
        %get3A_1082 = arith.constant 32 : index
        %get3A_1083 = tpu.vector_load %arg4[%get3A_1081, %get3A_1082] {strides = array<i32>} : memref<400x64xf32, #tpu.memory_space<vmem>>, vector<1x16xf32>,
        %get3A_1084 = vector.shape_cast %get3A_1083 : vector<1x16xf32> to vector<16xf32>
        %max3A_1085 = arith.maximumf %max3A_1057, %get3A_1084 : vector<16xf32>
        %add3A_1086 = arith.constant 36 : i32
        %add3A_1087 = arith.addi %mul3A_70, %add3A_1086 : i32
        %get3A_1088 = arith.index_cast %add3A_1087 : i32 to index
        %get3A_1089 = arith.constant 48 : index
        %get3A_1090 = tpu.vector_load %arg4[%get3A_1088, %get3A_1089] {strides = array<i32>} : memref<400x64xf32, #tpu.memory_space<vmem>>, vector<1x16xf32>,
        %get3A_1091 = vector.shape_cast %get3A_1090 : vector<1x16xf32> to vector<16xf32>
        %max3A_1092 = arith.maximumf %max3A_1064, %get3A_1091 : vector<16xf32>
        %add3A_1093 = arith.constant 37 : i32
        %add3A_1094 = arith.addi %mul3A_70, %add3A_1093 : i32
        %get3A_1095 = arith.index_cast %add3A_1094 : i32 to index
        %get3A_1096 = arith.constant 0 : index
        %get3A_1097 = tpu.vector_load %arg4[%get3A_1095, %get3A_1096] {strides = array<i32>} : memref<400x64xf32, #tpu.memory_space<vmem>>, vector<1x16xf32>,
        %get3A_1098 = vector.shape_cast %get3A_1097 : vector<1x16xf32> to vector<16xf32>
        %max3A_1099 = arith.maximumf %max3A_1071, %get3A_1098 : vector<16xf32>
        %add3A_1100 = arith.constant 37 : i32
        %add3A_1101 = arith.addi %mul3A_70, %add3A_1100 : i32
        %get3A_1102 = arith.index_cast %add3A_1101 : i32 to index
        %get3A_1103 = arith.constant 16 : index
        %get3A_1104 = tpu.vector_load %arg4[%get3A_1102, %get3A_1103] {strides = array<i32>} : memref<400x64xf32, #tpu.memory_space<vmem>>, vector<1x16xf32>,
        %get3A_1105 = vector.shape_cast %get3A_1104 : vector<1x16xf32> to vector<16xf32>
        %max3A_1106 = arith.maximumf %max3A_1078, %get3A_1105 : vector<16xf32>
        %add3A_1107 = arith.constant 37 : i32
        %add3A_1108 = arith.addi %mul3A_70, %add3A_1107 : i32
        %get3A_1109 = arith.index_cast %add3A_1108 : i32 to index
        %get3A_1110 = arith.constant 32 : index
        %get3A_1111 = tpu.vector_load %arg4[%get3A_1109, %get3A_1110] {strides = array<i32>} : memref<400x64xf32, #tpu.memory_space<vmem>>, vector<1x16xf32>,
        %get3A_1112 = vector.shape_cast %get3A_1111 : vector<1x16xf32> to vector<16xf32>
        %max3A_1113 = arith.maximumf %max3A_1085, %get3A_1112 : vector<16xf32>
        %add3A_1114 = arith.constant 37 : i32
        %add3A_1115 = arith.addi %mul3A_70, %add3A_1114 : i32
        %get3A_1116 = arith.index_cast %add3A_1115 : i32 to index
        %get3A_1117 = arith.constant 48 : index
        %get3A_1118 = tpu.vector_load %arg4[%get3A_1116, %get3A_1117] {strides = array<i32>} : memref<400x64xf32, #tpu.memory_space<vmem>>, vector<1x16xf32>,
        %get3A_1119 = vector.shape_cast %get3A_1118 : vector<1x16xf32> to vector<16xf32>
        %max3A_1120 = arith.maximumf %max3A_1092, %get3A_1119 : vector<16xf32>
        %add3A_1121 = arith.constant 38 : i32
        %add3A_1122 = arith.addi %mul3A_70, %add3A_1121 : i32
        %get3A_1123 = arith.index_cast %add3A_1122 : i32 to index
        %get3A_1124 = arith.constant 0 : index
        %get3A_1125 = tpu.vector_load %arg4[%get3A_1123, %get3A_1124] {strides = array<i32>} : memref<400x64xf32, #tpu.memory_space<vmem>>, vector<1x16xf32>,
        %get3A_1126 = vector.shape_cast %get3A_1125 : vector<1x16xf32> to vector<16xf32>
        %max3A_1127 = arith.maximumf %max3A_1099, %get3A_1126 : vector<16xf32>
        %add3A_1128 = arith.constant 38 : i32
        %add3A_1129 = arith.addi %mul3A_70, %add3A_1128 : i32
        %get3A_1130 = arith.index_cast %add3A_1129 : i32 to index
        %get3A_1131 = arith.constant 16 : index
        %get3A_1132 = tpu.vector_load %arg4[%get3A_1130, %get3A_1131] {strides = array<i32>} : memref<400x64xf32, #tpu.memory_space<vmem>>, vector<1x16xf32>,
        %get3A_1133 = vector.shape_cast %get3A_1132 : vector<1x16xf32> to vector<16xf32>
        %max3A_1134 = arith.maximumf %max3A_1106, %get3A_1133 : vector<16xf32>
        %add3A_1135 = arith.constant 38 : i32
        %add3A_1136 = arith.addi %mul3A_70, %add3A_1135 : i32
        %get3A_1137 = arith.index_cast %add3A_1136 : i32 to index
        %get3A_1138 = arith.constant 32 : index
        %get3A_1139 = tpu.vector_load %arg4[%get3A_1137, %get3A_1138] {strides = array<i32>} : memref<400x64xf32, #tpu.memory_space<vmem>>, vector<1x16xf32>,
        %get3A_1140 = vector.shape_cast %get3A_1139 : vector<1x16xf32> to vector<16xf32>
        %max3A_1141 = arith.maximumf %max3A_1113, %get3A_1140 : vector<16xf32>
        %add3A_1142 = arith.constant 38 : i32
        %add3A_1143 = arith.addi %mul3A_70, %add3A_1142 : i32
        %get3A_1144 = arith.index_cast %add3A_1143 : i32 to index
        %get3A_1145 = arith.constant 48 : index
        %get3A_1146 = tpu.vector_load %arg4[%get3A_1144, %get3A_1145] {strides = array<i32>} : memref<400x64xf32, #tpu.memory_space<vmem>>, vector<1x16xf32>,
        %get3A_1147 = vector.shape_cast %get3A_1146 : vector<1x16xf32> to vector<16xf32>
        %max3A_1148 = arith.maximumf %max3A_1120, %get3A_1147 : vector<16xf32>
        %add3A_1149 = arith.constant 39 : i32
        %add3A_1150 = arith.addi %mul3A_70, %add3A_1149 : i32
        %get3A_1151 = arith.index_cast %add3A_1150 : i32 to index
        %get3A_1152 = arith.constant 0 : index
        %get3A_1153 = tpu.vector_load %arg4[%get3A_1151, %get3A_1152] {strides = array<i32>} : memref<400x64xf32, #tpu.memory_space<vmem>>, vector<1x16xf32>,
        %get3A_1154 = vector.shape_cast %get3A_1153 : vector<1x16xf32> to vector<16xf32>
        %max3A_1155 = arith.maximumf %max3A_1127, %get3A_1154 : vector<16xf32>
        %add3A_1156 = arith.constant 39 : i32
        %add3A_1157 = arith.addi %mul3A_70, %add3A_1156 : i32
        %get3A_1158 = arith.index_cast %add3A_1157 : i32 to index
        %get3A_1159 = arith.constant 16 : index
        %get3A_1160 = tpu.vector_load %arg4[%get3A_1158, %get3A_1159] {strides = array<i32>} : memref<400x64xf32, #tpu.memory_space<vmem>>, vector<1x16xf32>,
        %get3A_1161 = vector.shape_cast %get3A_1160 : vector<1x16xf32> to vector<16xf32>
        %max3A_1162 = arith.maximumf %max3A_1134, %get3A_1161 : vector<16xf32>
        %add3A_1163 = arith.constant 39 : i32
        %add3A_1164 = arith.addi %mul3A_70, %add3A_1163 : i32
        %get3A_1165 = arith.index_cast %add3A_1164 : i32 to index
        %get3A_1166 = arith.constant 32 : index
        %get3A_1167 = tpu.vector_load %arg4[%get3A_1165, %get3A_1166] {strides = array<i32>} : memref<400x64xf32, #tpu.memory_space<vmem>>, vector<1x16xf32>,
        %get3A_1168 = vector.shape_cast %get3A_1167 : vector<1x16xf32> to vector<16xf32>
        %max3A_1169 = arith.maximumf %max3A_1141, %get3A_1168 : vector<16xf32>
        %add3A_1170 = arith.constant 39 : i32
        %add3A_1171 = arith.addi %mul3A_70, %add3A_1170 : i32
        %get3A_1172 = arith.index_cast %add3A_1171 : i32 to index
        %get3A_1173 = arith.constant 48 : index
        %get3A_1174 = tpu.vector_load %arg4[%get3A_1172, %get3A_1173] {strides = array<i32>} : memref<400x64xf32, #tpu.memory_space<vmem>>, vector<1x16xf32>,
        %get3A_1175 = vector.shape_cast %get3A_1174 : vector<1x16xf32> to vector<16xf32>
        %max3A_1176 = arith.maximumf %max3A_1148, %get3A_1175 : vector<16xf32>
        %add3A_1177 = arith.constant 40 : i32
        %add3A_1178 = arith.addi %mul3A_70, %add3A_1177 : i32
        %get3A_1179 = arith.index_cast %add3A_1178 : i32 to index
        %get3A_1180 = arith.constant 0 : index
        %get3A_1181 = tpu.vector_load %arg4[%get3A_1179, %get3A_1180] {strides = array<i32>} : memref<400x64xf32, #tpu.memory_space<vmem>>, vector<1x16xf32>,
        %get3A_1182 = vector.shape_cast %get3A_1181 : vector<1x16xf32> to vector<16xf32>
        %max3A_1183 = arith.maximumf %max3A_1155, %get3A_1182 : vector<16xf32>
        %add3A_1184 = arith.constant 40 : i32
        %add3A_1185 = arith.addi %mul3A_70, %add3A_1184 : i32
        %get3A_1186 = arith.index_cast %add3A_1185 : i32 to index
        %get3A_1187 = arith.constant 16 : index
        %get3A_1188 = tpu.vector_load %arg4[%get3A_1186, %get3A_1187] {strides = array<i32>} : memref<400x64xf32, #tpu.memory_space<vmem>>, vector<1x16xf32>,
        %get3A_1189 = vector.shape_cast %get3A_1188 : vector<1x16xf32> to vector<16xf32>
        %max3A_1190 = arith.maximumf %max3A_1162, %get3A_1189 : vector<16xf32>
        %add3A_1191 = arith.constant 40 : i32
        %add3A_1192 = arith.addi %mul3A_70, %add3A_1191 : i32
        %get3A_1193 = arith.index_cast %add3A_1192 : i32 to index
        %get3A_1194 = arith.constant 32 : index
        %get3A_1195 = tpu.vector_load %arg4[%get3A_1193, %get3A_1194] {strides = array<i32>} : memref<400x64xf32, #tpu.memory_space<vmem>>, vector<1x16xf32>,
        %get3A_1196 = vector.shape_cast %get3A_1195 : vector<1x16xf32> to vector<16xf32>
        %max3A_1197 = arith.maximumf %max3A_1169, %get3A_1196 : vector<16xf32>
        %add3A_1198 = arith.constant 40 : i32
        %add3A_1199 = arith.addi %mul3A_70, %add3A_1198 : i32
        %get3A_1200 = arith.index_cast %add3A_1199 : i32 to index
        %get3A_1201 = arith.constant 48 : index
        %get3A_1202 = tpu.vector_load %arg4[%get3A_1200, %get3A_1201] {strides = array<i32>} : memref<400x64xf32, #tpu.memory_space<vmem>>, vector<1x16xf32>,
        %get3A_1203 = vector.shape_cast %get3A_1202 : vector<1x16xf32> to vector<16xf32>
        %max3A_1204 = arith.maximumf %max3A_1176, %get3A_1203 : vector<16xf32>
        %add3A_1205 = arith.constant 41 : i32
        %add3A_1206 = arith.addi %mul3A_70, %add3A_1205 : i32
        %get3A_1207 = arith.index_cast %add3A_1206 : i32 to index
        %get3A_1208 = arith.constant 0 : index
        %get3A_1209 = tpu.vector_load %arg4[%get3A_1207, %get3A_1208] {strides = array<i32>} : memref<400x64xf32, #tpu.memory_space<vmem>>, vector<1x16xf32>,
        %get3A_1210 = vector.shape_cast %get3A_1209 : vector<1x16xf32> to vector<16xf32>
        %max3A_1211 = arith.maximumf %max3A_1183, %get3A_1210 : vector<16xf32>
        %add3A_1212 = arith.constant 41 : i32
        %add3A_1213 = arith.addi %mul3A_70, %add3A_1212 : i32
        %get3A_1214 = arith.index_cast %add3A_1213 : i32 to index
        %get3A_1215 = arith.constant 16 : index
        %get3A_1216 = tpu.vector_load %arg4[%get3A_1214, %get3A_1215] {strides = array<i32>} : memref<400x64xf32, #tpu.memory_space<vmem>>, vector<1x16xf32>,
        %get3A_1217 = vector.shape_cast %get3A_1216 : vector<1x16xf32> to vector<16xf32>
        %max3A_1218 = arith.maximumf %max3A_1190, %get3A_1217 : vector<16xf32>
        %add3A_1219 = arith.constant 41 : i32
        %add3A_1220 = arith.addi %mul3A_70, %add3A_1219 : i32
        %get3A_1221 = arith.index_cast %add3A_1220 : i32 to index
        %get3A_1222 = arith.constant 32 : index
        %get3A_1223 = tpu.vector_load %arg4[%get3A_1221, %get3A_1222] {strides = array<i32>} : memref<400x64xf32, #tpu.memory_space<vmem>>, vector<1x16xf32>,
        %get3A_1224 = vector.shape_cast %get3A_1223 : vector<1x16xf32> to vector<16xf32>
        %max3A_1225 = arith.maximumf %max3A_1197, %get3A_1224 : vector<16xf32>
        %add3A_1226 = arith.constant 41 : i32
        %add3A_1227 = arith.addi %mul3A_70, %add3A_1226 : i32
        %get3A_1228 = arith.index_cast %add3A_1227 : i32 to index
        %get3A_1229 = arith.constant 48 : index
        %get3A_1230 = tpu.vector_load %arg4[%get3A_1228, %get3A_1229] {strides = array<i32>} : memref<400x64xf32, #tpu.memory_space<vmem>>, vector<1x16xf32>,
        %get3A_1231 = vector.shape_cast %get3A_1230 : vector<1x16xf32> to vector<16xf32>
        %max3A_1232 = arith.maximumf %max3A_1204, %get3A_1231 : vector<16xf32>
        %add3A_1233 = arith.constant 42 : i32
        %add3A_1234 = arith.addi %mul3A_70, %add3A_1233 : i32
        %get3A_1235 = arith.index_cast %add3A_1234 : i32 to index
        %get3A_1236 = arith.constant 0 : index
        %get3A_1237 = tpu.vector_load %arg4[%get3A_1235, %get3A_1236] {strides = array<i32>} : memref<400x64xf32, #tpu.memory_space<vmem>>, vector<1x16xf32>,
        %get3A_1238 = vector.shape_cast %get3A_1237 : vector<1x16xf32> to vector<16xf32>
        %max3A_1239 = arith.maximumf %max3A_1211, %get3A_1238 : vector<16xf32>
        %add3A_1240 = arith.constant 42 : i32
        %add3A_1241 = arith.addi %mul3A_70, %add3A_1240 : i32
        %get3A_1242 = arith.index_cast %add3A_1241 : i32 to index
        %get3A_1243 = arith.constant 16 : index
        %get3A_1244 = tpu.vector_load %arg4[%get3A_1242, %get3A_1243] {strides = array<i32>} : memref<400x64xf32, #tpu.memory_space<vmem>>, vector<1x16xf32>,
        %get3A_1245 = vector.shape_cast %get3A_1244 : vector<1x16xf32> to vector<16xf32>
        %max3A_1246 = arith.maximumf %max3A_1218, %get3A_1245 : vector<16xf32>
        %add3A_1247 = arith.constant 42 : i32
        %add3A_1248 = arith.addi %mul3A_70, %add3A_1247 : i32
        %get3A_1249 = arith.index_cast %add3A_1248 : i32 to index
        %get3A_1250 = arith.constant 32 : index
        %get3A_1251 = tpu.vector_load %arg4[%get3A_1249, %get3A_1250] {strides = array<i32>} : memref<400x64xf32, #tpu.memory_space<vmem>>, vector<1x16xf32>,
        %get3A_1252 = vector.shape_cast %get3A_1251 : vector<1x16xf32> to vector<16xf32>
        %max3A_1253 = arith.maximumf %max3A_1225, %get3A_1252 : vector<16xf32>
        %add3A_1254 = arith.constant 42 : i32
        %add3A_1255 = arith.addi %mul3A_70, %add3A_1254 : i32
        %get3A_1256 = arith.index_cast %add3A_1255 : i32 to index
        %get3A_1257 = arith.constant 48 : index
        %get3A_1258 = tpu.vector_load %arg4[%get3A_1256, %get3A_1257] {strides = array<i32>} : memref<400x64xf32, #tpu.memory_space<vmem>>, vector<1x16xf32>,
        %get3A_1259 = vector.shape_cast %get3A_1258 : vector<1x16xf32> to vector<16xf32>
        %max3A_1260 = arith.maximumf %max3A_1232, %get3A_1259 : vector<16xf32>
        %add3A_1261 = arith.constant 43 : i32
        %add3A_1262 = arith.addi %mul3A_70, %add3A_1261 : i32
        %get3A_1263 = arith.index_cast %add3A_1262 : i32 to index
        %get3A_1264 = arith.constant 0 : index
        %get3A_1265 = tpu.vector_load %arg4[%get3A_1263, %get3A_1264] {strides = array<i32>} : memref<400x64xf32, #tpu.memory_space<vmem>>, vector<1x16xf32>,
        %get3A_1266 = vector.shape_cast %get3A_1265 : vector<1x16xf32> to vector<16xf32>
        %max3A_1267 = arith.maximumf %max3A_1239, %get3A_1266 : vector<16xf32>
        %add3A_1268 = arith.constant 43 : i32
        %add3A_1269 = arith.addi %mul3A_70, %add3A_1268 : i32
        %get3A_1270 = arith.index_cast %add3A_1269 : i32 to index
        %get3A_1271 = arith.constant 16 : index
        %get3A_1272 = tpu.vector_load %arg4[%get3A_1270, %get3A_1271] {strides = array<i32>} : memref<400x64xf32, #tpu.memory_space<vmem>>, vector<1x16xf32>,
        %get3A_1273 = vector.shape_cast %get3A_1272 : vector<1x16xf32> to vector<16xf32>
        %max3A_1274 = arith.maximumf %max3A_1246, %get3A_1273 : vector<16xf32>
        %add3A_1275 = arith.constant 43 : i32
        %add3A_1276 = arith.addi %mul3A_70, %add3A_1275 : i32
        %get3A_1277 = arith.index_cast %add3A_1276 : i32 to index
        %get3A_1278 = arith.constant 32 : index
        %get3A_1279 = tpu.vector_load %arg4[%get3A_1277, %get3A_1278] {strides = array<i32>} : memref<400x64xf32, #tpu.memory_space<vmem>>, vector<1x16xf32>,
        %get3A_1280 = vector.shape_cast %get3A_1279 : vector<1x16xf32> to vector<16xf32>
        %max3A_1281 = arith.maximumf %max3A_1253, %get3A_1280 : vector<16xf32>
        %add3A_1282 = arith.constant 43 : i32
        %add3A_1283 = arith.addi %mul3A_70, %add3A_1282 : i32
        %get3A_1284 = arith.index_cast %add3A_1283 : i32 to index
        %get3A_1285 = arith.constant 48 : index
        %get3A_1286 = tpu.vector_load %arg4[%get3A_1284, %get3A_1285] {strides = array<i32>} : memref<400x64xf32, #tpu.memory_space<vmem>>, vector<1x16xf32>,
        %get3A_1287 = vector.shape_cast %get3A_1286 : vector<1x16xf32> to vector<16xf32>
        %max3A_1288 = arith.maximumf %max3A_1260, %get3A_1287 : vector<16xf32>
        %add3A_1289 = arith.constant 44 : i32
        %add3A_1290 = arith.addi %mul3A_70, %add3A_1289 : i32
        %get3A_1291 = arith.index_cast %add3A_1290 : i32 to index
        %get3A_1292 = arith.constant 0 : index
        %get3A_1293 = tpu.vector_load %arg4[%get3A_1291, %get3A_1292] {strides = array<i32>} : memref<400x64xf32, #tpu.memory_space<vmem>>, vector<1x16xf32>,
        %get3A_1294 = vector.shape_cast %get3A_1293 : vector<1x16xf32> to vector<16xf32>
        %max3A_1295 = arith.maximumf %max3A_1267, %get3A_1294 : vector<16xf32>
        %add3A_1296 = arith.constant 44 : i32
        %add3A_1297 = arith.addi %mul3A_70, %add3A_1296 : i32
        %get3A_1298 = arith.index_cast %add3A_1297 : i32 to index
        %get3A_1299 = arith.constant 16 : index
        %get3A_1300 = tpu.vector_load %arg4[%get3A_1298, %get3A_1299] {strides = array<i32>} : memref<400x64xf32, #tpu.memory_space<vmem>>, vector<1x16xf32>,
        %get3A_1301 = vector.shape_cast %get3A_1300 : vector<1x16xf32> to vector<16xf32>
        %max3A_1302 = arith.maximumf %max3A_1274, %get3A_1301 : vector<16xf32>
        %add3A_1303 = arith.constant 44 : i32
        %add3A_1304 = arith.addi %mul3A_70, %add3A_1303 : i32
        %get3A_1305 = arith.index_cast %add3A_1304 : i32 to index
        %get3A_1306 = arith.constant 32 : index
        %get3A_1307 = tpu.vector_load %arg4[%get3A_1305, %get3A_1306] {strides = array<i32>} : memref<400x64xf32, #tpu.memory_space<vmem>>, vector<1x16xf32>,
        %get3A_1308 = vector.shape_cast %get3A_1307 : vector<1x16xf32> to vector<16xf32>
        %max3A_1309 = arith.maximumf %max3A_1281, %get3A_1308 : vector<16xf32>
        %add3A_1310 = arith.constant 44 : i32
        %add3A_1311 = arith.addi %mul3A_70, %add3A_1310 : i32
        %get3A_1312 = arith.index_cast %add3A_1311 : i32 to index
        %get3A_1313 = arith.constant 48 : index
        %get3A_1314 = tpu.vector_load %arg4[%get3A_1312, %get3A_1313] {strides = array<i32>} : memref<400x64xf32, #tpu.memory_space<vmem>>, vector<1x16xf32>,
        %get3A_1315 = vector.shape_cast %get3A_1314 : vector<1x16xf32> to vector<16xf32>
        %max3A_1316 = arith.maximumf %max3A_1288, %get3A_1315 : vector<16xf32>
        %add3A_1317 = arith.constant 45 : i32
        %add3A_1318 = arith.addi %mul3A_70, %add3A_1317 : i32
        %get3A_1319 = arith.index_cast %add3A_1318 : i32 to index
        %get3A_1320 = arith.constant 0 : index
        %get3A_1321 = tpu.vector_load %arg4[%get3A_1319, %get3A_1320] {strides = array<i32>} : memref<400x64xf32, #tpu.memory_space<vmem>>, vector<1x16xf32>,
        %get3A_1322 = vector.shape_cast %get3A_1321 : vector<1x16xf32> to vector<16xf32>
        %max3A_1323 = arith.maximumf %max3A_1295, %get3A_1322 : vector<16xf32>
        %add3A_1324 = arith.constant 45 : i32
        %add3A_1325 = arith.addi %mul3A_70, %add3A_1324 : i32
        %get3A_1326 = arith.index_cast %add3A_1325 : i32 to index
        %get3A_1327 = arith.constant 16 : index
        %get3A_1328 = tpu.vector_load %arg4[%get3A_1326, %get3A_1327] {strides = array<i32>} : memref<400x64xf32, #tpu.memory_space<vmem>>, vector<1x16xf32>,
        %get3A_1329 = vector.shape_cast %get3A_1328 : vector<1x16xf32> to vector<16xf32>
        %max3A_1330 = arith.maximumf %max3A_1302, %get3A_1329 : vector<16xf32>
        %add3A_1331 = arith.constant 45 : i32
        %add3A_1332 = arith.addi %mul3A_70, %add3A_1331 : i32
        %get3A_1333 = arith.index_cast %add3A_1332 : i32 to index
        %get3A_1334 = arith.constant 32 : index
        %get3A_1335 = tpu.vector_load %arg4[%get3A_1333, %get3A_1334] {strides = array<i32>} : memref<400x64xf32, #tpu.memory_space<vmem>>, vector<1x16xf32>,
        %get3A_1336 = vector.shape_cast %get3A_1335 : vector<1x16xf32> to vector<16xf32>
        %max3A_1337 = arith.maximumf %max3A_1309, %get3A_1336 : vector<16xf32>
        %add3A_1338 = arith.constant 45 : i32
        %add3A_1339 = arith.addi %mul3A_70, %add3A_1338 : i32
        %get3A_1340 = arith.index_cast %add3A_1339 : i32 to index
        %get3A_1341 = arith.constant 48 : index
        %get3A_1342 = tpu.vector_load %arg4[%get3A_1340, %get3A_1341] {strides = array<i32>} : memref<400x64xf32, #tpu.memory_space<vmem>>, vector<1x16xf32>,
        %get3A_1343 = vector.shape_cast %get3A_1342 : vector<1x16xf32> to vector<16xf32>
        %max3A_1344 = arith.maximumf %max3A_1316, %get3A_1343 : vector<16xf32>
        %add3A_1345 = arith.constant 46 : i32
        %add3A_1346 = arith.addi %mul3A_70, %add3A_1345 : i32
        %get3A_1347 = arith.index_cast %add3A_1346 : i32 to index
        %get3A_1348 = arith.constant 0 : index
        %get3A_1349 = tpu.vector_load %arg4[%get3A_1347, %get3A_1348] {strides = array<i32>} : memref<400x64xf32, #tpu.memory_space<vmem>>, vector<1x16xf32>,
        %get3A_1350 = vector.shape_cast %get3A_1349 : vector<1x16xf32> to vector<16xf32>
        %max3A_1351 = arith.maximumf %max3A_1323, %get3A_1350 : vector<16xf32>
        %add3A_1352 = arith.constant 46 : i32
        %add3A_1353 = arith.addi %mul3A_70, %add3A_1352 : i32
        %get3A_1354 = arith.index_cast %add3A_1353 : i32 to index
        %get3A_1355 = arith.constant 16 : index
        %get3A_1356 = tpu.vector_load %arg4[%get3A_1354, %get3A_1355] {strides = array<i32>} : memref<400x64xf32, #tpu.memory_space<vmem>>, vector<1x16xf32>,
        %get3A_1357 = vector.shape_cast %get3A_1356 : vector<1x16xf32> to vector<16xf32>
        %max3A_1358 = arith.maximumf %max3A_1330, %get3A_1357 : vector<16xf32>
        %add3A_1359 = arith.constant 46 : i32
        %add3A_1360 = arith.addi %mul3A_70, %add3A_1359 : i32
        %get3A_1361 = arith.index_cast %add3A_1360 : i32 to index
        %get3A_1362 = arith.constant 32 : index
        %get3A_1363 = tpu.vector_load %arg4[%get3A_1361, %get3A_1362] {strides = array<i32>} : memref<400x64xf32, #tpu.memory_space<vmem>>, vector<1x16xf32>,
        %get3A_1364 = vector.shape_cast %get3A_1363 : vector<1x16xf32> to vector<16xf32>
        %max3A_1365 = arith.maximumf %max3A_1337, %get3A_1364 : vector<16xf32>
        %add3A_1366 = arith.constant 46 : i32
        %add3A_1367 = arith.addi %mul3A_70, %add3A_1366 : i32
        %get3A_1368 = arith.index_cast %add3A_1367 : i32 to index
        %get3A_1369 = arith.constant 48 : index
        %get3A_1370 = tpu.vector_load %arg4[%get3A_1368, %get3A_1369] {strides = array<i32>} : memref<400x64xf32, #tpu.memory_space<vmem>>, vector<1x16xf32>,
        %get3A_1371 = vector.shape_cast %get3A_1370 : vector<1x16xf32> to vector<16xf32>
        %max3A_1372 = arith.maximumf %max3A_1344, %get3A_1371 : vector<16xf32>
        %add3A_1373 = arith.constant 47 : i32
        %add3A_1374 = arith.addi %mul3A_70, %add3A_1373 : i32
        %get3A_1375 = arith.index_cast %add3A_1374 : i32 to index
        %get3A_1376 = arith.constant 0 : index
        %get3A_1377 = tpu.vector_load %arg4[%get3A_1375, %get3A_1376] {strides = array<i32>} : memref<400x64xf32, #tpu.memory_space<vmem>>, vector<1x16xf32>,
        %get3A_1378 = vector.shape_cast %get3A_1377 : vector<1x16xf32> to vector<16xf32>
        %max3A_1379 = arith.maximumf %max3A_1351, %get3A_1378 : vector<16xf32>
        %add3A_1380 = arith.constant 47 : i32
        %add3A_1381 = arith.addi %mul3A_70, %add3A_1380 : i32
        %get3A_1382 = arith.index_cast %add3A_1381 : i32 to index
        %get3A_1383 = arith.constant 16 : index
        %get3A_1384 = tpu.vector_load %arg4[%get3A_1382, %get3A_1383] {strides = array<i32>} : memref<400x64xf32, #tpu.memory_space<vmem>>, vector<1x16xf32>,
        %get3A_1385 = vector.shape_cast %get3A_1384 : vector<1x16xf32> to vector<16xf32>
        %max3A_1386 = arith.maximumf %max3A_1358, %get3A_1385 : vector<16xf32>
        %add3A_1387 = arith.constant 47 : i32
        %add3A_1388 = arith.addi %mul3A_70, %add3A_1387 : i32
        %get3A_1389 = arith.index_cast %add3A_1388 : i32 to index
        %get3A_1390 = arith.constant 32 : index
        %get3A_1391 = tpu.vector_load %arg4[%get3A_1389, %get3A_1390] {strides = array<i32>} : memref<400x64xf32, #tpu.memory_space<vmem>>, vector<1x16xf32>,
        %get3A_1392 = vector.shape_cast %get3A_1391 : vector<1x16xf32> to vector<16xf32>
        %max3A_1393 = arith.maximumf %max3A_1365, %get3A_1392 : vector<16xf32>
        %add3A_1394 = arith.constant 47 : i32
        %add3A_1395 = arith.addi %mul3A_70, %add3A_1394 : i32
        %get3A_1396 = arith.index_cast %add3A_1395 : i32 to index
        %get3A_1397 = arith.constant 48 : index
        %get3A_1398 = tpu.vector_load %arg4[%get3A_1396, %get3A_1397] {strides = array<i32>} : memref<400x64xf32, #tpu.memory_space<vmem>>, vector<1x16xf32>,
        %get3A_1399 = vector.shape_cast %get3A_1398 : vector<1x16xf32> to vector<16xf32>
        %max3A_1400 = arith.maximumf %max3A_1372, %get3A_1399 : vector<16xf32>
        %add3A_1401 = arith.constant 48 : i32
        %add3A_1402 = arith.addi %mul3A_70, %add3A_1401 : i32
        %get3A_1403 = arith.index_cast %add3A_1402 : i32 to index
        %get3A_1404 = arith.constant 0 : index
        %get3A_1405 = tpu.vector_load %arg4[%get3A_1403, %get3A_1404] {strides = array<i32>} : memref<400x64xf32, #tpu.memory_space<vmem>>, vector<1x16xf32>,
        %get3A_1406 = vector.shape_cast %get3A_1405 : vector<1x16xf32> to vector<16xf32>
        %max3A_1407 = arith.maximumf %max3A_1379, %get3A_1406 : vector<16xf32>
        %add3A_1408 = arith.constant 48 : i32
        %add3A_1409 = arith.addi %mul3A_70, %add3A_1408 : i32
        %get3A_1410 = arith.index_cast %add3A_1409 : i32 to index
        %get3A_1411 = arith.constant 16 : index
        %get3A_1412 = tpu.vector_load %arg4[%get3A_1410, %get3A_1411] {strides = array<i32>} : memref<400x64xf32, #tpu.memory_space<vmem>>, vector<1x16xf32>,
        %get3A_1413 = vector.shape_cast %get3A_1412 : vector<1x16xf32> to vector<16xf32>
        %max3A_1414 = arith.maximumf %max3A_1386, %get3A_1413 : vector<16xf32>
        %add3A_1415 = arith.constant 48 : i32
        %add3A_1416 = arith.addi %mul3A_70, %add3A_1415 : i32
        %get3A_1417 = arith.index_cast %add3A_1416 : i32 to index
        %get3A_1418 = arith.constant 32 : index
        %get3A_1419 = tpu.vector_load %arg4[%get3A_1417, %get3A_1418] {strides = array<i32>} : memref<400x64xf32, #tpu.memory_space<vmem>>, vector<1x16xf32>,
        %get3A_1420 = vector.shape_cast %get3A_1419 : vector<1x16xf32> to vector<16xf32>
        %max3A_1421 = arith.maximumf %max3A_1393, %get3A_1420 : vector<16xf32>
        %add3A_1422 = arith.constant 48 : i32
        %add3A_1423 = arith.addi %mul3A_70, %add3A_1422 : i32
        %get3A_1424 = arith.index_cast %add3A_1423 : i32 to index
        %get3A_1425 = arith.constant 48 : index
        %get3A_1426 = tpu.vector_load %arg4[%get3A_1424, %get3A_1425] {strides = array<i32>} : memref<400x64xf32, #tpu.memory_space<vmem>>, vector<1x16xf32>,
        %get3A_1427 = vector.shape_cast %get3A_1426 : vector<1x16xf32> to vector<16xf32>
        %max3A_1428 = arith.maximumf %max3A_1400, %get3A_1427 : vector<16xf32>
        %add3A_1429 = arith.constant 49 : i32
        %add3A_1430 = arith.addi %mul3A_70, %add3A_1429 : i32
        %get3A_1431 = arith.index_cast %add3A_1430 : i32 to index
        %get3A_1432 = arith.constant 0 : index
        %get3A_1433 = tpu.vector_load %arg4[%get3A_1431, %get3A_1432] {strides = array<i32>} : memref<400x64xf32, #tpu.memory_space<vmem>>, vector<1x16xf32>,
        %get3A_1434 = vector.shape_cast %get3A_1433 : vector<1x16xf32> to vector<16xf32>
        %max3A_1435 = arith.maximumf %max3A_1407, %get3A_1434 : vector<16xf32>
        %add3A_1436 = arith.constant 49 : i32
        %add3A_1437 = arith.addi %mul3A_70, %add3A_1436 : i32
        %get3A_1438 = arith.index_cast %add3A_1437 : i32 to index
        %get3A_1439 = arith.constant 16 : index
        %get3A_1440 = tpu.vector_load %arg4[%get3A_1438, %get3A_1439] {strides = array<i32>} : memref<400x64xf32, #tpu.memory_space<vmem>>, vector<1x16xf32>,
        %get3A_1441 = vector.shape_cast %get3A_1440 : vector<1x16xf32> to vector<16xf32>
        %max3A_1442 = arith.maximumf %max3A_1414, %get3A_1441 : vector<16xf32>
        %add3A_1443 = arith.constant 49 : i32
        %add3A_1444 = arith.addi %mul3A_70, %add3A_1443 : i32
        %get3A_1445 = arith.index_cast %add3A_1444 : i32 to index
        %get3A_1446 = arith.constant 32 : index
        %get3A_1447 = tpu.vector_load %arg4[%get3A_1445, %get3A_1446] {strides = array<i32>} : memref<400x64xf32, #tpu.memory_space<vmem>>, vector<1x16xf32>,
        %get3A_1448 = vector.shape_cast %get3A_1447 : vector<1x16xf32> to vector<16xf32>
        %max3A_1449 = arith.maximumf %max3A_1421, %get3A_1448 : vector<16xf32>
        %add3A_1450 = arith.constant 49 : i32
        %add3A_1451 = arith.addi %mul3A_70, %add3A_1450 : i32
        %get3A_1452 = arith.index_cast %add3A_1451 : i32 to index
        %get3A_1453 = arith.constant 48 : index
        %get3A_1454 = tpu.vector_load %arg4[%get3A_1452, %get3A_1453] {strides = array<i32>} : memref<400x64xf32, #tpu.memory_space<vmem>>, vector<1x16xf32>,
        %get3A_1455 = vector.shape_cast %get3A_1454 : vector<1x16xf32> to vector<16xf32>
        %max3A_1456 = arith.maximumf %max3A_1428, %get3A_1455 : vector<16xf32>
        %swap3A = arith.index_cast %scan3A_68 : i32 to index
        %swap3A_1457 = arith.constant 0 : index
        %swap3A_1458 = tpu.vector_load %arg6[%swap3A, %swap3A_1457] {strides = array<i32>} : memref<8x64xf32, #tpu.memory_space<vmem>>, vector<1x16xf32>,
        %swap3A_1459 = vector.shape_cast %swap3A_1458 : vector<1x16xf32> to vector<16xf32>
        %swap3A_1460 = vector.shape_cast %max3A_1435 : vector<16xf32> to vector<1x16xf32>
        tpu.vector_store %arg6[%swap3A, %swap3A_1457], %swap3A_1460 {strides = array<i32>} : memref<8x64xf32, #tpu.memory_space<vmem>>, vector<1x16xf32>,
        %swap3A_1461 = arith.index_cast %scan3A_68 : i32 to index
        %swap3A_1462 = arith.constant 16 : index
        %swap3A_1463 = tpu.vector_load %arg6[%swap3A_1461, %swap3A_1462] {strides = array<i32>} : memref<8x64xf32, #tpu.memory_space<vmem>>, vector<1x16xf32>,
        %swap3A_1464 = vector.shape_cast %swap3A_1463 : vector<1x16xf32> to vector<16xf32>
        %swap3A_1465 = vector.shape_cast %max3A_1442 : vector<16xf32> to vector<1x16xf32>
        tpu.vector_store %arg6[%swap3A_1461, %swap3A_1462], %swap3A_1465 {strides = array<i32>} : memref<8x64xf32, #tpu.memory_space<vmem>>, vector<1x16xf32>,
        %swap3A_1466 = arith.index_cast %scan3A_68 : i32 to index
        %swap3A_1467 = arith.constant 32 : index
        %swap3A_1468 = tpu.vector_load %arg6[%swap3A_1466, %swap3A_1467] {strides = array<i32>} : memref<8x64xf32, #tpu.memory_space<vmem>>, vector<1x16xf32>,
        %swap3A_1469 = vector.shape_cast %swap3A_1468 : vector<1x16xf32> to vector<16xf32>
        %swap3A_1470 = vector.shape_cast %max3A_1449 : vector<16xf32> to vector<1x16xf32>
        tpu.vector_store %arg6[%swap3A_1466, %swap3A_1467], %swap3A_1470 {strides = array<i32>} : memref<8x64xf32, #tpu.memory_space<vmem>>, vector<1x16xf32>,
        %swap3A_1471 = arith.index_cast %scan3A_68 : i32 to index
        %swap3A_1472 = arith.constant 48 : index
        %swap3A_1473 = tpu.vector_load %arg6[%swap3A_1471, %swap3A_1472] {strides = array<i32>} : memref<8x64xf32, #tpu.memory_space<vmem>>, vector<1x16xf32>,
        %swap3A_1474 = vector.shape_cast %swap3A_1473 : vector<1x16xf32> to vector<16xf32>
        %swap3A_1475 = vector.shape_cast %max3A_1456 : vector<16xf32> to vector<1x16xf32>
        tpu.vector_store %arg6[%swap3A_1471, %swap3A_1472], %swap3A_1475 {strides = array<i32>} : memref<8x64xf32, #tpu.memory_space<vmem>>, vector<1x16xf32>,
      }
      %scan3A_40 = arith.constant 8 : i32
      %mul3A_41 = arith.constant 8 : i32
      %mul3A_42 = arith.muli %mul3A_19, %mul3A_41 : i32
      %add3A_43 = arith.addi %mul3A_6, %mul3A_42 : i32
      "tpu.region"() ({
        %run_scoped3A = tpu.sem_alloc : memref<!tpu.dma_semaphore, #tpu.memory_space<semaphore_mem>>
        %dma_start3A_68 = arith.constant 0 : i32
        %dma_start3A_69 = tpu.memref_slice %arg3[%add3A_43, %dma_start3A_68] : memref<16384x64xf32, #tpu.memory_space<hbm>> -> memref<8x64xf32, #tpu.memory_space<hbm>>
        %dma_start3A_70 = arith.constant 0 : i32
        %dma_start3A_71 = tpu.memref_slice %arg3[%add3A_43, %dma_start3A_70] : memref<16384x64xf32, #tpu.memory_space<hbm>> -> memref<8x64xf32, #tpu.memory_space<hbm>>
        tpu.enqueue_dma source(%arg6 : memref<8x64xf32, #tpu.memory_space<vmem>>) target(%dma_start3A_71 : memref<8x64xf32, #tpu.memory_space<hbm>>) target_semaphore(%run_scoped3A : memref<!tpu.dma_semaphore, #tpu.memory_space<semaphore_mem>>)
        %dma_wait3A_72 = arith.constant 0 : i32
        %dma_wait3A_73 = tpu.memref_slice %arg3[%add3A_43, %dma_wait3A_72] : memref<16384x64xf32, #tpu.memory_space<hbm>> -> memref<8x64xf32, #tpu.memory_space<hbm>>
        %dma_wait3A_74 = arith.constant 0 : i32
        %dma_wait3A_75 = tpu.memref_slice %arg3[%add3A_43, %dma_wait3A_74] : memref<16384x64xf32, #tpu.memory_space<hbm>> -> memref<8x64xf32, #tpu.memory_space<hbm>>
        tpu.wait_dma2 semaphore(%run_scoped3A : memref<!tpu.dma_semaphore, #tpu.memory_space<semaphore_mem>>) src(%arg6 : memref<8x64xf32, #tpu.memory_space<vmem>>) dst(%dma_wait3A_75 : memref<8x64xf32, #tpu.memory_space<hbm>>)
        tpu.yield
      }) : () -> ()
      %add3A_44 = arith.constant 1 : i32
      %add3A_45 = arith.addi %scan3A_17, %add3A_44 : i32
      %lt3A = arith.constant 32 : i32
      %lt3A_46 = arith.cmpi slt, %add3A_45, %lt3A : i32
      %convert_element_type3A = arith.extui %lt3A_46 : i1 to i32
      %cond3A = arith.constant 0 : i32
      %cond3A_47 = arith.cmpi ne, %convert_element_type3A, %cond3A : i32
      scf.if %cond3A_47 {
        %add3A_68 = arith.constant 2 : i32
        %add3A_69 = arith.addi %mul3A_19, %add3A_68 : i32
        %mul3A_70 = arith.constant 400 : i32
        %mul3A_71 = arith.muli %add3A_69, %mul3A_70 : i32
        %add3A_72 = arith.addi %mul3A_4, %mul3A_71 : i32
        %dma_start3A_73 = arith.constant 0 : i32
        %dma_start3A_74 = tpu.memref_slice %arg2[%add3A_72, %dma_start3A_73] : memref<819200x64xf32, #tpu.memory_space<hbm>> -> memref<400x64xf32, #tpu.memory_space<hbm>>
        %dma_start3A_75 = arith.constant 0 : i32
        %dma_start3A_76 = tpu.memref_slice %arg2[%add3A_72, %dma_start3A_75] : memref<819200x64xf32, #tpu.memory_space<hbm>> -> memref<400x64xf32, #tpu.memory_space<hbm>>
        tpu.enqueue_dma source(%dma_start3A_76 : memref<400x64xf32, #tpu.memory_space<hbm>>) target(%arg4 : memref<400x64xf32, #tpu.memory_space<vmem>>) target_semaphore(%arg7 : memref<!tpu.dma_semaphore, #tpu.memory_space<semaphore_mem>>)
      } else {
      }
      %add3A_48 = arith.constant 1 : i32
      %add3A_49 = arith.addi %mul3A_19, %add3A_48 : i32
      %mul3A_50 = arith.constant 400 : i32
      %mul3A_51 = arith.muli %add3A_49, %mul3A_50 : i32
      %add3A_52 = arith.addi %mul3A_4, %mul3A_51 : i32
      %dma_wait3A_53 = arith.constant 0 : i32
      %dma_wait3A_54 = tpu.memref_slice %arg2[%add3A_52, %dma_wait3A_53] : memref<819200x64xf32, #tpu.memory_space<hbm>> -> memref<400x64xf32, #tpu.memory_space<hbm>>
      %dma_wait3A_55 = arith.constant 0 : i32
      %dma_wait3A_56 = tpu.memref_slice %arg2[%add3A_52, %dma_wait3A_55] : memref<819200x64xf32, #tpu.memory_space<hbm>> -> memref<400x64xf32, #tpu.memory_space<hbm>>
      tpu.wait_dma2 semaphore(%arg8 : memref<!tpu.dma_semaphore, #tpu.memory_space<semaphore_mem>>) src(%dma_wait3A_56 : memref<400x64xf32, #tpu.memory_space<hbm>>) dst(%arg5 : memref<400x64xf32, #tpu.memory_space<vmem>>)
      %add3A_57 = arith.constant 1 : i32
      %add3A_58 = arith.addi %mul3A_19, %add3A_57 : i32
      %scan3A_59 = arith.constant 0 : i32
      %scan3A_60 = arith.constant 0 : i32
      %scan3A_61 = arith.constant 8 : i32
      %scan3A_62 = arith.addi %scan3A_60, %scan3A_61 : i32
      %scan3A_63 = arith.constant 1 : i32
      scf.for %scan3A_68 = %scan3A_60 to %scan3A_62 step %scan3A_63  : i32 {
        %mul3A_69 = arith.constant 50 : i32
        %mul3A_70 = arith.muli %scan3A_68, %mul3A_69 : i32
        %get3A = arith.index_cast %mul3A_70 : i32 to index
        %get3A_71 = arith.constant 0 : index
        %get3A_72 = tpu.vector_load %arg5[%get3A, %get3A_71] {strides = array<i32>} : memref<400x64xf32, #tpu.memory_space<vmem>>, vector<1x16xf32>,
        %get3A_73 = vector.shape_cast %get3A_72 : vector<1x16xf32> to vector<16xf32>
        %get3A_74 = arith.index_cast %mul3A_70 : i32 to index
        %get3A_75 = arith.constant 16 : index
        %get3A_76 = tpu.vector_load %arg5[%get3A_74, %get3A_75] {strides = array<i32>} : memref<400x64xf32, #tpu.memory_space<vmem>>, vector<1x16xf32>,
        %get3A_77 = vector.shape_cast %get3A_76 : vector<1x16xf32> to vector<16xf32>
        %get3A_78 = arith.index_cast %mul3A_70 : i32 to index
        %get3A_79 = arith.constant 32 : index
        %get3A_80 = tpu.vector_load %arg5[%get3A_78, %get3A_79] {strides = array<i32>} : memref<400x64xf32, #tpu.memory_space<vmem>>, vector<1x16xf32>,
        %get3A_81 = vector.shape_cast %get3A_80 : vector<1x16xf32> to vector<16xf32>
        %get3A_82 = arith.index_cast %mul3A_70 : i32 to index
        %get3A_83 = arith.constant 48 : index
        %get3A_84 = tpu.vector_load %arg5[%get3A_82, %get3A_83] {strides = array<i32>} : memref<400x64xf32, #tpu.memory_space<vmem>>, vector<1x16xf32>,
        %get3A_85 = vector.shape_cast %get3A_84 : vector<1x16xf32> to vector<16xf32>
        %add3A_86 = arith.constant 1 : i32
        %add3A_87 = arith.addi %mul3A_70, %add3A_86 : i32
        %get3A_88 = arith.index_cast %add3A_87 : i32 to index
        %get3A_89 = arith.constant 0 : index
        %get3A_90 = tpu.vector_load %arg5[%get3A_88, %get3A_89] {strides = array<i32>} : memref<400x64xf32, #tpu.memory_space<vmem>>, vector<1x16xf32>,
        %get3A_91 = vector.shape_cast %get3A_90 : vector<1x16xf32> to vector<16xf32>
        %max3A = arith.maximumf %get3A_73, %get3A_91 : vector<16xf32>
        %add3A_92 = arith.constant 1 : i32
        %add3A_93 = arith.addi %mul3A_70, %add3A_92 : i32
        %get3A_94 = arith.index_cast %add3A_93 : i32 to index
        %get3A_95 = arith.constant 16 : index
        %get3A_96 = tpu.vector_load %arg5[%get3A_94, %get3A_95] {strides = array<i32>} : memref<400x64xf32, #tpu.memory_space<vmem>>, vector<1x16xf32>,
        %get3A_97 = vector.shape_cast %get3A_96 : vector<1x16xf32> to vector<16xf32>
        %max3A_98 = arith.maximumf %get3A_77, %get3A_97 : vector<16xf32>
        %add3A_99 = arith.constant 1 : i32
        %add3A_100 = arith.addi %mul3A_70, %add3A_99 : i32
        %get3A_101 = arith.index_cast %add3A_100 : i32 to index
        %get3A_102 = arith.constant 32 : index
        %get3A_103 = tpu.vector_load %arg5[%get3A_101, %get3A_102] {strides = array<i32>} : memref<400x64xf32, #tpu.memory_space<vmem>>, vector<1x16xf32>,
        %get3A_104 = vector.shape_cast %get3A_103 : vector<1x16xf32> to vector<16xf32>
        %max3A_105 = arith.maximumf %get3A_81, %get3A_104 : vector<16xf32>
        %add3A_106 = arith.constant 1 : i32
        %add3A_107 = arith.addi %mul3A_70, %add3A_106 : i32
        %get3A_108 = arith.index_cast %add3A_107 : i32 to index
        %get3A_109 = arith.constant 48 : index
        %get3A_110 = tpu.vector_load %arg5[%get3A_108, %get3A_109] {strides = array<i32>} : memref<400x64xf32, #tpu.memory_space<vmem>>, vector<1x16xf32>,
        %get3A_111 = vector.shape_cast %get3A_110 : vector<1x16xf32> to vector<16xf32>
        %max3A_112 = arith.maximumf %get3A_85, %get3A_111 : vector<16xf32>
        %add3A_113 = arith.constant 2 : i32
        %add3A_114 = arith.addi %mul3A_70, %add3A_113 : i32
        %get3A_115 = arith.index_cast %add3A_114 : i32 to index
        %get3A_116 = arith.constant 0 : index
        %get3A_117 = tpu.vector_load %arg5[%get3A_115, %get3A_116] {strides = array<i32>} : memref<400x64xf32, #tpu.memory_space<vmem>>, vector<1x16xf32>,
        %get3A_118 = vector.shape_cast %get3A_117 : vector<1x16xf32> to vector<16xf32>
        %max3A_119 = arith.maximumf %max3A, %get3A_118 : vector<16xf32>
        %add3A_120 = arith.constant 2 : i32
        %add3A_121 = arith.addi %mul3A_70, %add3A_120 : i32
        %get3A_122 = arith.index_cast %add3A_121 : i32 to index
        %get3A_123 = arith.constant 16 : index
        %get3A_124 = tpu.vector_load %arg5[%get3A_122, %get3A_123] {strides = array<i32>} : memref<400x64xf32, #tpu.memory_space<vmem>>, vector<1x16xf32>,
        %get3A_125 = vector.shape_cast %get3A_124 : vector<1x16xf32> to vector<16xf32>
        %max3A_126 = arith.maximumf %max3A_98, %get3A_125 : vector<16xf32>
        %add3A_127 = arith.constant 2 : i32
        %add3A_128 = arith.addi %mul3A_70, %add3A_127 : i32
        %get3A_129 = arith.index_cast %add3A_128 : i32 to index
        %get3A_130 = arith.constant 32 : index
        %get3A_131 = tpu.vector_load %arg5[%get3A_129, %get3A_130] {strides = array<i32>} : memref<400x64xf32, #tpu.memory_space<vmem>>, vector<1x16xf32>,
        %get3A_132 = vector.shape_cast %get3A_131 : vector<1x16xf32> to vector<16xf32>
        %max3A_133 = arith.maximumf %max3A_105, %get3A_132 : vector<16xf32>
        %add3A_134 = arith.constant 2 : i32
        %add3A_135 = arith.addi %mul3A_70, %add3A_134 : i32
        %get3A_136 = arith.index_cast %add3A_135 : i32 to index
        %get3A_137 = arith.constant 48 : index
        %get3A_138 = tpu.vector_load %arg5[%get3A_136, %get3A_137] {strides = array<i32>} : memref<400x64xf32, #tpu.memory_space<vmem>>, vector<1x16xf32>,
        %get3A_139 = vector.shape_cast %get3A_138 : vector<1x16xf32> to vector<16xf32>
        %max3A_140 = arith.maximumf %max3A_112, %get3A_139 : vector<16xf32>
        %add3A_141 = arith.constant 3 : i32
        %add3A_142 = arith.addi %mul3A_70, %add3A_141 : i32
        %get3A_143 = arith.index_cast %add3A_142 : i32 to index
        %get3A_144 = arith.constant 0 : index
        %get3A_145 = tpu.vector_load %arg5[%get3A_143, %get3A_144] {strides = array<i32>} : memref<400x64xf32, #tpu.memory_space<vmem>>, vector<1x16xf32>,
        %get3A_146 = vector.shape_cast %get3A_145 : vector<1x16xf32> to vector<16xf32>
        %max3A_147 = arith.maximumf %max3A_119, %get3A_146 : vector<16xf32>
        %add3A_148 = arith.constant 3 : i32
        %add3A_149 = arith.addi %mul3A_70, %add3A_148 : i32
        %get3A_150 = arith.index_cast %add3A_149 : i32 to index
        %get3A_151 = arith.constant 16 : index
        %get3A_152 = tpu.vector_load %arg5[%get3A_150, %get3A_151] {strides = array<i32>} : memref<400x64xf32, #tpu.memory_space<vmem>>, vector<1x16xf32>,
        %get3A_153 = vector.shape_cast %get3A_152 : vector<1x16xf32> to vector<16xf32>
        %max3A_154 = arith.maximumf %max3A_126, %get3A_153 : vector<16xf32>
        %add3A_155 = arith.constant 3 : i32
        %add3A_156 = arith.addi %mul3A_70, %add3A_155 : i32
        %get3A_157 = arith.index_cast %add3A_156 : i32 to index
        %get3A_158 = arith.constant 32 : index
        %get3A_159 = tpu.vector_load %arg5[%get3A_157, %get3A_158] {strides = array<i32>} : memref<400x64xf32, #tpu.memory_space<vmem>>, vector<1x16xf32>,
        %get3A_160 = vector.shape_cast %get3A_159 : vector<1x16xf32> to vector<16xf32>
        %max3A_161 = arith.maximumf %max3A_133, %get3A_160 : vector<16xf32>
        %add3A_162 = arith.constant 3 : i32
        %add3A_163 = arith.addi %mul3A_70, %add3A_162 : i32
        %get3A_164 = arith.index_cast %add3A_163 : i32 to index
        %get3A_165 = arith.constant 48 : index
        %get3A_166 = tpu.vector_load %arg5[%get3A_164, %get3A_165] {strides = array<i32>} : memref<400x64xf32, #tpu.memory_space<vmem>>, vector<1x16xf32>,
        %get3A_167 = vector.shape_cast %get3A_166 : vector<1x16xf32> to vector<16xf32>
        %max3A_168 = arith.maximumf %max3A_140, %get3A_167 : vector<16xf32>
        %add3A_169 = arith.constant 4 : i32
        %add3A_170 = arith.addi %mul3A_70, %add3A_169 : i32
        %get3A_171 = arith.index_cast %add3A_170 : i32 to index
        %get3A_172 = arith.constant 0 : index
        %get3A_173 = tpu.vector_load %arg5[%get3A_171, %get3A_172] {strides = array<i32>} : memref<400x64xf32, #tpu.memory_space<vmem>>, vector<1x16xf32>,
        %get3A_174 = vector.shape_cast %get3A_173 : vector<1x16xf32> to vector<16xf32>
        %max3A_175 = arith.maximumf %max3A_147, %get3A_174 : vector<16xf32>
        %add3A_176 = arith.constant 4 : i32
        %add3A_177 = arith.addi %mul3A_70, %add3A_176 : i32
        %get3A_178 = arith.index_cast %add3A_177 : i32 to index
        %get3A_179 = arith.constant 16 : index
        %get3A_180 = tpu.vector_load %arg5[%get3A_178, %get3A_179] {strides = array<i32>} : memref<400x64xf32, #tpu.memory_space<vmem>>, vector<1x16xf32>,
        %get3A_181 = vector.shape_cast %get3A_180 : vector<1x16xf32> to vector<16xf32>
        %max3A_182 = arith.maximumf %max3A_154, %get3A_181 : vector<16xf32>
        %add3A_183 = arith.constant 4 : i32
        %add3A_184 = arith.addi %mul3A_70, %add3A_183 : i32
        %get3A_185 = arith.index_cast %add3A_184 : i32 to index
        %get3A_186 = arith.constant 32 : index
        %get3A_187 = tpu.vector_load %arg5[%get3A_185, %get3A_186] {strides = array<i32>} : memref<400x64xf32, #tpu.memory_space<vmem>>, vector<1x16xf32>,
        %get3A_188 = vector.shape_cast %get3A_187 : vector<1x16xf32> to vector<16xf32>
        %max3A_189 = arith.maximumf %max3A_161, %get3A_188 : vector<16xf32>
        %add3A_190 = arith.constant 4 : i32
        %add3A_191 = arith.addi %mul3A_70, %add3A_190 : i32
        %get3A_192 = arith.index_cast %add3A_191 : i32 to index
        %get3A_193 = arith.constant 48 : index
        %get3A_194 = tpu.vector_load %arg5[%get3A_192, %get3A_193] {strides = array<i32>} : memref<400x64xf32, #tpu.memory_space<vmem>>, vector<1x16xf32>,
        %get3A_195 = vector.shape_cast %get3A_194 : vector<1x16xf32> to vector<16xf32>
        %max3A_196 = arith.maximumf %max3A_168, %get3A_195 : vector<16xf32>
        %add3A_197 = arith.constant 5 : i32
        %add3A_198 = arith.addi %mul3A_70, %add3A_197 : i32
        %get3A_199 = arith.index_cast %add3A_198 : i32 to index
        %get3A_200 = arith.constant 0 : index
        %get3A_201 = tpu.vector_load %arg5[%get3A_199, %get3A_200] {strides = array<i32>} : memref<400x64xf32, #tpu.memory_space<vmem>>, vector<1x16xf32>,
        %get3A_202 = vector.shape_cast %get3A_201 : vector<1x16xf32> to vector<16xf32>
        %max3A_203 = arith.maximumf %max3A_175, %get3A_202 : vector<16xf32>
        %add3A_204 = arith.constant 5 : i32
        %add3A_205 = arith.addi %mul3A_70, %add3A_204 : i32
        %get3A_206 = arith.index_cast %add3A_205 : i32 to index
        %get3A_207 = arith.constant 16 : index
        %get3A_208 = tpu.vector_load %arg5[%get3A_206, %get3A_207] {strides = array<i32>} : memref<400x64xf32, #tpu.memory_space<vmem>>, vector<1x16xf32>,
        %get3A_209 = vector.shape_cast %get3A_208 : vector<1x16xf32> to vector<16xf32>
        %max3A_210 = arith.maximumf %max3A_182, %get3A_209 : vector<16xf32>
        %add3A_211 = arith.constant 5 : i32
        %add3A_212 = arith.addi %mul3A_70, %add3A_211 : i32
        %get3A_213 = arith.index_cast %add3A_212 : i32 to index
        %get3A_214 = arith.constant 32 : index
        %get3A_215 = tpu.vector_load %arg5[%get3A_213, %get3A_214] {strides = array<i32>} : memref<400x64xf32, #tpu.memory_space<vmem>>, vector<1x16xf32>,
        %get3A_216 = vector.shape_cast %get3A_215 : vector<1x16xf32> to vector<16xf32>
        %max3A_217 = arith.maximumf %max3A_189, %get3A_216 : vector<16xf32>
        %add3A_218 = arith.constant 5 : i32
        %add3A_219 = arith.addi %mul3A_70, %add3A_218 : i32
        %get3A_220 = arith.index_cast %add3A_219 : i32 to index
        %get3A_221 = arith.constant 48 : index
        %get3A_222 = tpu.vector_load %arg5[%get3A_220, %get3A_221] {strides = array<i32>} : memref<400x64xf32, #tpu.memory_space<vmem>>, vector<1x16xf32>,
        %get3A_223 = vector.shape_cast %get3A_222 : vector<1x16xf32> to vector<16xf32>
        %max3A_224 = arith.maximumf %max3A_196, %get3A_223 : vector<16xf32>
        %add3A_225 = arith.constant 6 : i32
        %add3A_226 = arith.addi %mul3A_70, %add3A_225 : i32
        %get3A_227 = arith.index_cast %add3A_226 : i32 to index
        %get3A_228 = arith.constant 0 : index
        %get3A_229 = tpu.vector_load %arg5[%get3A_227, %get3A_228] {strides = array<i32>} : memref<400x64xf32, #tpu.memory_space<vmem>>, vector<1x16xf32>,
        %get3A_230 = vector.shape_cast %get3A_229 : vector<1x16xf32> to vector<16xf32>
        %max3A_231 = arith.maximumf %max3A_203, %get3A_230 : vector<16xf32>
        %add3A_232 = arith.constant 6 : i32
        %add3A_233 = arith.addi %mul3A_70, %add3A_232 : i32
        %get3A_234 = arith.index_cast %add3A_233 : i32 to index
        %get3A_235 = arith.constant 16 : index
        %get3A_236 = tpu.vector_load %arg5[%get3A_234, %get3A_235] {strides = array<i32>} : memref<400x64xf32, #tpu.memory_space<vmem>>, vector<1x16xf32>,
        %get3A_237 = vector.shape_cast %get3A_236 : vector<1x16xf32> to vector<16xf32>
        %max3A_238 = arith.maximumf %max3A_210, %get3A_237 : vector<16xf32>
        %add3A_239 = arith.constant 6 : i32
        %add3A_240 = arith.addi %mul3A_70, %add3A_239 : i32
        %get3A_241 = arith.index_cast %add3A_240 : i32 to index
        %get3A_242 = arith.constant 32 : index
        %get3A_243 = tpu.vector_load %arg5[%get3A_241, %get3A_242] {strides = array<i32>} : memref<400x64xf32, #tpu.memory_space<vmem>>, vector<1x16xf32>,
        %get3A_244 = vector.shape_cast %get3A_243 : vector<1x16xf32> to vector<16xf32>
        %max3A_245 = arith.maximumf %max3A_217, %get3A_244 : vector<16xf32>
        %add3A_246 = arith.constant 6 : i32
        %add3A_247 = arith.addi %mul3A_70, %add3A_246 : i32
        %get3A_248 = arith.index_cast %add3A_247 : i32 to index
        %get3A_249 = arith.constant 48 : index
        %get3A_250 = tpu.vector_load %arg5[%get3A_248, %get3A_249] {strides = array<i32>} : memref<400x64xf32, #tpu.memory_space<vmem>>, vector<1x16xf32>,
        %get3A_251 = vector.shape_cast %get3A_250 : vector<1x16xf32> to vector<16xf32>
        %max3A_252 = arith.maximumf %max3A_224, %get3A_251 : vector<16xf32>
        %add3A_253 = arith.constant 7 : i32
        %add3A_254 = arith.addi %mul3A_70, %add3A_253 : i32
        %get3A_255 = arith.index_cast %add3A_254 : i32 to index
        %get3A_256 = arith.constant 0 : index
        %get3A_257 = tpu.vector_load %arg5[%get3A_255, %get3A_256] {strides = array<i32>} : memref<400x64xf32, #tpu.memory_space<vmem>>, vector<1x16xf32>,
        %get3A_258 = vector.shape_cast %get3A_257 : vector<1x16xf32> to vector<16xf32>
        %max3A_259 = arith.maximumf %max3A_231, %get3A_258 : vector<16xf32>
        %add3A_260 = arith.constant 7 : i32
        %add3A_261 = arith.addi %mul3A_70, %add3A_260 : i32
        %get3A_262 = arith.index_cast %add3A_261 : i32 to index
        %get3A_263 = arith.constant 16 : index
        %get3A_264 = tpu.vector_load %arg5[%get3A_262, %get3A_263] {strides = array<i32>} : memref<400x64xf32, #tpu.memory_space<vmem>>, vector<1x16xf32>,
        %get3A_265 = vector.shape_cast %get3A_264 : vector<1x16xf32> to vector<16xf32>
        %max3A_266 = arith.maximumf %max3A_238, %get3A_265 : vector<16xf32>
        %add3A_267 = arith.constant 7 : i32
        %add3A_268 = arith.addi %mul3A_70, %add3A_267 : i32
        %get3A_269 = arith.index_cast %add3A_268 : i32 to index
        %get3A_270 = arith.constant 32 : index
        %get3A_271 = tpu.vector_load %arg5[%get3A_269, %get3A_270] {strides = array<i32>} : memref<400x64xf32, #tpu.memory_space<vmem>>, vector<1x16xf32>,
        %get3A_272 = vector.shape_cast %get3A_271 : vector<1x16xf32> to vector<16xf32>
        %max3A_273 = arith.maximumf %max3A_245, %get3A_272 : vector<16xf32>
        %add3A_274 = arith.constant 7 : i32
        %add3A_275 = arith.addi %mul3A_70, %add3A_274 : i32
        %get3A_276 = arith.index_cast %add3A_275 : i32 to index
        %get3A_277 = arith.constant 48 : index
        %get3A_278 = tpu.vector_load %arg5[%get3A_276, %get3A_277] {strides = array<i32>} : memref<400x64xf32, #tpu.memory_space<vmem>>, vector<1x16xf32>,
        %get3A_279 = vector.shape_cast %get3A_278 : vector<1x16xf32> to vector<16xf32>
        %max3A_280 = arith.maximumf %max3A_252, %get3A_279 : vector<16xf32>
        %add3A_281 = arith.constant 8 : i32
        %add3A_282 = arith.addi %mul3A_70, %add3A_281 : i32
        %get3A_283 = arith.index_cast %add3A_282 : i32 to index
        %get3A_284 = arith.constant 0 : index
        %get3A_285 = tpu.vector_load %arg5[%get3A_283, %get3A_284] {strides = array<i32>} : memref<400x64xf32, #tpu.memory_space<vmem>>, vector<1x16xf32>,
        %get3A_286 = vector.shape_cast %get3A_285 : vector<1x16xf32> to vector<16xf32>
        %max3A_287 = arith.maximumf %max3A_259, %get3A_286 : vector<16xf32>
        %add3A_288 = arith.constant 8 : i32
        %add3A_289 = arith.addi %mul3A_70, %add3A_288 : i32
        %get3A_290 = arith.index_cast %add3A_289 : i32 to index
        %get3A_291 = arith.constant 16 : index
        %get3A_292 = tpu.vector_load %arg5[%get3A_290, %get3A_291] {strides = array<i32>} : memref<400x64xf32, #tpu.memory_space<vmem>>, vector<1x16xf32>,
        %get3A_293 = vector.shape_cast %get3A_292 : vector<1x16xf32> to vector<16xf32>
        %max3A_294 = arith.maximumf %max3A_266, %get3A_293 : vector<16xf32>
        %add3A_295 = arith.constant 8 : i32
        %add3A_296 = arith.addi %mul3A_70, %add3A_295 : i32
        %get3A_297 = arith.index_cast %add3A_296 : i32 to index
        %get3A_298 = arith.constant 32 : index
        %get3A_299 = tpu.vector_load %arg5[%get3A_297, %get3A_298] {strides = array<i32>} : memref<400x64xf32, #tpu.memory_space<vmem>>, vector<1x16xf32>,
        %get3A_300 = vector.shape_cast %get3A_299 : vector<1x16xf32> to vector<16xf32>
        %max3A_301 = arith.maximumf %max3A_273, %get3A_300 : vector<16xf32>
        %add3A_302 = arith.constant 8 : i32
        %add3A_303 = arith.addi %mul3A_70, %add3A_302 : i32
        %get3A_304 = arith.index_cast %add3A_303 : i32 to index
        %get3A_305 = arith.constant 48 : index
        %get3A_306 = tpu.vector_load %arg5[%get3A_304, %get3A_305] {strides = array<i32>} : memref<400x64xf32, #tpu.memory_space<vmem>>, vector<1x16xf32>,
        %get3A_307 = vector.shape_cast %get3A_306 : vector<1x16xf32> to vector<16xf32>
        %max3A_308 = arith.maximumf %max3A_280, %get3A_307 : vector<16xf32>
        %add3A_309 = arith.constant 9 : i32
        %add3A_310 = arith.addi %mul3A_70, %add3A_309 : i32
        %get3A_311 = arith.index_cast %add3A_310 : i32 to index
        %get3A_312 = arith.constant 0 : index
        %get3A_313 = tpu.vector_load %arg5[%get3A_311, %get3A_312] {strides = array<i32>} : memref<400x64xf32, #tpu.memory_space<vmem>>, vector<1x16xf32>,
        %get3A_314 = vector.shape_cast %get3A_313 : vector<1x16xf32> to vector<16xf32>
        %max3A_315 = arith.maximumf %max3A_287, %get3A_314 : vector<16xf32>
        %add3A_316 = arith.constant 9 : i32
        %add3A_317 = arith.addi %mul3A_70, %add3A_316 : i32
        %get3A_318 = arith.index_cast %add3A_317 : i32 to index
        %get3A_319 = arith.constant 16 : index
        %get3A_320 = tpu.vector_load %arg5[%get3A_318, %get3A_319] {strides = array<i32>} : memref<400x64xf32, #tpu.memory_space<vmem>>, vector<1x16xf32>,
        %get3A_321 = vector.shape_cast %get3A_320 : vector<1x16xf32> to vector<16xf32>
        %max3A_322 = arith.maximumf %max3A_294, %get3A_321 : vector<16xf32>
        %add3A_323 = arith.constant 9 : i32
        %add3A_324 = arith.addi %mul3A_70, %add3A_323 : i32
        %get3A_325 = arith.index_cast %add3A_324 : i32 to index
        %get3A_326 = arith.constant 32 : index
        %get3A_327 = tpu.vector_load %arg5[%get3A_325, %get3A_326] {strides = array<i32>} : memref<400x64xf32, #tpu.memory_space<vmem>>, vector<1x16xf32>,
        %get3A_328 = vector.shape_cast %get3A_327 : vector<1x16xf32> to vector<16xf32>
        %max3A_329 = arith.maximumf %max3A_301, %get3A_328 : vector<16xf32>
        %add3A_330 = arith.constant 9 : i32
        %add3A_331 = arith.addi %mul3A_70, %add3A_330 : i32
        %get3A_332 = arith.index_cast %add3A_331 : i32 to index
        %get3A_333 = arith.constant 48 : index
        %get3A_334 = tpu.vector_load %arg5[%get3A_332, %get3A_333] {strides = array<i32>} : memref<400x64xf32, #tpu.memory_space<vmem>>, vector<1x16xf32>,
        %get3A_335 = vector.shape_cast %get3A_334 : vector<1x16xf32> to vector<16xf32>
        %max3A_336 = arith.maximumf %max3A_308, %get3A_335 : vector<16xf32>
        %add3A_337 = arith.constant 10 : i32
        %add3A_338 = arith.addi %mul3A_70, %add3A_337 : i32
        %get3A_339 = arith.index_cast %add3A_338 : i32 to index
        %get3A_340 = arith.constant 0 : index
        %get3A_341 = tpu.vector_load %arg5[%get3A_339, %get3A_340] {strides = array<i32>} : memref<400x64xf32, #tpu.memory_space<vmem>>, vector<1x16xf32>,
        %get3A_342 = vector.shape_cast %get3A_341 : vector<1x16xf32> to vector<16xf32>
        %max3A_343 = arith.maximumf %max3A_315, %get3A_342 : vector<16xf32>
        %add3A_344 = arith.constant 10 : i32
        %add3A_345 = arith.addi %mul3A_70, %add3A_344 : i32
        %get3A_346 = arith.index_cast %add3A_345 : i32 to index
        %get3A_347 = arith.constant 16 : index
        %get3A_348 = tpu.vector_load %arg5[%get3A_346, %get3A_347] {strides = array<i32>} : memref<400x64xf32, #tpu.memory_space<vmem>>, vector<1x16xf32>,
        %get3A_349 = vector.shape_cast %get3A_348 : vector<1x16xf32> to vector<16xf32>
        %max3A_350 = arith.maximumf %max3A_322, %get3A_349 : vector<16xf32>
        %add3A_351 = arith.constant 10 : i32
        %add3A_352 = arith.addi %mul3A_70, %add3A_351 : i32
        %get3A_353 = arith.index_cast %add3A_352 : i32 to index
        %get3A_354 = arith.constant 32 : index
        %get3A_355 = tpu.vector_load %arg5[%get3A_353, %get3A_354] {strides = array<i32>} : memref<400x64xf32, #tpu.memory_space<vmem>>, vector<1x16xf32>,
        %get3A_356 = vector.shape_cast %get3A_355 : vector<1x16xf32> to vector<16xf32>
        %max3A_357 = arith.maximumf %max3A_329, %get3A_356 : vector<16xf32>
        %add3A_358 = arith.constant 10 : i32
        %add3A_359 = arith.addi %mul3A_70, %add3A_358 : i32
        %get3A_360 = arith.index_cast %add3A_359 : i32 to index
        %get3A_361 = arith.constant 48 : index
        %get3A_362 = tpu.vector_load %arg5[%get3A_360, %get3A_361] {strides = array<i32>} : memref<400x64xf32, #tpu.memory_space<vmem>>, vector<1x16xf32>,
        %get3A_363 = vector.shape_cast %get3A_362 : vector<1x16xf32> to vector<16xf32>
        %max3A_364 = arith.maximumf %max3A_336, %get3A_363 : vector<16xf32>
        %add3A_365 = arith.constant 11 : i32
        %add3A_366 = arith.addi %mul3A_70, %add3A_365 : i32
        %get3A_367 = arith.index_cast %add3A_366 : i32 to index
        %get3A_368 = arith.constant 0 : index
        %get3A_369 = tpu.vector_load %arg5[%get3A_367, %get3A_368] {strides = array<i32>} : memref<400x64xf32, #tpu.memory_space<vmem>>, vector<1x16xf32>,
        %get3A_370 = vector.shape_cast %get3A_369 : vector<1x16xf32> to vector<16xf32>
        %max3A_371 = arith.maximumf %max3A_343, %get3A_370 : vector<16xf32>
        %add3A_372 = arith.constant 11 : i32
        %add3A_373 = arith.addi %mul3A_70, %add3A_372 : i32
        %get3A_374 = arith.index_cast %add3A_373 : i32 to index
        %get3A_375 = arith.constant 16 : index
        %get3A_376 = tpu.vector_load %arg5[%get3A_374, %get3A_375] {strides = array<i32>} : memref<400x64xf32, #tpu.memory_space<vmem>>, vector<1x16xf32>,
        %get3A_377 = vector.shape_cast %get3A_376 : vector<1x16xf32> to vector<16xf32>
        %max3A_378 = arith.maximumf %max3A_350, %get3A_377 : vector<16xf32>
        %add3A_379 = arith.constant 11 : i32
        %add3A_380 = arith.addi %mul3A_70, %add3A_379 : i32
        %get3A_381 = arith.index_cast %add3A_380 : i32 to index
        %get3A_382 = arith.constant 32 : index
        %get3A_383 = tpu.vector_load %arg5[%get3A_381, %get3A_382] {strides = array<i32>} : memref<400x64xf32, #tpu.memory_space<vmem>>, vector<1x16xf32>,
        %get3A_384 = vector.shape_cast %get3A_383 : vector<1x16xf32> to vector<16xf32>
        %max3A_385 = arith.maximumf %max3A_357, %get3A_384 : vector<16xf32>
        %add3A_386 = arith.constant 11 : i32
        %add3A_387 = arith.addi %mul3A_70, %add3A_386 : i32
        %get3A_388 = arith.index_cast %add3A_387 : i32 to index
        %get3A_389 = arith.constant 48 : index
        %get3A_390 = tpu.vector_load %arg5[%get3A_388, %get3A_389] {strides = array<i32>} : memref<400x64xf32, #tpu.memory_space<vmem>>, vector<1x16xf32>,
        %get3A_391 = vector.shape_cast %get3A_390 : vector<1x16xf32> to vector<16xf32>
        %max3A_392 = arith.maximumf %max3A_364, %get3A_391 : vector<16xf32>
        %add3A_393 = arith.constant 12 : i32
        %add3A_394 = arith.addi %mul3A_70, %add3A_393 : i32
        %get3A_395 = arith.index_cast %add3A_394 : i32 to index
        %get3A_396 = arith.constant 0 : index
        %get3A_397 = tpu.vector_load %arg5[%get3A_395, %get3A_396] {strides = array<i32>} : memref<400x64xf32, #tpu.memory_space<vmem>>, vector<1x16xf32>,
        %get3A_398 = vector.shape_cast %get3A_397 : vector<1x16xf32> to vector<16xf32>
        %max3A_399 = arith.maximumf %max3A_371, %get3A_398 : vector<16xf32>
        %add3A_400 = arith.constant 12 : i32
        %add3A_401 = arith.addi %mul3A_70, %add3A_400 : i32
        %get3A_402 = arith.index_cast %add3A_401 : i32 to index
        %get3A_403 = arith.constant 16 : index
        %get3A_404 = tpu.vector_load %arg5[%get3A_402, %get3A_403] {strides = array<i32>} : memref<400x64xf32, #tpu.memory_space<vmem>>, vector<1x16xf32>,
        %get3A_405 = vector.shape_cast %get3A_404 : vector<1x16xf32> to vector<16xf32>
        %max3A_406 = arith.maximumf %max3A_378, %get3A_405 : vector<16xf32>
        %add3A_407 = arith.constant 12 : i32
        %add3A_408 = arith.addi %mul3A_70, %add3A_407 : i32
        %get3A_409 = arith.index_cast %add3A_408 : i32 to index
        %get3A_410 = arith.constant 32 : index
        %get3A_411 = tpu.vector_load %arg5[%get3A_409, %get3A_410] {strides = array<i32>} : memref<400x64xf32, #tpu.memory_space<vmem>>, vector<1x16xf32>,
        %get3A_412 = vector.shape_cast %get3A_411 : vector<1x16xf32> to vector<16xf32>
        %max3A_413 = arith.maximumf %max3A_385, %get3A_412 : vector<16xf32>
        %add3A_414 = arith.constant 12 : i32
        %add3A_415 = arith.addi %mul3A_70, %add3A_414 : i32
        %get3A_416 = arith.index_cast %add3A_415 : i32 to index
        %get3A_417 = arith.constant 48 : index
        %get3A_418 = tpu.vector_load %arg5[%get3A_416, %get3A_417] {strides = array<i32>} : memref<400x64xf32, #tpu.memory_space<vmem>>, vector<1x16xf32>,
        %get3A_419 = vector.shape_cast %get3A_418 : vector<1x16xf32> to vector<16xf32>
        %max3A_420 = arith.maximumf %max3A_392, %get3A_419 : vector<16xf32>
        %add3A_421 = arith.constant 13 : i32
        %add3A_422 = arith.addi %mul3A_70, %add3A_421 : i32
        %get3A_423 = arith.index_cast %add3A_422 : i32 to index
        %get3A_424 = arith.constant 0 : index
        %get3A_425 = tpu.vector_load %arg5[%get3A_423, %get3A_424] {strides = array<i32>} : memref<400x64xf32, #tpu.memory_space<vmem>>, vector<1x16xf32>,
        %get3A_426 = vector.shape_cast %get3A_425 : vector<1x16xf32> to vector<16xf32>
        %max3A_427 = arith.maximumf %max3A_399, %get3A_426 : vector<16xf32>
        %add3A_428 = arith.constant 13 : i32
        %add3A_429 = arith.addi %mul3A_70, %add3A_428 : i32
        %get3A_430 = arith.index_cast %add3A_429 : i32 to index
        %get3A_431 = arith.constant 16 : index
        %get3A_432 = tpu.vector_load %arg5[%get3A_430, %get3A_431] {strides = array<i32>} : memref<400x64xf32, #tpu.memory_space<vmem>>, vector<1x16xf32>,
        %get3A_433 = vector.shape_cast %get3A_432 : vector<1x16xf32> to vector<16xf32>
        %max3A_434 = arith.maximumf %max3A_406, %get3A_433 : vector<16xf32>
        %add3A_435 = arith.constant 13 : i32
        %add3A_436 = arith.addi %mul3A_70, %add3A_435 : i32
        %get3A_437 = arith.index_cast %add3A_436 : i32 to index
        %get3A_438 = arith.constant 32 : index
        %get3A_439 = tpu.vector_load %arg5[%get3A_437, %get3A_438] {strides = array<i32>} : memref<400x64xf32, #tpu.memory_space<vmem>>, vector<1x16xf32>,
        %get3A_440 = vector.shape_cast %get3A_439 : vector<1x16xf32> to vector<16xf32>
        %max3A_441 = arith.maximumf %max3A_413, %get3A_440 : vector<16xf32>
        %add3A_442 = arith.constant 13 : i32
        %add3A_443 = arith.addi %mul3A_70, %add3A_442 : i32
        %get3A_444 = arith.index_cast %add3A_443 : i32 to index
        %get3A_445 = arith.constant 48 : index
        %get3A_446 = tpu.vector_load %arg5[%get3A_444, %get3A_445] {strides = array<i32>} : memref<400x64xf32, #tpu.memory_space<vmem>>, vector<1x16xf32>,
        %get3A_447 = vector.shape_cast %get3A_446 : vector<1x16xf32> to vector<16xf32>
        %max3A_448 = arith.maximumf %max3A_420, %get3A_447 : vector<16xf32>
        %add3A_449 = arith.constant 14 : i32
        %add3A_450 = arith.addi %mul3A_70, %add3A_449 : i32
        %get3A_451 = arith.index_cast %add3A_450 : i32 to index
        %get3A_452 = arith.constant 0 : index
        %get3A_453 = tpu.vector_load %arg5[%get3A_451, %get3A_452] {strides = array<i32>} : memref<400x64xf32, #tpu.memory_space<vmem>>, vector<1x16xf32>,
        %get3A_454 = vector.shape_cast %get3A_453 : vector<1x16xf32> to vector<16xf32>
        %max3A_455 = arith.maximumf %max3A_427, %get3A_454 : vector<16xf32>
        %add3A_456 = arith.constant 14 : i32
        %add3A_457 = arith.addi %mul3A_70, %add3A_456 : i32
        %get3A_458 = arith.index_cast %add3A_457 : i32 to index
        %get3A_459 = arith.constant 16 : index
        %get3A_460 = tpu.vector_load %arg5[%get3A_458, %get3A_459] {strides = array<i32>} : memref<400x64xf32, #tpu.memory_space<vmem>>, vector<1x16xf32>,
        %get3A_461 = vector.shape_cast %get3A_460 : vector<1x16xf32> to vector<16xf32>
        %max3A_462 = arith.maximumf %max3A_434, %get3A_461 : vector<16xf32>
        %add3A_463 = arith.constant 14 : i32
        %add3A_464 = arith.addi %mul3A_70, %add3A_463 : i32
        %get3A_465 = arith.index_cast %add3A_464 : i32 to index
        %get3A_466 = arith.constant 32 : index
        %get3A_467 = tpu.vector_load %arg5[%get3A_465, %get3A_466] {strides = array<i32>} : memref<400x64xf32, #tpu.memory_space<vmem>>, vector<1x16xf32>,
        %get3A_468 = vector.shape_cast %get3A_467 : vector<1x16xf32> to vector<16xf32>
        %max3A_469 = arith.maximumf %max3A_441, %get3A_468 : vector<16xf32>
        %add3A_470 = arith.constant 14 : i32
        %add3A_471 = arith.addi %mul3A_70, %add3A_470 : i32
        %get3A_472 = arith.index_cast %add3A_471 : i32 to index
        %get3A_473 = arith.constant 48 : index
        %get3A_474 = tpu.vector_load %arg5[%get3A_472, %get3A_473] {strides = array<i32>} : memref<400x64xf32, #tpu.memory_space<vmem>>, vector<1x16xf32>,
        %get3A_475 = vector.shape_cast %get3A_474 : vector<1x16xf32> to vector<16xf32>
        %max3A_476 = arith.maximumf %max3A_448, %get3A_475 : vector<16xf32>
        %add3A_477 = arith.constant 15 : i32
        %add3A_478 = arith.addi %mul3A_70, %add3A_477 : i32
        %get3A_479 = arith.index_cast %add3A_478 : i32 to index
        %get3A_480 = arith.constant 0 : index
        %get3A_481 = tpu.vector_load %arg5[%get3A_479, %get3A_480] {strides = array<i32>} : memref<400x64xf32, #tpu.memory_space<vmem>>, vector<1x16xf32>,
        %get3A_482 = vector.shape_cast %get3A_481 : vector<1x16xf32> to vector<16xf32>
        %max3A_483 = arith.maximumf %max3A_455, %get3A_482 : vector<16xf32>
        %add3A_484 = arith.constant 15 : i32
        %add3A_485 = arith.addi %mul3A_70, %add3A_484 : i32
        %get3A_486 = arith.index_cast %add3A_485 : i32 to index
        %get3A_487 = arith.constant 16 : index
        %get3A_488 = tpu.vector_load %arg5[%get3A_486, %get3A_487] {strides = array<i32>} : memref<400x64xf32, #tpu.memory_space<vmem>>, vector<1x16xf32>,
        %get3A_489 = vector.shape_cast %get3A_488 : vector<1x16xf32> to vector<16xf32>
        %max3A_490 = arith.maximumf %max3A_462, %get3A_489 : vector<16xf32>
        %add3A_491 = arith.constant 15 : i32
        %add3A_492 = arith.addi %mul3A_70, %add3A_491 : i32
        %get3A_493 = arith.index_cast %add3A_492 : i32 to index
        %get3A_494 = arith.constant 32 : index
        %get3A_495 = tpu.vector_load %arg5[%get3A_493, %get3A_494] {strides = array<i32>} : memref<400x64xf32, #tpu.memory_space<vmem>>, vector<1x16xf32>,
        %get3A_496 = vector.shape_cast %get3A_495 : vector<1x16xf32> to vector<16xf32>
        %max3A_497 = arith.maximumf %max3A_469, %get3A_496 : vector<16xf32>
        %add3A_498 = arith.constant 15 : i32
        %add3A_499 = arith.addi %mul3A_70, %add3A_498 : i32
        %get3A_500 = arith.index_cast %add3A_499 : i32 to index
        %get3A_501 = arith.constant 48 : index
        %get3A_502 = tpu.vector_load %arg5[%get3A_500, %get3A_501] {strides = array<i32>} : memref<400x64xf32, #tpu.memory_space<vmem>>, vector<1x16xf32>,
        %get3A_503 = vector.shape_cast %get3A_502 : vector<1x16xf32> to vector<16xf32>
        %max3A_504 = arith.maximumf %max3A_476, %get3A_503 : vector<16xf32>
        %add3A_505 = arith.constant 16 : i32
        %add3A_506 = arith.addi %mul3A_70, %add3A_505 : i32
        %get3A_507 = arith.index_cast %add3A_506 : i32 to index
        %get3A_508 = arith.constant 0 : index
        %get3A_509 = tpu.vector_load %arg5[%get3A_507, %get3A_508] {strides = array<i32>} : memref<400x64xf32, #tpu.memory_space<vmem>>, vector<1x16xf32>,
        %get3A_510 = vector.shape_cast %get3A_509 : vector<1x16xf32> to vector<16xf32>
        %max3A_511 = arith.maximumf %max3A_483, %get3A_510 : vector<16xf32>
        %add3A_512 = arith.constant 16 : i32
        %add3A_513 = arith.addi %mul3A_70, %add3A_512 : i32
        %get3A_514 = arith.index_cast %add3A_513 : i32 to index
        %get3A_515 = arith.constant 16 : index
        %get3A_516 = tpu.vector_load %arg5[%get3A_514, %get3A_515] {strides = array<i32>} : memref<400x64xf32, #tpu.memory_space<vmem>>, vector<1x16xf32>,
        %get3A_517 = vector.shape_cast %get3A_516 : vector<1x16xf32> to vector<16xf32>
        %max3A_518 = arith.maximumf %max3A_490, %get3A_517 : vector<16xf32>
        %add3A_519 = arith.constant 16 : i32
        %add3A_520 = arith.addi %mul3A_70, %add3A_519 : i32
        %get3A_521 = arith.index_cast %add3A_520 : i32 to index
        %get3A_522 = arith.constant 32 : index
        %get3A_523 = tpu.vector_load %arg5[%get3A_521, %get3A_522] {strides = array<i32>} : memref<400x64xf32, #tpu.memory_space<vmem>>, vector<1x16xf32>,
        %get3A_524 = vector.shape_cast %get3A_523 : vector<1x16xf32> to vector<16xf32>
        %max3A_525 = arith.maximumf %max3A_497, %get3A_524 : vector<16xf32>
        %add3A_526 = arith.constant 16 : i32
        %add3A_527 = arith.addi %mul3A_70, %add3A_526 : i32
        %get3A_528 = arith.index_cast %add3A_527 : i32 to index
        %get3A_529 = arith.constant 48 : index
        %get3A_530 = tpu.vector_load %arg5[%get3A_528, %get3A_529] {strides = array<i32>} : memref<400x64xf32, #tpu.memory_space<vmem>>, vector<1x16xf32>,
        %get3A_531 = vector.shape_cast %get3A_530 : vector<1x16xf32> to vector<16xf32>
        %max3A_532 = arith.maximumf %max3A_504, %get3A_531 : vector<16xf32>
        %add3A_533 = arith.constant 17 : i32
        %add3A_534 = arith.addi %mul3A_70, %add3A_533 : i32
        %get3A_535 = arith.index_cast %add3A_534 : i32 to index
        %get3A_536 = arith.constant 0 : index
        %get3A_537 = tpu.vector_load %arg5[%get3A_535, %get3A_536] {strides = array<i32>} : memref<400x64xf32, #tpu.memory_space<vmem>>, vector<1x16xf32>,
        %get3A_538 = vector.shape_cast %get3A_537 : vector<1x16xf32> to vector<16xf32>
        %max3A_539 = arith.maximumf %max3A_511, %get3A_538 : vector<16xf32>
        %add3A_540 = arith.constant 17 : i32
        %add3A_541 = arith.addi %mul3A_70, %add3A_540 : i32
        %get3A_542 = arith.index_cast %add3A_541 : i32 to index
        %get3A_543 = arith.constant 16 : index
        %get3A_544 = tpu.vector_load %arg5[%get3A_542, %get3A_543] {strides = array<i32>} : memref<400x64xf32, #tpu.memory_space<vmem>>, vector<1x16xf32>,
        %get3A_545 = vector.shape_cast %get3A_544 : vector<1x16xf32> to vector<16xf32>
        %max3A_546 = arith.maximumf %max3A_518, %get3A_545 : vector<16xf32>
        %add3A_547 = arith.constant 17 : i32
        %add3A_548 = arith.addi %mul3A_70, %add3A_547 : i32
        %get3A_549 = arith.index_cast %add3A_548 : i32 to index
        %get3A_550 = arith.constant 32 : index
        %get3A_551 = tpu.vector_load %arg5[%get3A_549, %get3A_550] {strides = array<i32>} : memref<400x64xf32, #tpu.memory_space<vmem>>, vector<1x16xf32>,
        %get3A_552 = vector.shape_cast %get3A_551 : vector<1x16xf32> to vector<16xf32>
        %max3A_553 = arith.maximumf %max3A_525, %get3A_552 : vector<16xf32>
        %add3A_554 = arith.constant 17 : i32
        %add3A_555 = arith.addi %mul3A_70, %add3A_554 : i32
        %get3A_556 = arith.index_cast %add3A_555 : i32 to index
        %get3A_557 = arith.constant 48 : index
        %get3A_558 = tpu.vector_load %arg5[%get3A_556, %get3A_557] {strides = array<i32>} : memref<400x64xf32, #tpu.memory_space<vmem>>, vector<1x16xf32>,
        %get3A_559 = vector.shape_cast %get3A_558 : vector<1x16xf32> to vector<16xf32>
        %max3A_560 = arith.maximumf %max3A_532, %get3A_559 : vector<16xf32>
        %add3A_561 = arith.constant 18 : i32
        %add3A_562 = arith.addi %mul3A_70, %add3A_561 : i32
        %get3A_563 = arith.index_cast %add3A_562 : i32 to index
        %get3A_564 = arith.constant 0 : index
        %get3A_565 = tpu.vector_load %arg5[%get3A_563, %get3A_564] {strides = array<i32>} : memref<400x64xf32, #tpu.memory_space<vmem>>, vector<1x16xf32>,
        %get3A_566 = vector.shape_cast %get3A_565 : vector<1x16xf32> to vector<16xf32>
        %max3A_567 = arith.maximumf %max3A_539, %get3A_566 : vector<16xf32>
        %add3A_568 = arith.constant 18 : i32
        %add3A_569 = arith.addi %mul3A_70, %add3A_568 : i32
        %get3A_570 = arith.index_cast %add3A_569 : i32 to index
        %get3A_571 = arith.constant 16 : index
        %get3A_572 = tpu.vector_load %arg5[%get3A_570, %get3A_571] {strides = array<i32>} : memref<400x64xf32, #tpu.memory_space<vmem>>, vector<1x16xf32>,
        %get3A_573 = vector.shape_cast %get3A_572 : vector<1x16xf32> to vector<16xf32>
        %max3A_574 = arith.maximumf %max3A_546, %get3A_573 : vector<16xf32>
        %add3A_575 = arith.constant 18 : i32
        %add3A_576 = arith.addi %mul3A_70, %add3A_575 : i32
        %get3A_577 = arith.index_cast %add3A_576 : i32 to index
        %get3A_578 = arith.constant 32 : index
        %get3A_579 = tpu.vector_load %arg5[%get3A_577, %get3A_578] {strides = array<i32>} : memref<400x64xf32, #tpu.memory_space<vmem>>, vector<1x16xf32>,
        %get3A_580 = vector.shape_cast %get3A_579 : vector<1x16xf32> to vector<16xf32>
        %max3A_581 = arith.maximumf %max3A_553, %get3A_580 : vector<16xf32>
        %add3A_582 = arith.constant 18 : i32
        %add3A_583 = arith.addi %mul3A_70, %add3A_582 : i32
        %get3A_584 = arith.index_cast %add3A_583 : i32 to index
        %get3A_585 = arith.constant 48 : index
        %get3A_586 = tpu.vector_load %arg5[%get3A_584, %get3A_585] {strides = array<i32>} : memref<400x64xf32, #tpu.memory_space<vmem>>, vector<1x16xf32>,
        %get3A_587 = vector.shape_cast %get3A_586 : vector<1x16xf32> to vector<16xf32>
        %max3A_588 = arith.maximumf %max3A_560, %get3A_587 : vector<16xf32>
        %add3A_589 = arith.constant 19 : i32
        %add3A_590 = arith.addi %mul3A_70, %add3A_589 : i32
        %get3A_591 = arith.index_cast %add3A_590 : i32 to index
        %get3A_592 = arith.constant 0 : index
        %get3A_593 = tpu.vector_load %arg5[%get3A_591, %get3A_592] {strides = array<i32>} : memref<400x64xf32, #tpu.memory_space<vmem>>, vector<1x16xf32>,
        %get3A_594 = vector.shape_cast %get3A_593 : vector<1x16xf32> to vector<16xf32>
        %max3A_595 = arith.maximumf %max3A_567, %get3A_594 : vector<16xf32>
        %add3A_596 = arith.constant 19 : i32
        %add3A_597 = arith.addi %mul3A_70, %add3A_596 : i32
        %get3A_598 = arith.index_cast %add3A_597 : i32 to index
        %get3A_599 = arith.constant 16 : index
        %get3A_600 = tpu.vector_load %arg5[%get3A_598, %get3A_599] {strides = array<i32>} : memref<400x64xf32, #tpu.memory_space<vmem>>, vector<1x16xf32>,
        %get3A_601 = vector.shape_cast %get3A_600 : vector<1x16xf32> to vector<16xf32>
        %max3A_602 = arith.maximumf %max3A_574, %get3A_601 : vector<16xf32>
        %add3A_603 = arith.constant 19 : i32
        %add3A_604 = arith.addi %mul3A_70, %add3A_603 : i32
        %get3A_605 = arith.index_cast %add3A_604 : i32 to index
        %get3A_606 = arith.constant 32 : index
        %get3A_607 = tpu.vector_load %arg5[%get3A_605, %get3A_606] {strides = array<i32>} : memref<400x64xf32, #tpu.memory_space<vmem>>, vector<1x16xf32>,
        %get3A_608 = vector.shape_cast %get3A_607 : vector<1x16xf32> to vector<16xf32>
        %max3A_609 = arith.maximumf %max3A_581, %get3A_608 : vector<16xf32>
        %add3A_610 = arith.constant 19 : i32
        %add3A_611 = arith.addi %mul3A_70, %add3A_610 : i32
        %get3A_612 = arith.index_cast %add3A_611 : i32 to index
        %get3A_613 = arith.constant 48 : index
        %get3A_614 = tpu.vector_load %arg5[%get3A_612, %get3A_613] {strides = array<i32>} : memref<400x64xf32, #tpu.memory_space<vmem>>, vector<1x16xf32>,
        %get3A_615 = vector.shape_cast %get3A_614 : vector<1x16xf32> to vector<16xf32>
        %max3A_616 = arith.maximumf %max3A_588, %get3A_615 : vector<16xf32>
        %add3A_617 = arith.constant 20 : i32
        %add3A_618 = arith.addi %mul3A_70, %add3A_617 : i32
        %get3A_619 = arith.index_cast %add3A_618 : i32 to index
        %get3A_620 = arith.constant 0 : index
        %get3A_621 = tpu.vector_load %arg5[%get3A_619, %get3A_620] {strides = array<i32>} : memref<400x64xf32, #tpu.memory_space<vmem>>, vector<1x16xf32>,
        %get3A_622 = vector.shape_cast %get3A_621 : vector<1x16xf32> to vector<16xf32>
        %max3A_623 = arith.maximumf %max3A_595, %get3A_622 : vector<16xf32>
        %add3A_624 = arith.constant 20 : i32
        %add3A_625 = arith.addi %mul3A_70, %add3A_624 : i32
        %get3A_626 = arith.index_cast %add3A_625 : i32 to index
        %get3A_627 = arith.constant 16 : index
        %get3A_628 = tpu.vector_load %arg5[%get3A_626, %get3A_627] {strides = array<i32>} : memref<400x64xf32, #tpu.memory_space<vmem>>, vector<1x16xf32>,
        %get3A_629 = vector.shape_cast %get3A_628 : vector<1x16xf32> to vector<16xf32>
        %max3A_630 = arith.maximumf %max3A_602, %get3A_629 : vector<16xf32>
        %add3A_631 = arith.constant 20 : i32
        %add3A_632 = arith.addi %mul3A_70, %add3A_631 : i32
        %get3A_633 = arith.index_cast %add3A_632 : i32 to index
        %get3A_634 = arith.constant 32 : index
        %get3A_635 = tpu.vector_load %arg5[%get3A_633, %get3A_634] {strides = array<i32>} : memref<400x64xf32, #tpu.memory_space<vmem>>, vector<1x16xf32>,
        %get3A_636 = vector.shape_cast %get3A_635 : vector<1x16xf32> to vector<16xf32>
        %max3A_637 = arith.maximumf %max3A_609, %get3A_636 : vector<16xf32>
        %add3A_638 = arith.constant 20 : i32
        %add3A_639 = arith.addi %mul3A_70, %add3A_638 : i32
        %get3A_640 = arith.index_cast %add3A_639 : i32 to index
        %get3A_641 = arith.constant 48 : index
        %get3A_642 = tpu.vector_load %arg5[%get3A_640, %get3A_641] {strides = array<i32>} : memref<400x64xf32, #tpu.memory_space<vmem>>, vector<1x16xf32>,
        %get3A_643 = vector.shape_cast %get3A_642 : vector<1x16xf32> to vector<16xf32>
        %max3A_644 = arith.maximumf %max3A_616, %get3A_643 : vector<16xf32>
        %add3A_645 = arith.constant 21 : i32
        %add3A_646 = arith.addi %mul3A_70, %add3A_645 : i32
        %get3A_647 = arith.index_cast %add3A_646 : i32 to index
        %get3A_648 = arith.constant 0 : index
        %get3A_649 = tpu.vector_load %arg5[%get3A_647, %get3A_648] {strides = array<i32>} : memref<400x64xf32, #tpu.memory_space<vmem>>, vector<1x16xf32>,
        %get3A_650 = vector.shape_cast %get3A_649 : vector<1x16xf32> to vector<16xf32>
        %max3A_651 = arith.maximumf %max3A_623, %get3A_650 : vector<16xf32>
        %add3A_652 = arith.constant 21 : i32
        %add3A_653 = arith.addi %mul3A_70, %add3A_652 : i32
        %get3A_654 = arith.index_cast %add3A_653 : i32 to index
        %get3A_655 = arith.constant 16 : index
        %get3A_656 = tpu.vector_load %arg5[%get3A_654, %get3A_655] {strides = array<i32>} : memref<400x64xf32, #tpu.memory_space<vmem>>, vector<1x16xf32>,
        %get3A_657 = vector.shape_cast %get3A_656 : vector<1x16xf32> to vector<16xf32>
        %max3A_658 = arith.maximumf %max3A_630, %get3A_657 : vector<16xf32>
        %add3A_659 = arith.constant 21 : i32
        %add3A_660 = arith.addi %mul3A_70, %add3A_659 : i32
        %get3A_661 = arith.index_cast %add3A_660 : i32 to index
        %get3A_662 = arith.constant 32 : index
        %get3A_663 = tpu.vector_load %arg5[%get3A_661, %get3A_662] {strides = array<i32>} : memref<400x64xf32, #tpu.memory_space<vmem>>, vector<1x16xf32>,
        %get3A_664 = vector.shape_cast %get3A_663 : vector<1x16xf32> to vector<16xf32>
        %max3A_665 = arith.maximumf %max3A_637, %get3A_664 : vector<16xf32>
        %add3A_666 = arith.constant 21 : i32
        %add3A_667 = arith.addi %mul3A_70, %add3A_666 : i32
        %get3A_668 = arith.index_cast %add3A_667 : i32 to index
        %get3A_669 = arith.constant 48 : index
        %get3A_670 = tpu.vector_load %arg5[%get3A_668, %get3A_669] {strides = array<i32>} : memref<400x64xf32, #tpu.memory_space<vmem>>, vector<1x16xf32>,
        %get3A_671 = vector.shape_cast %get3A_670 : vector<1x16xf32> to vector<16xf32>
        %max3A_672 = arith.maximumf %max3A_644, %get3A_671 : vector<16xf32>
        %add3A_673 = arith.constant 22 : i32
        %add3A_674 = arith.addi %mul3A_70, %add3A_673 : i32
        %get3A_675 = arith.index_cast %add3A_674 : i32 to index
        %get3A_676 = arith.constant 0 : index
        %get3A_677 = tpu.vector_load %arg5[%get3A_675, %get3A_676] {strides = array<i32>} : memref<400x64xf32, #tpu.memory_space<vmem>>, vector<1x16xf32>,
        %get3A_678 = vector.shape_cast %get3A_677 : vector<1x16xf32> to vector<16xf32>
        %max3A_679 = arith.maximumf %max3A_651, %get3A_678 : vector<16xf32>
        %add3A_680 = arith.constant 22 : i32
        %add3A_681 = arith.addi %mul3A_70, %add3A_680 : i32
        %get3A_682 = arith.index_cast %add3A_681 : i32 to index
        %get3A_683 = arith.constant 16 : index
        %get3A_684 = tpu.vector_load %arg5[%get3A_682, %get3A_683] {strides = array<i32>} : memref<400x64xf32, #tpu.memory_space<vmem>>, vector<1x16xf32>,
        %get3A_685 = vector.shape_cast %get3A_684 : vector<1x16xf32> to vector<16xf32>
        %max3A_686 = arith.maximumf %max3A_658, %get3A_685 : vector<16xf32>
        %add3A_687 = arith.constant 22 : i32
        %add3A_688 = arith.addi %mul3A_70, %add3A_687 : i32
        %get3A_689 = arith.index_cast %add3A_688 : i32 to index
        %get3A_690 = arith.constant 32 : index
        %get3A_691 = tpu.vector_load %arg5[%get3A_689, %get3A_690] {strides = array<i32>} : memref<400x64xf32, #tpu.memory_space<vmem>>, vector<1x16xf32>,
        %get3A_692 = vector.shape_cast %get3A_691 : vector<1x16xf32> to vector<16xf32>
        %max3A_693 = arith.maximumf %max3A_665, %get3A_692 : vector<16xf32>
        %add3A_694 = arith.constant 22 : i32
        %add3A_695 = arith.addi %mul3A_70, %add3A_694 : i32
        %get3A_696 = arith.index_cast %add3A_695 : i32 to index
        %get3A_697 = arith.constant 48 : index
        %get3A_698 = tpu.vector_load %arg5[%get3A_696, %get3A_697] {strides = array<i32>} : memref<400x64xf32, #tpu.memory_space<vmem>>, vector<1x16xf32>,
        %get3A_699 = vector.shape_cast %get3A_698 : vector<1x16xf32> to vector<16xf32>
        %max3A_700 = arith.maximumf %max3A_672, %get3A_699 : vector<16xf32>
        %add3A_701 = arith.constant 23 : i32
        %add3A_702 = arith.addi %mul3A_70, %add3A_701 : i32
        %get3A_703 = arith.index_cast %add3A_702 : i32 to index
        %get3A_704 = arith.constant 0 : index
        %get3A_705 = tpu.vector_load %arg5[%get3A_703, %get3A_704] {strides = array<i32>} : memref<400x64xf32, #tpu.memory_space<vmem>>, vector<1x16xf32>,
        %get3A_706 = vector.shape_cast %get3A_705 : vector<1x16xf32> to vector<16xf32>
        %max3A_707 = arith.maximumf %max3A_679, %get3A_706 : vector<16xf32>
        %add3A_708 = arith.constant 23 : i32
        %add3A_709 = arith.addi %mul3A_70, %add3A_708 : i32
        %get3A_710 = arith.index_cast %add3A_709 : i32 to index
        %get3A_711 = arith.constant 16 : index
        %get3A_712 = tpu.vector_load %arg5[%get3A_710, %get3A_711] {strides = array<i32>} : memref<400x64xf32, #tpu.memory_space<vmem>>, vector<1x16xf32>,
        %get3A_713 = vector.shape_cast %get3A_712 : vector<1x16xf32> to vector<16xf32>
        %max3A_714 = arith.maximumf %max3A_686, %get3A_713 : vector<16xf32>
        %add3A_715 = arith.constant 23 : i32
        %add3A_716 = arith.addi %mul3A_70, %add3A_715 : i32
        %get3A_717 = arith.index_cast %add3A_716 : i32 to index
        %get3A_718 = arith.constant 32 : index
        %get3A_719 = tpu.vector_load %arg5[%get3A_717, %get3A_718] {strides = array<i32>} : memref<400x64xf32, #tpu.memory_space<vmem>>, vector<1x16xf32>,
        %get3A_720 = vector.shape_cast %get3A_719 : vector<1x16xf32> to vector<16xf32>
        %max3A_721 = arith.maximumf %max3A_693, %get3A_720 : vector<16xf32>
        %add3A_722 = arith.constant 23 : i32
        %add3A_723 = arith.addi %mul3A_70, %add3A_722 : i32
        %get3A_724 = arith.index_cast %add3A_723 : i32 to index
        %get3A_725 = arith.constant 48 : index
        %get3A_726 = tpu.vector_load %arg5[%get3A_724, %get3A_725] {strides = array<i32>} : memref<400x64xf32, #tpu.memory_space<vmem>>, vector<1x16xf32>,
        %get3A_727 = vector.shape_cast %get3A_726 : vector<1x16xf32> to vector<16xf32>
        %max3A_728 = arith.maximumf %max3A_700, %get3A_727 : vector<16xf32>
        %add3A_729 = arith.constant 24 : i32
        %add3A_730 = arith.addi %mul3A_70, %add3A_729 : i32
        %get3A_731 = arith.index_cast %add3A_730 : i32 to index
        %get3A_732 = arith.constant 0 : index
        %get3A_733 = tpu.vector_load %arg5[%get3A_731, %get3A_732] {strides = array<i32>} : memref<400x64xf32, #tpu.memory_space<vmem>>, vector<1x16xf32>,
        %get3A_734 = vector.shape_cast %get3A_733 : vector<1x16xf32> to vector<16xf32>
        %max3A_735 = arith.maximumf %max3A_707, %get3A_734 : vector<16xf32>
        %add3A_736 = arith.constant 24 : i32
        %add3A_737 = arith.addi %mul3A_70, %add3A_736 : i32
        %get3A_738 = arith.index_cast %add3A_737 : i32 to index
        %get3A_739 = arith.constant 16 : index
        %get3A_740 = tpu.vector_load %arg5[%get3A_738, %get3A_739] {strides = array<i32>} : memref<400x64xf32, #tpu.memory_space<vmem>>, vector<1x16xf32>,
        %get3A_741 = vector.shape_cast %get3A_740 : vector<1x16xf32> to vector<16xf32>
        %max3A_742 = arith.maximumf %max3A_714, %get3A_741 : vector<16xf32>
        %add3A_743 = arith.constant 24 : i32
        %add3A_744 = arith.addi %mul3A_70, %add3A_743 : i32
        %get3A_745 = arith.index_cast %add3A_744 : i32 to index
        %get3A_746 = arith.constant 32 : index
        %get3A_747 = tpu.vector_load %arg5[%get3A_745, %get3A_746] {strides = array<i32>} : memref<400x64xf32, #tpu.memory_space<vmem>>, vector<1x16xf32>,
        %get3A_748 = vector.shape_cast %get3A_747 : vector<1x16xf32> to vector<16xf32>
        %max3A_749 = arith.maximumf %max3A_721, %get3A_748 : vector<16xf32>
        %add3A_750 = arith.constant 24 : i32
        %add3A_751 = arith.addi %mul3A_70, %add3A_750 : i32
        %get3A_752 = arith.index_cast %add3A_751 : i32 to index
        %get3A_753 = arith.constant 48 : index
        %get3A_754 = tpu.vector_load %arg5[%get3A_752, %get3A_753] {strides = array<i32>} : memref<400x64xf32, #tpu.memory_space<vmem>>, vector<1x16xf32>,
        %get3A_755 = vector.shape_cast %get3A_754 : vector<1x16xf32> to vector<16xf32>
        %max3A_756 = arith.maximumf %max3A_728, %get3A_755 : vector<16xf32>
        %add3A_757 = arith.constant 25 : i32
        %add3A_758 = arith.addi %mul3A_70, %add3A_757 : i32
        %get3A_759 = arith.index_cast %add3A_758 : i32 to index
        %get3A_760 = arith.constant 0 : index
        %get3A_761 = tpu.vector_load %arg5[%get3A_759, %get3A_760] {strides = array<i32>} : memref<400x64xf32, #tpu.memory_space<vmem>>, vector<1x16xf32>,
        %get3A_762 = vector.shape_cast %get3A_761 : vector<1x16xf32> to vector<16xf32>
        %max3A_763 = arith.maximumf %max3A_735, %get3A_762 : vector<16xf32>
        %add3A_764 = arith.constant 25 : i32
        %add3A_765 = arith.addi %mul3A_70, %add3A_764 : i32
        %get3A_766 = arith.index_cast %add3A_765 : i32 to index
        %get3A_767 = arith.constant 16 : index
        %get3A_768 = tpu.vector_load %arg5[%get3A_766, %get3A_767] {strides = array<i32>} : memref<400x64xf32, #tpu.memory_space<vmem>>, vector<1x16xf32>,
        %get3A_769 = vector.shape_cast %get3A_768 : vector<1x16xf32> to vector<16xf32>
        %max3A_770 = arith.maximumf %max3A_742, %get3A_769 : vector<16xf32>
        %add3A_771 = arith.constant 25 : i32
        %add3A_772 = arith.addi %mul3A_70, %add3A_771 : i32
        %get3A_773 = arith.index_cast %add3A_772 : i32 to index
        %get3A_774 = arith.constant 32 : index
        %get3A_775 = tpu.vector_load %arg5[%get3A_773, %get3A_774] {strides = array<i32>} : memref<400x64xf32, #tpu.memory_space<vmem>>, vector<1x16xf32>,
        %get3A_776 = vector.shape_cast %get3A_775 : vector<1x16xf32> to vector<16xf32>
        %max3A_777 = arith.maximumf %max3A_749, %get3A_776 : vector<16xf32>
        %add3A_778 = arith.constant 25 : i32
        %add3A_779 = arith.addi %mul3A_70, %add3A_778 : i32
        %get3A_780 = arith.index_cast %add3A_779 : i32 to index
        %get3A_781 = arith.constant 48 : index
        %get3A_782 = tpu.vector_load %arg5[%get3A_780, %get3A_781] {strides = array<i32>} : memref<400x64xf32, #tpu.memory_space<vmem>>, vector<1x16xf32>,
        %get3A_783 = vector.shape_cast %get3A_782 : vector<1x16xf32> to vector<16xf32>
        %max3A_784 = arith.maximumf %max3A_756, %get3A_783 : vector<16xf32>
        %add3A_785 = arith.constant 26 : i32
        %add3A_786 = arith.addi %mul3A_70, %add3A_785 : i32
        %get3A_787 = arith.index_cast %add3A_786 : i32 to index
        %get3A_788 = arith.constant 0 : index
        %get3A_789 = tpu.vector_load %arg5[%get3A_787, %get3A_788] {strides = array<i32>} : memref<400x64xf32, #tpu.memory_space<vmem>>, vector<1x16xf32>,
        %get3A_790 = vector.shape_cast %get3A_789 : vector<1x16xf32> to vector<16xf32>
        %max3A_791 = arith.maximumf %max3A_763, %get3A_790 : vector<16xf32>
        %add3A_792 = arith.constant 26 : i32
        %add3A_793 = arith.addi %mul3A_70, %add3A_792 : i32
        %get3A_794 = arith.index_cast %add3A_793 : i32 to index
        %get3A_795 = arith.constant 16 : index
        %get3A_796 = tpu.vector_load %arg5[%get3A_794, %get3A_795] {strides = array<i32>} : memref<400x64xf32, #tpu.memory_space<vmem>>, vector<1x16xf32>,
        %get3A_797 = vector.shape_cast %get3A_796 : vector<1x16xf32> to vector<16xf32>
        %max3A_798 = arith.maximumf %max3A_770, %get3A_797 : vector<16xf32>
        %add3A_799 = arith.constant 26 : i32
        %add3A_800 = arith.addi %mul3A_70, %add3A_799 : i32
        %get3A_801 = arith.index_cast %add3A_800 : i32 to index
        %get3A_802 = arith.constant 32 : index
        %get3A_803 = tpu.vector_load %arg5[%get3A_801, %get3A_802] {strides = array<i32>} : memref<400x64xf32, #tpu.memory_space<vmem>>, vector<1x16xf32>,
        %get3A_804 = vector.shape_cast %get3A_803 : vector<1x16xf32> to vector<16xf32>
        %max3A_805 = arith.maximumf %max3A_777, %get3A_804 : vector<16xf32>
        %add3A_806 = arith.constant 26 : i32
        %add3A_807 = arith.addi %mul3A_70, %add3A_806 : i32
        %get3A_808 = arith.index_cast %add3A_807 : i32 to index
        %get3A_809 = arith.constant 48 : index
        %get3A_810 = tpu.vector_load %arg5[%get3A_808, %get3A_809] {strides = array<i32>} : memref<400x64xf32, #tpu.memory_space<vmem>>, vector<1x16xf32>,
        %get3A_811 = vector.shape_cast %get3A_810 : vector<1x16xf32> to vector<16xf32>
        %max3A_812 = arith.maximumf %max3A_784, %get3A_811 : vector<16xf32>
        %add3A_813 = arith.constant 27 : i32
        %add3A_814 = arith.addi %mul3A_70, %add3A_813 : i32
        %get3A_815 = arith.index_cast %add3A_814 : i32 to index
        %get3A_816 = arith.constant 0 : index
        %get3A_817 = tpu.vector_load %arg5[%get3A_815, %get3A_816] {strides = array<i32>} : memref<400x64xf32, #tpu.memory_space<vmem>>, vector<1x16xf32>,
        %get3A_818 = vector.shape_cast %get3A_817 : vector<1x16xf32> to vector<16xf32>
        %max3A_819 = arith.maximumf %max3A_791, %get3A_818 : vector<16xf32>
        %add3A_820 = arith.constant 27 : i32
        %add3A_821 = arith.addi %mul3A_70, %add3A_820 : i32
        %get3A_822 = arith.index_cast %add3A_821 : i32 to index
        %get3A_823 = arith.constant 16 : index
        %get3A_824 = tpu.vector_load %arg5[%get3A_822, %get3A_823] {strides = array<i32>} : memref<400x64xf32, #tpu.memory_space<vmem>>, vector<1x16xf32>,
        %get3A_825 = vector.shape_cast %get3A_824 : vector<1x16xf32> to vector<16xf32>
        %max3A_826 = arith.maximumf %max3A_798, %get3A_825 : vector<16xf32>
        %add3A_827 = arith.constant 27 : i32
        %add3A_828 = arith.addi %mul3A_70, %add3A_827 : i32
        %get3A_829 = arith.index_cast %add3A_828 : i32 to index
        %get3A_830 = arith.constant 32 : index
        %get3A_831 = tpu.vector_load %arg5[%get3A_829, %get3A_830] {strides = array<i32>} : memref<400x64xf32, #tpu.memory_space<vmem>>, vector<1x16xf32>,
        %get3A_832 = vector.shape_cast %get3A_831 : vector<1x16xf32> to vector<16xf32>
        %max3A_833 = arith.maximumf %max3A_805, %get3A_832 : vector<16xf32>
        %add3A_834 = arith.constant 27 : i32
        %add3A_835 = arith.addi %mul3A_70, %add3A_834 : i32
        %get3A_836 = arith.index_cast %add3A_835 : i32 to index
        %get3A_837 = arith.constant 48 : index
        %get3A_838 = tpu.vector_load %arg5[%get3A_836, %get3A_837] {strides = array<i32>} : memref<400x64xf32, #tpu.memory_space<vmem>>, vector<1x16xf32>,
        %get3A_839 = vector.shape_cast %get3A_838 : vector<1x16xf32> to vector<16xf32>
        %max3A_840 = arith.maximumf %max3A_812, %get3A_839 : vector<16xf32>
        %add3A_841 = arith.constant 28 : i32
        %add3A_842 = arith.addi %mul3A_70, %add3A_841 : i32
        %get3A_843 = arith.index_cast %add3A_842 : i32 to index
        %get3A_844 = arith.constant 0 : index
        %get3A_845 = tpu.vector_load %arg5[%get3A_843, %get3A_844] {strides = array<i32>} : memref<400x64xf32, #tpu.memory_space<vmem>>, vector<1x16xf32>,
        %get3A_846 = vector.shape_cast %get3A_845 : vector<1x16xf32> to vector<16xf32>
        %max3A_847 = arith.maximumf %max3A_819, %get3A_846 : vector<16xf32>
        %add3A_848 = arith.constant 28 : i32
        %add3A_849 = arith.addi %mul3A_70, %add3A_848 : i32
        %get3A_850 = arith.index_cast %add3A_849 : i32 to index
        %get3A_851 = arith.constant 16 : index
        %get3A_852 = tpu.vector_load %arg5[%get3A_850, %get3A_851] {strides = array<i32>} : memref<400x64xf32, #tpu.memory_space<vmem>>, vector<1x16xf32>,
        %get3A_853 = vector.shape_cast %get3A_852 : vector<1x16xf32> to vector<16xf32>
        %max3A_854 = arith.maximumf %max3A_826, %get3A_853 : vector<16xf32>
        %add3A_855 = arith.constant 28 : i32
        %add3A_856 = arith.addi %mul3A_70, %add3A_855 : i32
        %get3A_857 = arith.index_cast %add3A_856 : i32 to index
        %get3A_858 = arith.constant 32 : index
        %get3A_859 = tpu.vector_load %arg5[%get3A_857, %get3A_858] {strides = array<i32>} : memref<400x64xf32, #tpu.memory_space<vmem>>, vector<1x16xf32>,
        %get3A_860 = vector.shape_cast %get3A_859 : vector<1x16xf32> to vector<16xf32>
        %max3A_861 = arith.maximumf %max3A_833, %get3A_860 : vector<16xf32>
        %add3A_862 = arith.constant 28 : i32
        %add3A_863 = arith.addi %mul3A_70, %add3A_862 : i32
        %get3A_864 = arith.index_cast %add3A_863 : i32 to index
        %get3A_865 = arith.constant 48 : index
        %get3A_866 = tpu.vector_load %arg5[%get3A_864, %get3A_865] {strides = array<i32>} : memref<400x64xf32, #tpu.memory_space<vmem>>, vector<1x16xf32>,
        %get3A_867 = vector.shape_cast %get3A_866 : vector<1x16xf32> to vector<16xf32>
        %max3A_868 = arith.maximumf %max3A_840, %get3A_867 : vector<16xf32>
        %add3A_869 = arith.constant 29 : i32
        %add3A_870 = arith.addi %mul3A_70, %add3A_869 : i32
        %get3A_871 = arith.index_cast %add3A_870 : i32 to index
        %get3A_872 = arith.constant 0 : index
        %get3A_873 = tpu.vector_load %arg5[%get3A_871, %get3A_872] {strides = array<i32>} : memref<400x64xf32, #tpu.memory_space<vmem>>, vector<1x16xf32>,
        %get3A_874 = vector.shape_cast %get3A_873 : vector<1x16xf32> to vector<16xf32>
        %max3A_875 = arith.maximumf %max3A_847, %get3A_874 : vector<16xf32>
        %add3A_876 = arith.constant 29 : i32
        %add3A_877 = arith.addi %mul3A_70, %add3A_876 : i32
        %get3A_878 = arith.index_cast %add3A_877 : i32 to index
        %get3A_879 = arith.constant 16 : index
        %get3A_880 = tpu.vector_load %arg5[%get3A_878, %get3A_879] {strides = array<i32>} : memref<400x64xf32, #tpu.memory_space<vmem>>, vector<1x16xf32>,
        %get3A_881 = vector.shape_cast %get3A_880 : vector<1x16xf32> to vector<16xf32>
        %max3A_882 = arith.maximumf %max3A_854, %get3A_881 : vector<16xf32>
        %add3A_883 = arith.constant 29 : i32
        %add3A_884 = arith.addi %mul3A_70, %add3A_883 : i32
        %get3A_885 = arith.index_cast %add3A_884 : i32 to index
        %get3A_886 = arith.constant 32 : index
        %get3A_887 = tpu.vector_load %arg5[%get3A_885, %get3A_886] {strides = array<i32>} : memref<400x64xf32, #tpu.memory_space<vmem>>, vector<1x16xf32>,
        %get3A_888 = vector.shape_cast %get3A_887 : vector<1x16xf32> to vector<16xf32>
        %max3A_889 = arith.maximumf %max3A_861, %get3A_888 : vector<16xf32>
        %add3A_890 = arith.constant 29 : i32
        %add3A_891 = arith.addi %mul3A_70, %add3A_890 : i32
        %get3A_892 = arith.index_cast %add3A_891 : i32 to index
        %get3A_893 = arith.constant 48 : index
        %get3A_894 = tpu.vector_load %arg5[%get3A_892, %get3A_893] {strides = array<i32>} : memref<400x64xf32, #tpu.memory_space<vmem>>, vector<1x16xf32>,
        %get3A_895 = vector.shape_cast %get3A_894 : vector<1x16xf32> to vector<16xf32>
        %max3A_896 = arith.maximumf %max3A_868, %get3A_895 : vector<16xf32>
        %add3A_897 = arith.constant 30 : i32
        %add3A_898 = arith.addi %mul3A_70, %add3A_897 : i32
        %get3A_899 = arith.index_cast %add3A_898 : i32 to index
        %get3A_900 = arith.constant 0 : index
        %get3A_901 = tpu.vector_load %arg5[%get3A_899, %get3A_900] {strides = array<i32>} : memref<400x64xf32, #tpu.memory_space<vmem>>, vector<1x16xf32>,
        %get3A_902 = vector.shape_cast %get3A_901 : vector<1x16xf32> to vector<16xf32>
        %max3A_903 = arith.maximumf %max3A_875, %get3A_902 : vector<16xf32>
        %add3A_904 = arith.constant 30 : i32
        %add3A_905 = arith.addi %mul3A_70, %add3A_904 : i32
        %get3A_906 = arith.index_cast %add3A_905 : i32 to index
        %get3A_907 = arith.constant 16 : index
        %get3A_908 = tpu.vector_load %arg5[%get3A_906, %get3A_907] {strides = array<i32>} : memref<400x64xf32, #tpu.memory_space<vmem>>, vector<1x16xf32>,
        %get3A_909 = vector.shape_cast %get3A_908 : vector<1x16xf32> to vector<16xf32>
        %max3A_910 = arith.maximumf %max3A_882, %get3A_909 : vector<16xf32>
        %add3A_911 = arith.constant 30 : i32
        %add3A_912 = arith.addi %mul3A_70, %add3A_911 : i32
        %get3A_913 = arith.index_cast %add3A_912 : i32 to index
        %get3A_914 = arith.constant 32 : index
        %get3A_915 = tpu.vector_load %arg5[%get3A_913, %get3A_914] {strides = array<i32>} : memref<400x64xf32, #tpu.memory_space<vmem>>, vector<1x16xf32>,
        %get3A_916 = vector.shape_cast %get3A_915 : vector<1x16xf32> to vector<16xf32>
        %max3A_917 = arith.maximumf %max3A_889, %get3A_916 : vector<16xf32>
        %add3A_918 = arith.constant 30 : i32
        %add3A_919 = arith.addi %mul3A_70, %add3A_918 : i32
        %get3A_920 = arith.index_cast %add3A_919 : i32 to index
        %get3A_921 = arith.constant 48 : index
        %get3A_922 = tpu.vector_load %arg5[%get3A_920, %get3A_921] {strides = array<i32>} : memref<400x64xf32, #tpu.memory_space<vmem>>, vector<1x16xf32>,
        %get3A_923 = vector.shape_cast %get3A_922 : vector<1x16xf32> to vector<16xf32>
        %max3A_924 = arith.maximumf %max3A_896, %get3A_923 : vector<16xf32>
        %add3A_925 = arith.constant 31 : i32
        %add3A_926 = arith.addi %mul3A_70, %add3A_925 : i32
        %get3A_927 = arith.index_cast %add3A_926 : i32 to index
        %get3A_928 = arith.constant 0 : index
        %get3A_929 = tpu.vector_load %arg5[%get3A_927, %get3A_928] {strides = array<i32>} : memref<400x64xf32, #tpu.memory_space<vmem>>, vector<1x16xf32>,
        %get3A_930 = vector.shape_cast %get3A_929 : vector<1x16xf32> to vector<16xf32>
        %max3A_931 = arith.maximumf %max3A_903, %get3A_930 : vector<16xf32>
        %add3A_932 = arith.constant 31 : i32
        %add3A_933 = arith.addi %mul3A_70, %add3A_932 : i32
        %get3A_934 = arith.index_cast %add3A_933 : i32 to index
        %get3A_935 = arith.constant 16 : index
        %get3A_936 = tpu.vector_load %arg5[%get3A_934, %get3A_935] {strides = array<i32>} : memref<400x64xf32, #tpu.memory_space<vmem>>, vector<1x16xf32>,
        %get3A_937 = vector.shape_cast %get3A_936 : vector<1x16xf32> to vector<16xf32>
        %max3A_938 = arith.maximumf %max3A_910, %get3A_937 : vector<16xf32>
        %add3A_939 = arith.constant 31 : i32
        %add3A_940 = arith.addi %mul3A_70, %add3A_939 : i32
        %get3A_941 = arith.index_cast %add3A_940 : i32 to index
        %get3A_942 = arith.constant 32 : index
        %get3A_943 = tpu.vector_load %arg5[%get3A_941, %get3A_942] {strides = array<i32>} : memref<400x64xf32, #tpu.memory_space<vmem>>, vector<1x16xf32>,
        %get3A_944 = vector.shape_cast %get3A_943 : vector<1x16xf32> to vector<16xf32>
        %max3A_945 = arith.maximumf %max3A_917, %get3A_944 : vector<16xf32>
        %add3A_946 = arith.constant 31 : i32
        %add3A_947 = arith.addi %mul3A_70, %add3A_946 : i32
        %get3A_948 = arith.index_cast %add3A_947 : i32 to index
        %get3A_949 = arith.constant 48 : index
        %get3A_950 = tpu.vector_load %arg5[%get3A_948, %get3A_949] {strides = array<i32>} : memref<400x64xf32, #tpu.memory_space<vmem>>, vector<1x16xf32>,
        %get3A_951 = vector.shape_cast %get3A_950 : vector<1x16xf32> to vector<16xf32>
        %max3A_952 = arith.maximumf %max3A_924, %get3A_951 : vector<16xf32>
        %add3A_953 = arith.constant 32 : i32
        %add3A_954 = arith.addi %mul3A_70, %add3A_953 : i32
        %get3A_955 = arith.index_cast %add3A_954 : i32 to index
        %get3A_956 = arith.constant 0 : index
        %get3A_957 = tpu.vector_load %arg5[%get3A_955, %get3A_956] {strides = array<i32>} : memref<400x64xf32, #tpu.memory_space<vmem>>, vector<1x16xf32>,
        %get3A_958 = vector.shape_cast %get3A_957 : vector<1x16xf32> to vector<16xf32>
        %max3A_959 = arith.maximumf %max3A_931, %get3A_958 : vector<16xf32>
        %add3A_960 = arith.constant 32 : i32
        %add3A_961 = arith.addi %mul3A_70, %add3A_960 : i32
        %get3A_962 = arith.index_cast %add3A_961 : i32 to index
        %get3A_963 = arith.constant 16 : index
        %get3A_964 = tpu.vector_load %arg5[%get3A_962, %get3A_963] {strides = array<i32>} : memref<400x64xf32, #tpu.memory_space<vmem>>, vector<1x16xf32>,
        %get3A_965 = vector.shape_cast %get3A_964 : vector<1x16xf32> to vector<16xf32>
        %max3A_966 = arith.maximumf %max3A_938, %get3A_965 : vector<16xf32>
        %add3A_967 = arith.constant 32 : i32
        %add3A_968 = arith.addi %mul3A_70, %add3A_967 : i32
        %get3A_969 = arith.index_cast %add3A_968 : i32 to index
        %get3A_970 = arith.constant 32 : index
        %get3A_971 = tpu.vector_load %arg5[%get3A_969, %get3A_970] {strides = array<i32>} : memref<400x64xf32, #tpu.memory_space<vmem>>, vector<1x16xf32>,
        %get3A_972 = vector.shape_cast %get3A_971 : vector<1x16xf32> to vector<16xf32>
        %max3A_973 = arith.maximumf %max3A_945, %get3A_972 : vector<16xf32>
        %add3A_974 = arith.constant 32 : i32
        %add3A_975 = arith.addi %mul3A_70, %add3A_974 : i32
        %get3A_976 = arith.index_cast %add3A_975 : i32 to index
        %get3A_977 = arith.constant 48 : index
        %get3A_978 = tpu.vector_load %arg5[%get3A_976, %get3A_977] {strides = array<i32>} : memref<400x64xf32, #tpu.memory_space<vmem>>, vector<1x16xf32>,
        %get3A_979 = vector.shape_cast %get3A_978 : vector<1x16xf32> to vector<16xf32>
        %max3A_980 = arith.maximumf %max3A_952, %get3A_979 : vector<16xf32>
        %add3A_981 = arith.constant 33 : i32
        %add3A_982 = arith.addi %mul3A_70, %add3A_981 : i32
        %get3A_983 = arith.index_cast %add3A_982 : i32 to index
        %get3A_984 = arith.constant 0 : index
        %get3A_985 = tpu.vector_load %arg5[%get3A_983, %get3A_984] {strides = array<i32>} : memref<400x64xf32, #tpu.memory_space<vmem>>, vector<1x16xf32>,
        %get3A_986 = vector.shape_cast %get3A_985 : vector<1x16xf32> to vector<16xf32>
        %max3A_987 = arith.maximumf %max3A_959, %get3A_986 : vector<16xf32>
        %add3A_988 = arith.constant 33 : i32
        %add3A_989 = arith.addi %mul3A_70, %add3A_988 : i32
        %get3A_990 = arith.index_cast %add3A_989 : i32 to index
        %get3A_991 = arith.constant 16 : index
        %get3A_992 = tpu.vector_load %arg5[%get3A_990, %get3A_991] {strides = array<i32>} : memref<400x64xf32, #tpu.memory_space<vmem>>, vector<1x16xf32>,
        %get3A_993 = vector.shape_cast %get3A_992 : vector<1x16xf32> to vector<16xf32>
        %max3A_994 = arith.maximumf %max3A_966, %get3A_993 : vector<16xf32>
        %add3A_995 = arith.constant 33 : i32
        %add3A_996 = arith.addi %mul3A_70, %add3A_995 : i32
        %get3A_997 = arith.index_cast %add3A_996 : i32 to index
        %get3A_998 = arith.constant 32 : index
        %get3A_999 = tpu.vector_load %arg5[%get3A_997, %get3A_998] {strides = array<i32>} : memref<400x64xf32, #tpu.memory_space<vmem>>, vector<1x16xf32>,
        %get3A_1000 = vector.shape_cast %get3A_999 : vector<1x16xf32> to vector<16xf32>
        %max3A_1001 = arith.maximumf %max3A_973, %get3A_1000 : vector<16xf32>
        %add3A_1002 = arith.constant 33 : i32
        %add3A_1003 = arith.addi %mul3A_70, %add3A_1002 : i32
        %get3A_1004 = arith.index_cast %add3A_1003 : i32 to index
        %get3A_1005 = arith.constant 48 : index
        %get3A_1006 = tpu.vector_load %arg5[%get3A_1004, %get3A_1005] {strides = array<i32>} : memref<400x64xf32, #tpu.memory_space<vmem>>, vector<1x16xf32>,
        %get3A_1007 = vector.shape_cast %get3A_1006 : vector<1x16xf32> to vector<16xf32>
        %max3A_1008 = arith.maximumf %max3A_980, %get3A_1007 : vector<16xf32>
        %add3A_1009 = arith.constant 34 : i32
        %add3A_1010 = arith.addi %mul3A_70, %add3A_1009 : i32
        %get3A_1011 = arith.index_cast %add3A_1010 : i32 to index
        %get3A_1012 = arith.constant 0 : index
        %get3A_1013 = tpu.vector_load %arg5[%get3A_1011, %get3A_1012] {strides = array<i32>} : memref<400x64xf32, #tpu.memory_space<vmem>>, vector<1x16xf32>,
        %get3A_1014 = vector.shape_cast %get3A_1013 : vector<1x16xf32> to vector<16xf32>
        %max3A_1015 = arith.maximumf %max3A_987, %get3A_1014 : vector<16xf32>
        %add3A_1016 = arith.constant 34 : i32
        %add3A_1017 = arith.addi %mul3A_70, %add3A_1016 : i32
        %get3A_1018 = arith.index_cast %add3A_1017 : i32 to index
        %get3A_1019 = arith.constant 16 : index
        %get3A_1020 = tpu.vector_load %arg5[%get3A_1018, %get3A_1019] {strides = array<i32>} : memref<400x64xf32, #tpu.memory_space<vmem>>, vector<1x16xf32>,
        %get3A_1021 = vector.shape_cast %get3A_1020 : vector<1x16xf32> to vector<16xf32>
        %max3A_1022 = arith.maximumf %max3A_994, %get3A_1021 : vector<16xf32>
        %add3A_1023 = arith.constant 34 : i32
        %add3A_1024 = arith.addi %mul3A_70, %add3A_1023 : i32
        %get3A_1025 = arith.index_cast %add3A_1024 : i32 to index
        %get3A_1026 = arith.constant 32 : index
        %get3A_1027 = tpu.vector_load %arg5[%get3A_1025, %get3A_1026] {strides = array<i32>} : memref<400x64xf32, #tpu.memory_space<vmem>>, vector<1x16xf32>,
        %get3A_1028 = vector.shape_cast %get3A_1027 : vector<1x16xf32> to vector<16xf32>
        %max3A_1029 = arith.maximumf %max3A_1001, %get3A_1028 : vector<16xf32>
        %add3A_1030 = arith.constant 34 : i32
        %add3A_1031 = arith.addi %mul3A_70, %add3A_1030 : i32
        %get3A_1032 = arith.index_cast %add3A_1031 : i32 to index
        %get3A_1033 = arith.constant 48 : index
        %get3A_1034 = tpu.vector_load %arg5[%get3A_1032, %get3A_1033] {strides = array<i32>} : memref<400x64xf32, #tpu.memory_space<vmem>>, vector<1x16xf32>,
        %get3A_1035 = vector.shape_cast %get3A_1034 : vector<1x16xf32> to vector<16xf32>
        %max3A_1036 = arith.maximumf %max3A_1008, %get3A_1035 : vector<16xf32>
        %add3A_1037 = arith.constant 35 : i32
        %add3A_1038 = arith.addi %mul3A_70, %add3A_1037 : i32
        %get3A_1039 = arith.index_cast %add3A_1038 : i32 to index
        %get3A_1040 = arith.constant 0 : index
        %get3A_1041 = tpu.vector_load %arg5[%get3A_1039, %get3A_1040] {strides = array<i32>} : memref<400x64xf32, #tpu.memory_space<vmem>>, vector<1x16xf32>,
        %get3A_1042 = vector.shape_cast %get3A_1041 : vector<1x16xf32> to vector<16xf32>
        %max3A_1043 = arith.maximumf %max3A_1015, %get3A_1042 : vector<16xf32>
        %add3A_1044 = arith.constant 35 : i32
        %add3A_1045 = arith.addi %mul3A_70, %add3A_1044 : i32
        %get3A_1046 = arith.index_cast %add3A_1045 : i32 to index
        %get3A_1047 = arith.constant 16 : index
        %get3A_1048 = tpu.vector_load %arg5[%get3A_1046, %get3A_1047] {strides = array<i32>} : memref<400x64xf32, #tpu.memory_space<vmem>>, vector<1x16xf32>,
        %get3A_1049 = vector.shape_cast %get3A_1048 : vector<1x16xf32> to vector<16xf32>
        %max3A_1050 = arith.maximumf %max3A_1022, %get3A_1049 : vector<16xf32>
        %add3A_1051 = arith.constant 35 : i32
        %add3A_1052 = arith.addi %mul3A_70, %add3A_1051 : i32
        %get3A_1053 = arith.index_cast %add3A_1052 : i32 to index
        %get3A_1054 = arith.constant 32 : index
        %get3A_1055 = tpu.vector_load %arg5[%get3A_1053, %get3A_1054] {strides = array<i32>} : memref<400x64xf32, #tpu.memory_space<vmem>>, vector<1x16xf32>,
        %get3A_1056 = vector.shape_cast %get3A_1055 : vector<1x16xf32> to vector<16xf32>
        %max3A_1057 = arith.maximumf %max3A_1029, %get3A_1056 : vector<16xf32>
        %add3A_1058 = arith.constant 35 : i32
        %add3A_1059 = arith.addi %mul3A_70, %add3A_1058 : i32
        %get3A_1060 = arith.index_cast %add3A_1059 : i32 to index
        %get3A_1061 = arith.constant 48 : index
        %get3A_1062 = tpu.vector_load %arg5[%get3A_1060, %get3A_1061] {strides = array<i32>} : memref<400x64xf32, #tpu.memory_space<vmem>>, vector<1x16xf32>,
        %get3A_1063 = vector.shape_cast %get3A_1062 : vector<1x16xf32> to vector<16xf32>
        %max3A_1064 = arith.maximumf %max3A_1036, %get3A_1063 : vector<16xf32>
        %add3A_1065 = arith.constant 36 : i32
        %add3A_1066 = arith.addi %mul3A_70, %add3A_1065 : i32
        %get3A_1067 = arith.index_cast %add3A_1066 : i32 to index
        %get3A_1068 = arith.constant 0 : index
        %get3A_1069 = tpu.vector_load %arg5[%get3A_1067, %get3A_1068] {strides = array<i32>} : memref<400x64xf32, #tpu.memory_space<vmem>>, vector<1x16xf32>,
        %get3A_1070 = vector.shape_cast %get3A_1069 : vector<1x16xf32> to vector<16xf32>
        %max3A_1071 = arith.maximumf %max3A_1043, %get3A_1070 : vector<16xf32>
        %add3A_1072 = arith.constant 36 : i32
        %add3A_1073 = arith.addi %mul3A_70, %add3A_1072 : i32
        %get3A_1074 = arith.index_cast %add3A_1073 : i32 to index
        %get3A_1075 = arith.constant 16 : index
        %get3A_1076 = tpu.vector_load %arg5[%get3A_1074, %get3A_1075] {strides = array<i32>} : memref<400x64xf32, #tpu.memory_space<vmem>>, vector<1x16xf32>,
        %get3A_1077 = vector.shape_cast %get3A_1076 : vector<1x16xf32> to vector<16xf32>
        %max3A_1078 = arith.maximumf %max3A_1050, %get3A_1077 : vector<16xf32>
        %add3A_1079 = arith.constant 36 : i32
        %add3A_1080 = arith.addi %mul3A_70, %add3A_1079 : i32
        %get3A_1081 = arith.index_cast %add3A_1080 : i32 to index
        %get3A_1082 = arith.constant 32 : index
        %get3A_1083 = tpu.vector_load %arg5[%get3A_1081, %get3A_1082] {strides = array<i32>} : memref<400x64xf32, #tpu.memory_space<vmem>>, vector<1x16xf32>,
        %get3A_1084 = vector.shape_cast %get3A_1083 : vector<1x16xf32> to vector<16xf32>
        %max3A_1085 = arith.maximumf %max3A_1057, %get3A_1084 : vector<16xf32>
        %add3A_1086 = arith.constant 36 : i32
        %add3A_1087 = arith.addi %mul3A_70, %add3A_1086 : i32
        %get3A_1088 = arith.index_cast %add3A_1087 : i32 to index
        %get3A_1089 = arith.constant 48 : index
        %get3A_1090 = tpu.vector_load %arg5[%get3A_1088, %get3A_1089] {strides = array<i32>} : memref<400x64xf32, #tpu.memory_space<vmem>>, vector<1x16xf32>,
        %get3A_1091 = vector.shape_cast %get3A_1090 : vector<1x16xf32> to vector<16xf32>
        %max3A_1092 = arith.maximumf %max3A_1064, %get3A_1091 : vector<16xf32>
        %add3A_1093 = arith.constant 37 : i32
        %add3A_1094 = arith.addi %mul3A_70, %add3A_1093 : i32
        %get3A_1095 = arith.index_cast %add3A_1094 : i32 to index
        %get3A_1096 = arith.constant 0 : index
        %get3A_1097 = tpu.vector_load %arg5[%get3A_1095, %get3A_1096] {strides = array<i32>} : memref<400x64xf32, #tpu.memory_space<vmem>>, vector<1x16xf32>,
        %get3A_1098 = vector.shape_cast %get3A_1097 : vector<1x16xf32> to vector<16xf32>
        %max3A_1099 = arith.maximumf %max3A_1071, %get3A_1098 : vector<16xf32>
        %add3A_1100 = arith.constant 37 : i32
        %add3A_1101 = arith.addi %mul3A_70, %add3A_1100 : i32
        %get3A_1102 = arith.index_cast %add3A_1101 : i32 to index
        %get3A_1103 = arith.constant 16 : index
        %get3A_1104 = tpu.vector_load %arg5[%get3A_1102, %get3A_1103] {strides = array<i32>} : memref<400x64xf32, #tpu.memory_space<vmem>>, vector<1x16xf32>,
        %get3A_1105 = vector.shape_cast %get3A_1104 : vector<1x16xf32> to vector<16xf32>
        %max3A_1106 = arith.maximumf %max3A_1078, %get3A_1105 : vector<16xf32>
        %add3A_1107 = arith.constant 37 : i32
        %add3A_1108 = arith.addi %mul3A_70, %add3A_1107 : i32
        %get3A_1109 = arith.index_cast %add3A_1108 : i32 to index
        %get3A_1110 = arith.constant 32 : index
        %get3A_1111 = tpu.vector_load %arg5[%get3A_1109, %get3A_1110] {strides = array<i32>} : memref<400x64xf32, #tpu.memory_space<vmem>>, vector<1x16xf32>,
        %get3A_1112 = vector.shape_cast %get3A_1111 : vector<1x16xf32> to vector<16xf32>
        %max3A_1113 = arith.maximumf %max3A_1085, %get3A_1112 : vector<16xf32>
        %add3A_1114 = arith.constant 37 : i32
        %add3A_1115 = arith.addi %mul3A_70, %add3A_1114 : i32
        %get3A_1116 = arith.index_cast %add3A_1115 : i32 to index
        %get3A_1117 = arith.constant 48 : index
        %get3A_1118 = tpu.vector_load %arg5[%get3A_1116, %get3A_1117] {strides = array<i32>} : memref<400x64xf32, #tpu.memory_space<vmem>>, vector<1x16xf32>,
        %get3A_1119 = vector.shape_cast %get3A_1118 : vector<1x16xf32> to vector<16xf32>
        %max3A_1120 = arith.maximumf %max3A_1092, %get3A_1119 : vector<16xf32>
        %add3A_1121 = arith.constant 38 : i32
        %add3A_1122 = arith.addi %mul3A_70, %add3A_1121 : i32
        %get3A_1123 = arith.index_cast %add3A_1122 : i32 to index
        %get3A_1124 = arith.constant 0 : index
        %get3A_1125 = tpu.vector_load %arg5[%get3A_1123, %get3A_1124] {strides = array<i32>} : memref<400x64xf32, #tpu.memory_space<vmem>>, vector<1x16xf32>,
        %get3A_1126 = vector.shape_cast %get3A_1125 : vector<1x16xf32> to vector<16xf32>
        %max3A_1127 = arith.maximumf %max3A_1099, %get3A_1126 : vector<16xf32>
        %add3A_1128 = arith.constant 38 : i32
        %add3A_1129 = arith.addi %mul3A_70, %add3A_1128 : i32
        %get3A_1130 = arith.index_cast %add3A_1129 : i32 to index
        %get3A_1131 = arith.constant 16 : index
        %get3A_1132 = tpu.vector_load %arg5[%get3A_1130, %get3A_1131] {strides = array<i32>} : memref<400x64xf32, #tpu.memory_space<vmem>>, vector<1x16xf32>,
        %get3A_1133 = vector.shape_cast %get3A_1132 : vector<1x16xf32> to vector<16xf32>
        %max3A_1134 = arith.maximumf %max3A_1106, %get3A_1133 : vector<16xf32>
        %add3A_1135 = arith.constant 38 : i32
        %add3A_1136 = arith.addi %mul3A_70, %add3A_1135 : i32
        %get3A_1137 = arith.index_cast %add3A_1136 : i32 to index
        %get3A_1138 = arith.constant 32 : index
        %get3A_1139 = tpu.vector_load %arg5[%get3A_1137, %get3A_1138] {strides = array<i32>} : memref<400x64xf32, #tpu.memory_space<vmem>>, vector<1x16xf32>,
        %get3A_1140 = vector.shape_cast %get3A_1139 : vector<1x16xf32> to vector<16xf32>
        %max3A_1141 = arith.maximumf %max3A_1113, %get3A_1140 : vector<16xf32>
        %add3A_1142 = arith.constant 38 : i32
        %add3A_1143 = arith.addi %mul3A_70, %add3A_1142 : i32
        %get3A_1144 = arith.index_cast %add3A_1143 : i32 to index
        %get3A_1145 = arith.constant 48 : index
        %get3A_1146 = tpu.vector_load %arg5[%get3A_1144, %get3A_1145] {strides = array<i32>} : memref<400x64xf32, #tpu.memory_space<vmem>>, vector<1x16xf32>,
        %get3A_1147 = vector.shape_cast %get3A_1146 : vector<1x16xf32> to vector<16xf32>
        %max3A_1148 = arith.maximumf %max3A_1120, %get3A_1147 : vector<16xf32>
        %add3A_1149 = arith.constant 39 : i32
        %add3A_1150 = arith.addi %mul3A_70, %add3A_1149 : i32
        %get3A_1151 = arith.index_cast %add3A_1150 : i32 to index
        %get3A_1152 = arith.constant 0 : index
        %get3A_1153 = tpu.vector_load %arg5[%get3A_1151, %get3A_1152] {strides = array<i32>} : memref<400x64xf32, #tpu.memory_space<vmem>>, vector<1x16xf32>,
        %get3A_1154 = vector.shape_cast %get3A_1153 : vector<1x16xf32> to vector<16xf32>
        %max3A_1155 = arith.maximumf %max3A_1127, %get3A_1154 : vector<16xf32>
        %add3A_1156 = arith.constant 39 : i32
        %add3A_1157 = arith.addi %mul3A_70, %add3A_1156 : i32
        %get3A_1158 = arith.index_cast %add3A_1157 : i32 to index
        %get3A_1159 = arith.constant 16 : index
        %get3A_1160 = tpu.vector_load %arg5[%get3A_1158, %get3A_1159] {strides = array<i32>} : memref<400x64xf32, #tpu.memory_space<vmem>>, vector<1x16xf32>,
        %get3A_1161 = vector.shape_cast %get3A_1160 : vector<1x16xf32> to vector<16xf32>
        %max3A_1162 = arith.maximumf %max3A_1134, %get3A_1161 : vector<16xf32>
        %add3A_1163 = arith.constant 39 : i32
        %add3A_1164 = arith.addi %mul3A_70, %add3A_1163 : i32
        %get3A_1165 = arith.index_cast %add3A_1164 : i32 to index
        %get3A_1166 = arith.constant 32 : index
        %get3A_1167 = tpu.vector_load %arg5[%get3A_1165, %get3A_1166] {strides = array<i32>} : memref<400x64xf32, #tpu.memory_space<vmem>>, vector<1x16xf32>,
        %get3A_1168 = vector.shape_cast %get3A_1167 : vector<1x16xf32> to vector<16xf32>
        %max3A_1169 = arith.maximumf %max3A_1141, %get3A_1168 : vector<16xf32>
        %add3A_1170 = arith.constant 39 : i32
        %add3A_1171 = arith.addi %mul3A_70, %add3A_1170 : i32
        %get3A_1172 = arith.index_cast %add3A_1171 : i32 to index
        %get3A_1173 = arith.constant 48 : index
        %get3A_1174 = tpu.vector_load %arg5[%get3A_1172, %get3A_1173] {strides = array<i32>} : memref<400x64xf32, #tpu.memory_space<vmem>>, vector<1x16xf32>,
        %get3A_1175 = vector.shape_cast %get3A_1174 : vector<1x16xf32> to vector<16xf32>
        %max3A_1176 = arith.maximumf %max3A_1148, %get3A_1175 : vector<16xf32>
        %add3A_1177 = arith.constant 40 : i32
        %add3A_1178 = arith.addi %mul3A_70, %add3A_1177 : i32
        %get3A_1179 = arith.index_cast %add3A_1178 : i32 to index
        %get3A_1180 = arith.constant 0 : index
        %get3A_1181 = tpu.vector_load %arg5[%get3A_1179, %get3A_1180] {strides = array<i32>} : memref<400x64xf32, #tpu.memory_space<vmem>>, vector<1x16xf32>,
        %get3A_1182 = vector.shape_cast %get3A_1181 : vector<1x16xf32> to vector<16xf32>
        %max3A_1183 = arith.maximumf %max3A_1155, %get3A_1182 : vector<16xf32>
        %add3A_1184 = arith.constant 40 : i32
        %add3A_1185 = arith.addi %mul3A_70, %add3A_1184 : i32
        %get3A_1186 = arith.index_cast %add3A_1185 : i32 to index
        %get3A_1187 = arith.constant 16 : index
        %get3A_1188 = tpu.vector_load %arg5[%get3A_1186, %get3A_1187] {strides = array<i32>} : memref<400x64xf32, #tpu.memory_space<vmem>>, vector<1x16xf32>,
        %get3A_1189 = vector.shape_cast %get3A_1188 : vector<1x16xf32> to vector<16xf32>
        %max3A_1190 = arith.maximumf %max3A_1162, %get3A_1189 : vector<16xf32>
        %add3A_1191 = arith.constant 40 : i32
        %add3A_1192 = arith.addi %mul3A_70, %add3A_1191 : i32
        %get3A_1193 = arith.index_cast %add3A_1192 : i32 to index
        %get3A_1194 = arith.constant 32 : index
        %get3A_1195 = tpu.vector_load %arg5[%get3A_1193, %get3A_1194] {strides = array<i32>} : memref<400x64xf32, #tpu.memory_space<vmem>>, vector<1x16xf32>,
        %get3A_1196 = vector.shape_cast %get3A_1195 : vector<1x16xf32> to vector<16xf32>
        %max3A_1197 = arith.maximumf %max3A_1169, %get3A_1196 : vector<16xf32>
        %add3A_1198 = arith.constant 40 : i32
        %add3A_1199 = arith.addi %mul3A_70, %add3A_1198 : i32
        %get3A_1200 = arith.index_cast %add3A_1199 : i32 to index
        %get3A_1201 = arith.constant 48 : index
        %get3A_1202 = tpu.vector_load %arg5[%get3A_1200, %get3A_1201] {strides = array<i32>} : memref<400x64xf32, #tpu.memory_space<vmem>>, vector<1x16xf32>,
        %get3A_1203 = vector.shape_cast %get3A_1202 : vector<1x16xf32> to vector<16xf32>
        %max3A_1204 = arith.maximumf %max3A_1176, %get3A_1203 : vector<16xf32>
        %add3A_1205 = arith.constant 41 : i32
        %add3A_1206 = arith.addi %mul3A_70, %add3A_1205 : i32
        %get3A_1207 = arith.index_cast %add3A_1206 : i32 to index
        %get3A_1208 = arith.constant 0 : index
        %get3A_1209 = tpu.vector_load %arg5[%get3A_1207, %get3A_1208] {strides = array<i32>} : memref<400x64xf32, #tpu.memory_space<vmem>>, vector<1x16xf32>,
        %get3A_1210 = vector.shape_cast %get3A_1209 : vector<1x16xf32> to vector<16xf32>
        %max3A_1211 = arith.maximumf %max3A_1183, %get3A_1210 : vector<16xf32>
        %add3A_1212 = arith.constant 41 : i32
        %add3A_1213 = arith.addi %mul3A_70, %add3A_1212 : i32
        %get3A_1214 = arith.index_cast %add3A_1213 : i32 to index
        %get3A_1215 = arith.constant 16 : index
        %get3A_1216 = tpu.vector_load %arg5[%get3A_1214, %get3A_1215] {strides = array<i32>} : memref<400x64xf32, #tpu.memory_space<vmem>>, vector<1x16xf32>,
        %get3A_1217 = vector.shape_cast %get3A_1216 : vector<1x16xf32> to vector<16xf32>
        %max3A_1218 = arith.maximumf %max3A_1190, %get3A_1217 : vector<16xf32>
        %add3A_1219 = arith.constant 41 : i32
        %add3A_1220 = arith.addi %mul3A_70, %add3A_1219 : i32
        %get3A_1221 = arith.index_cast %add3A_1220 : i32 to index
        %get3A_1222 = arith.constant 32 : index
        %get3A_1223 = tpu.vector_load %arg5[%get3A_1221, %get3A_1222] {strides = array<i32>} : memref<400x64xf32, #tpu.memory_space<vmem>>, vector<1x16xf32>,
        %get3A_1224 = vector.shape_cast %get3A_1223 : vector<1x16xf32> to vector<16xf32>
        %max3A_1225 = arith.maximumf %max3A_1197, %get3A_1224 : vector<16xf32>
        %add3A_1226 = arith.constant 41 : i32
        %add3A_1227 = arith.addi %mul3A_70, %add3A_1226 : i32
        %get3A_1228 = arith.index_cast %add3A_1227 : i32 to index
        %get3A_1229 = arith.constant 48 : index
        %get3A_1230 = tpu.vector_load %arg5[%get3A_1228, %get3A_1229] {strides = array<i32>} : memref<400x64xf32, #tpu.memory_space<vmem>>, vector<1x16xf32>,
        %get3A_1231 = vector.shape_cast %get3A_1230 : vector<1x16xf32> to vector<16xf32>
        %max3A_1232 = arith.maximumf %max3A_1204, %get3A_1231 : vector<16xf32>
        %add3A_1233 = arith.constant 42 : i32
        %add3A_1234 = arith.addi %mul3A_70, %add3A_1233 : i32
        %get3A_1235 = arith.index_cast %add3A_1234 : i32 to index
        %get3A_1236 = arith.constant 0 : index
        %get3A_1237 = tpu.vector_load %arg5[%get3A_1235, %get3A_1236] {strides = array<i32>} : memref<400x64xf32, #tpu.memory_space<vmem>>, vector<1x16xf32>,
        %get3A_1238 = vector.shape_cast %get3A_1237 : vector<1x16xf32> to vector<16xf32>
        %max3A_1239 = arith.maximumf %max3A_1211, %get3A_1238 : vector<16xf32>
        %add3A_1240 = arith.constant 42 : i32
        %add3A_1241 = arith.addi %mul3A_70, %add3A_1240 : i32
        %get3A_1242 = arith.index_cast %add3A_1241 : i32 to index
        %get3A_1243 = arith.constant 16 : index
        %get3A_1244 = tpu.vector_load %arg5[%get3A_1242, %get3A_1243] {strides = array<i32>} : memref<400x64xf32, #tpu.memory_space<vmem>>, vector<1x16xf32>,
        %get3A_1245 = vector.shape_cast %get3A_1244 : vector<1x16xf32> to vector<16xf32>
        %max3A_1246 = arith.maximumf %max3A_1218, %get3A_1245 : vector<16xf32>
        %add3A_1247 = arith.constant 42 : i32
        %add3A_1248 = arith.addi %mul3A_70, %add3A_1247 : i32
        %get3A_1249 = arith.index_cast %add3A_1248 : i32 to index
        %get3A_1250 = arith.constant 32 : index
        %get3A_1251 = tpu.vector_load %arg5[%get3A_1249, %get3A_1250] {strides = array<i32>} : memref<400x64xf32, #tpu.memory_space<vmem>>, vector<1x16xf32>,
        %get3A_1252 = vector.shape_cast %get3A_1251 : vector<1x16xf32> to vector<16xf32>
        %max3A_1253 = arith.maximumf %max3A_1225, %get3A_1252 : vector<16xf32>
        %add3A_1254 = arith.constant 42 : i32
        %add3A_1255 = arith.addi %mul3A_70, %add3A_1254 : i32
        %get3A_1256 = arith.index_cast %add3A_1255 : i32 to index
        %get3A_1257 = arith.constant 48 : index
        %get3A_1258 = tpu.vector_load %arg5[%get3A_1256, %get3A_1257] {strides = array<i32>} : memref<400x64xf32, #tpu.memory_space<vmem>>, vector<1x16xf32>,
        %get3A_1259 = vector.shape_cast %get3A_1258 : vector<1x16xf32> to vector<16xf32>
        %max3A_1260 = arith.maximumf %max3A_1232, %get3A_1259 : vector<16xf32>
        %add3A_1261 = arith.constant 43 : i32
        %add3A_1262 = arith.addi %mul3A_70, %add3A_1261 : i32
        %get3A_1263 = arith.index_cast %add3A_1262 : i32 to index
        %get3A_1264 = arith.constant 0 : index
        %get3A_1265 = tpu.vector_load %arg5[%get3A_1263, %get3A_1264] {strides = array<i32>} : memref<400x64xf32, #tpu.memory_space<vmem>>, vector<1x16xf32>,
        %get3A_1266 = vector.shape_cast %get3A_1265 : vector<1x16xf32> to vector<16xf32>
        %max3A_1267 = arith.maximumf %max3A_1239, %get3A_1266 : vector<16xf32>
        %add3A_1268 = arith.constant 43 : i32
        %add3A_1269 = arith.addi %mul3A_70, %add3A_1268 : i32
        %get3A_1270 = arith.index_cast %add3A_1269 : i32 to index
        %get3A_1271 = arith.constant 16 : index
        %get3A_1272 = tpu.vector_load %arg5[%get3A_1270, %get3A_1271] {strides = array<i32>} : memref<400x64xf32, #tpu.memory_space<vmem>>, vector<1x16xf32>,
        %get3A_1273 = vector.shape_cast %get3A_1272 : vector<1x16xf32> to vector<16xf32>
        %max3A_1274 = arith.maximumf %max3A_1246, %get3A_1273 : vector<16xf32>
        %add3A_1275 = arith.constant 43 : i32
        %add3A_1276 = arith.addi %mul3A_70, %add3A_1275 : i32
        %get3A_1277 = arith.index_cast %add3A_1276 : i32 to index
        %get3A_1278 = arith.constant 32 : index
        %get3A_1279 = tpu.vector_load %arg5[%get3A_1277, %get3A_1278] {strides = array<i32>} : memref<400x64xf32, #tpu.memory_space<vmem>>, vector<1x16xf32>,
        %get3A_1280 = vector.shape_cast %get3A_1279 : vector<1x16xf32> to vector<16xf32>
        %max3A_1281 = arith.maximumf %max3A_1253, %get3A_1280 : vector<16xf32>
        %add3A_1282 = arith.constant 43 : i32
        %add3A_1283 = arith.addi %mul3A_70, %add3A_1282 : i32
        %get3A_1284 = arith.index_cast %add3A_1283 : i32 to index
        %get3A_1285 = arith.constant 48 : index
        %get3A_1286 = tpu.vector_load %arg5[%get3A_1284, %get3A_1285] {strides = array<i32>} : memref<400x64xf32, #tpu.memory_space<vmem>>, vector<1x16xf32>,
        %get3A_1287 = vector.shape_cast %get3A_1286 : vector<1x16xf32> to vector<16xf32>
        %max3A_1288 = arith.maximumf %max3A_1260, %get3A_1287 : vector<16xf32>
        %add3A_1289 = arith.constant 44 : i32
        %add3A_1290 = arith.addi %mul3A_70, %add3A_1289 : i32
        %get3A_1291 = arith.index_cast %add3A_1290 : i32 to index
        %get3A_1292 = arith.constant 0 : index
        %get3A_1293 = tpu.vector_load %arg5[%get3A_1291, %get3A_1292] {strides = array<i32>} : memref<400x64xf32, #tpu.memory_space<vmem>>, vector<1x16xf32>,
        %get3A_1294 = vector.shape_cast %get3A_1293 : vector<1x16xf32> to vector<16xf32>
        %max3A_1295 = arith.maximumf %max3A_1267, %get3A_1294 : vector<16xf32>
        %add3A_1296 = arith.constant 44 : i32
        %add3A_1297 = arith.addi %mul3A_70, %add3A_1296 : i32
        %get3A_1298 = arith.index_cast %add3A_1297 : i32 to index
        %get3A_1299 = arith.constant 16 : index
        %get3A_1300 = tpu.vector_load %arg5[%get3A_1298, %get3A_1299] {strides = array<i32>} : memref<400x64xf32, #tpu.memory_space<vmem>>, vector<1x16xf32>,
        %get3A_1301 = vector.shape_cast %get3A_1300 : vector<1x16xf32> to vector<16xf32>
        %max3A_1302 = arith.maximumf %max3A_1274, %get3A_1301 : vector<16xf32>
        %add3A_1303 = arith.constant 44 : i32
        %add3A_1304 = arith.addi %mul3A_70, %add3A_1303 : i32
        %get3A_1305 = arith.index_cast %add3A_1304 : i32 to index
        %get3A_1306 = arith.constant 32 : index
        %get3A_1307 = tpu.vector_load %arg5[%get3A_1305, %get3A_1306] {strides = array<i32>} : memref<400x64xf32, #tpu.memory_space<vmem>>, vector<1x16xf32>,
        %get3A_1308 = vector.shape_cast %get3A_1307 : vector<1x16xf32> to vector<16xf32>
        %max3A_1309 = arith.maximumf %max3A_1281, %get3A_1308 : vector<16xf32>
        %add3A_1310 = arith.constant 44 : i32
        %add3A_1311 = arith.addi %mul3A_70, %add3A_1310 : i32
        %get3A_1312 = arith.index_cast %add3A_1311 : i32 to index
        %get3A_1313 = arith.constant 48 : index
        %get3A_1314 = tpu.vector_load %arg5[%get3A_1312, %get3A_1313] {strides = array<i32>} : memref<400x64xf32, #tpu.memory_space<vmem>>, vector<1x16xf32>,
        %get3A_1315 = vector.shape_cast %get3A_1314 : vector<1x16xf32> to vector<16xf32>
        %max3A_1316 = arith.maximumf %max3A_1288, %get3A_1315 : vector<16xf32>
        %add3A_1317 = arith.constant 45 : i32
        %add3A_1318 = arith.addi %mul3A_70, %add3A_1317 : i32
        %get3A_1319 = arith.index_cast %add3A_1318 : i32 to index
        %get3A_1320 = arith.constant 0 : index
        %get3A_1321 = tpu.vector_load %arg5[%get3A_1319, %get3A_1320] {strides = array<i32>} : memref<400x64xf32, #tpu.memory_space<vmem>>, vector<1x16xf32>,
        %get3A_1322 = vector.shape_cast %get3A_1321 : vector<1x16xf32> to vector<16xf32>
        %max3A_1323 = arith.maximumf %max3A_1295, %get3A_1322 : vector<16xf32>
        %add3A_1324 = arith.constant 45 : i32
        %add3A_1325 = arith.addi %mul3A_70, %add3A_1324 : i32
        %get3A_1326 = arith.index_cast %add3A_1325 : i32 to index
        %get3A_1327 = arith.constant 16 : index
        %get3A_1328 = tpu.vector_load %arg5[%get3A_1326, %get3A_1327] {strides = array<i32>} : memref<400x64xf32, #tpu.memory_space<vmem>>, vector<1x16xf32>,
        %get3A_1329 = vector.shape_cast %get3A_1328 : vector<1x16xf32> to vector<16xf32>
        %max3A_1330 = arith.maximumf %max3A_1302, %get3A_1329 : vector<16xf32>
        %add3A_1331 = arith.constant 45 : i32
        %add3A_1332 = arith.addi %mul3A_70, %add3A_1331 : i32
        %get3A_1333 = arith.index_cast %add3A_1332 : i32 to index
        %get3A_1334 = arith.constant 32 : index
        %get3A_1335 = tpu.vector_load %arg5[%get3A_1333, %get3A_1334] {strides = array<i32>} : memref<400x64xf32, #tpu.memory_space<vmem>>, vector<1x16xf32>,
        %get3A_1336 = vector.shape_cast %get3A_1335 : vector<1x16xf32> to vector<16xf32>
        %max3A_1337 = arith.maximumf %max3A_1309, %get3A_1336 : vector<16xf32>
        %add3A_1338 = arith.constant 45 : i32
        %add3A_1339 = arith.addi %mul3A_70, %add3A_1338 : i32
        %get3A_1340 = arith.index_cast %add3A_1339 : i32 to index
        %get3A_1341 = arith.constant 48 : index
        %get3A_1342 = tpu.vector_load %arg5[%get3A_1340, %get3A_1341] {strides = array<i32>} : memref<400x64xf32, #tpu.memory_space<vmem>>, vector<1x16xf32>,
        %get3A_1343 = vector.shape_cast %get3A_1342 : vector<1x16xf32> to vector<16xf32>
        %max3A_1344 = arith.maximumf %max3A_1316, %get3A_1343 : vector<16xf32>
        %add3A_1345 = arith.constant 46 : i32
        %add3A_1346 = arith.addi %mul3A_70, %add3A_1345 : i32
        %get3A_1347 = arith.index_cast %add3A_1346 : i32 to index
        %get3A_1348 = arith.constant 0 : index
        %get3A_1349 = tpu.vector_load %arg5[%get3A_1347, %get3A_1348] {strides = array<i32>} : memref<400x64xf32, #tpu.memory_space<vmem>>, vector<1x16xf32>,
        %get3A_1350 = vector.shape_cast %get3A_1349 : vector<1x16xf32> to vector<16xf32>
        %max3A_1351 = arith.maximumf %max3A_1323, %get3A_1350 : vector<16xf32>
        %add3A_1352 = arith.constant 46 : i32
        %add3A_1353 = arith.addi %mul3A_70, %add3A_1352 : i32
        %get3A_1354 = arith.index_cast %add3A_1353 : i32 to index
        %get3A_1355 = arith.constant 16 : index
        %get3A_1356 = tpu.vector_load %arg5[%get3A_1354, %get3A_1355] {strides = array<i32>} : memref<400x64xf32, #tpu.memory_space<vmem>>, vector<1x16xf32>,
        %get3A_1357 = vector.shape_cast %get3A_1356 : vector<1x16xf32> to vector<16xf32>
        %max3A_1358 = arith.maximumf %max3A_1330, %get3A_1357 : vector<16xf32>
        %add3A_1359 = arith.constant 46 : i32
        %add3A_1360 = arith.addi %mul3A_70, %add3A_1359 : i32
        %get3A_1361 = arith.index_cast %add3A_1360 : i32 to index
        %get3A_1362 = arith.constant 32 : index
        %get3A_1363 = tpu.vector_load %arg5[%get3A_1361, %get3A_1362] {strides = array<i32>} : memref<400x64xf32, #tpu.memory_space<vmem>>, vector<1x16xf32>,
        %get3A_1364 = vector.shape_cast %get3A_1363 : vector<1x16xf32> to vector<16xf32>
        %max3A_1365 = arith.maximumf %max3A_1337, %get3A_1364 : vector<16xf32>
        %add3A_1366 = arith.constant 46 : i32
        %add3A_1367 = arith.addi %mul3A_70, %add3A_1366 : i32
        %get3A_1368 = arith.index_cast %add3A_1367 : i32 to index
        %get3A_1369 = arith.constant 48 : index
        %get3A_1370 = tpu.vector_load %arg5[%get3A_1368, %get3A_1369] {strides = array<i32>} : memref<400x64xf32, #tpu.memory_space<vmem>>, vector<1x16xf32>,
        %get3A_1371 = vector.shape_cast %get3A_1370 : vector<1x16xf32> to vector<16xf32>
        %max3A_1372 = arith.maximumf %max3A_1344, %get3A_1371 : vector<16xf32>
        %add3A_1373 = arith.constant 47 : i32
        %add3A_1374 = arith.addi %mul3A_70, %add3A_1373 : i32
        %get3A_1375 = arith.index_cast %add3A_1374 : i32 to index
        %get3A_1376 = arith.constant 0 : index
        %get3A_1377 = tpu.vector_load %arg5[%get3A_1375, %get3A_1376] {strides = array<i32>} : memref<400x64xf32, #tpu.memory_space<vmem>>, vector<1x16xf32>,
        %get3A_1378 = vector.shape_cast %get3A_1377 : vector<1x16xf32> to vector<16xf32>
        %max3A_1379 = arith.maximumf %max3A_1351, %get3A_1378 : vector<16xf32>
        %add3A_1380 = arith.constant 47 : i32
        %add3A_1381 = arith.addi %mul3A_70, %add3A_1380 : i32
        %get3A_1382 = arith.index_cast %add3A_1381 : i32 to index
        %get3A_1383 = arith.constant 16 : index
        %get3A_1384 = tpu.vector_load %arg5[%get3A_1382, %get3A_1383] {strides = array<i32>} : memref<400x64xf32, #tpu.memory_space<vmem>>, vector<1x16xf32>,
        %get3A_1385 = vector.shape_cast %get3A_1384 : vector<1x16xf32> to vector<16xf32>
        %max3A_1386 = arith.maximumf %max3A_1358, %get3A_1385 : vector<16xf32>
        %add3A_1387 = arith.constant 47 : i32
        %add3A_1388 = arith.addi %mul3A_70, %add3A_1387 : i32
        %get3A_1389 = arith.index_cast %add3A_1388 : i32 to index
        %get3A_1390 = arith.constant 32 : index
        %get3A_1391 = tpu.vector_load %arg5[%get3A_1389, %get3A_1390] {strides = array<i32>} : memref<400x64xf32, #tpu.memory_space<vmem>>, vector<1x16xf32>,
        %get3A_1392 = vector.shape_cast %get3A_1391 : vector<1x16xf32> to vector<16xf32>
        %max3A_1393 = arith.maximumf %max3A_1365, %get3A_1392 : vector<16xf32>
        %add3A_1394 = arith.constant 47 : i32
        %add3A_1395 = arith.addi %mul3A_70, %add3A_1394 : i32
        %get3A_1396 = arith.index_cast %add3A_1395 : i32 to index
        %get3A_1397 = arith.constant 48 : index
        %get3A_1398 = tpu.vector_load %arg5[%get3A_1396, %get3A_1397] {strides = array<i32>} : memref<400x64xf32, #tpu.memory_space<vmem>>, vector<1x16xf32>,
        %get3A_1399 = vector.shape_cast %get3A_1398 : vector<1x16xf32> to vector<16xf32>
        %max3A_1400 = arith.maximumf %max3A_1372, %get3A_1399 : vector<16xf32>
        %add3A_1401 = arith.constant 48 : i32
        %add3A_1402 = arith.addi %mul3A_70, %add3A_1401 : i32
        %get3A_1403 = arith.index_cast %add3A_1402 : i32 to index
        %get3A_1404 = arith.constant 0 : index
        %get3A_1405 = tpu.vector_load %arg5[%get3A_1403, %get3A_1404] {strides = array<i32>} : memref<400x64xf32, #tpu.memory_space<vmem>>, vector<1x16xf32>,
        %get3A_1406 = vector.shape_cast %get3A_1405 : vector<1x16xf32> to vector<16xf32>
        %max3A_1407 = arith.maximumf %max3A_1379, %get3A_1406 : vector<16xf32>
        %add3A_1408 = arith.constant 48 : i32
        %add3A_1409 = arith.addi %mul3A_70, %add3A_1408 : i32
        %get3A_1410 = arith.index_cast %add3A_1409 : i32 to index
        %get3A_1411 = arith.constant 16 : index
        %get3A_1412 = tpu.vector_load %arg5[%get3A_1410, %get3A_1411] {strides = array<i32>} : memref<400x64xf32, #tpu.memory_space<vmem>>, vector<1x16xf32>,
        %get3A_1413 = vector.shape_cast %get3A_1412 : vector<1x16xf32> to vector<16xf32>
        %max3A_1414 = arith.maximumf %max3A_1386, %get3A_1413 : vector<16xf32>
        %add3A_1415 = arith.constant 48 : i32
        %add3A_1416 = arith.addi %mul3A_70, %add3A_1415 : i32
        %get3A_1417 = arith.index_cast %add3A_1416 : i32 to index
        %get3A_1418 = arith.constant 32 : index
        %get3A_1419 = tpu.vector_load %arg5[%get3A_1417, %get3A_1418] {strides = array<i32>} : memref<400x64xf32, #tpu.memory_space<vmem>>, vector<1x16xf32>,
        %get3A_1420 = vector.shape_cast %get3A_1419 : vector<1x16xf32> to vector<16xf32>
        %max3A_1421 = arith.maximumf %max3A_1393, %get3A_1420 : vector<16xf32>
        %add3A_1422 = arith.constant 48 : i32
        %add3A_1423 = arith.addi %mul3A_70, %add3A_1422 : i32
        %get3A_1424 = arith.index_cast %add3A_1423 : i32 to index
        %get3A_1425 = arith.constant 48 : index
        %get3A_1426 = tpu.vector_load %arg5[%get3A_1424, %get3A_1425] {strides = array<i32>} : memref<400x64xf32, #tpu.memory_space<vmem>>, vector<1x16xf32>,
        %get3A_1427 = vector.shape_cast %get3A_1426 : vector<1x16xf32> to vector<16xf32>
        %max3A_1428 = arith.maximumf %max3A_1400, %get3A_1427 : vector<16xf32>
        %add3A_1429 = arith.constant 49 : i32
        %add3A_1430 = arith.addi %mul3A_70, %add3A_1429 : i32
        %get3A_1431 = arith.index_cast %add3A_1430 : i32 to index
        %get3A_1432 = arith.constant 0 : index
        %get3A_1433 = tpu.vector_load %arg5[%get3A_1431, %get3A_1432] {strides = array<i32>} : memref<400x64xf32, #tpu.memory_space<vmem>>, vector<1x16xf32>,
        %get3A_1434 = vector.shape_cast %get3A_1433 : vector<1x16xf32> to vector<16xf32>
        %max3A_1435 = arith.maximumf %max3A_1407, %get3A_1434 : vector<16xf32>
        %add3A_1436 = arith.constant 49 : i32
        %add3A_1437 = arith.addi %mul3A_70, %add3A_1436 : i32
        %get3A_1438 = arith.index_cast %add3A_1437 : i32 to index
        %get3A_1439 = arith.constant 16 : index
        %get3A_1440 = tpu.vector_load %arg5[%get3A_1438, %get3A_1439] {strides = array<i32>} : memref<400x64xf32, #tpu.memory_space<vmem>>, vector<1x16xf32>,
        %get3A_1441 = vector.shape_cast %get3A_1440 : vector<1x16xf32> to vector<16xf32>
        %max3A_1442 = arith.maximumf %max3A_1414, %get3A_1441 : vector<16xf32>
        %add3A_1443 = arith.constant 49 : i32
        %add3A_1444 = arith.addi %mul3A_70, %add3A_1443 : i32
        %get3A_1445 = arith.index_cast %add3A_1444 : i32 to index
        %get3A_1446 = arith.constant 32 : index
        %get3A_1447 = tpu.vector_load %arg5[%get3A_1445, %get3A_1446] {strides = array<i32>} : memref<400x64xf32, #tpu.memory_space<vmem>>, vector<1x16xf32>,
        %get3A_1448 = vector.shape_cast %get3A_1447 : vector<1x16xf32> to vector<16xf32>
        %max3A_1449 = arith.maximumf %max3A_1421, %get3A_1448 : vector<16xf32>
        %add3A_1450 = arith.constant 49 : i32
        %add3A_1451 = arith.addi %mul3A_70, %add3A_1450 : i32
        %get3A_1452 = arith.index_cast %add3A_1451 : i32 to index
        %get3A_1453 = arith.constant 48 : index
        %get3A_1454 = tpu.vector_load %arg5[%get3A_1452, %get3A_1453] {strides = array<i32>} : memref<400x64xf32, #tpu.memory_space<vmem>>, vector<1x16xf32>,
        %get3A_1455 = vector.shape_cast %get3A_1454 : vector<1x16xf32> to vector<16xf32>
        %max3A_1456 = arith.maximumf %max3A_1428, %get3A_1455 : vector<16xf32>
        %swap3A = arith.index_cast %scan3A_68 : i32 to index
        %swap3A_1457 = arith.constant 0 : index
        %swap3A_1458 = tpu.vector_load %arg6[%swap3A, %swap3A_1457] {strides = array<i32>} : memref<8x64xf32, #tpu.memory_space<vmem>>, vector<1x16xf32>,
        %swap3A_1459 = vector.shape_cast %swap3A_1458 : vector<1x16xf32> to vector<16xf32>
        %swap3A_1460 = vector.shape_cast %max3A_1435 : vector<16xf32> to vector<1x16xf32>
        tpu.vector_store %arg6[%swap3A, %swap3A_1457], %swap3A_1460 {strides = array<i32>} : memref<8x64xf32, #tpu.memory_space<vmem>>, vector<1x16xf32>,
        %swap3A_1461 = arith.index_cast %scan3A_68 : i32 to index
        %swap3A_1462 = arith.constant 16 : index
        %swap3A_1463 = tpu.vector_load %arg6[%swap3A_1461, %swap3A_1462] {strides = array<i32>} : memref<8x64xf32, #tpu.memory_space<vmem>>, vector<1x16xf32>,
        %swap3A_1464 = vector.shape_cast %swap3A_1463 : vector<1x16xf32> to vector<16xf32>
        %swap3A_1465 = vector.shape_cast %max3A_1442 : vector<16xf32> to vector<1x16xf32>
        tpu.vector_store %arg6[%swap3A_1461, %swap3A_1462], %swap3A_1465 {strides = array<i32>} : memref<8x64xf32, #tpu.memory_space<vmem>>, vector<1x16xf32>,
        %swap3A_1466 = arith.index_cast %scan3A_68 : i32 to index
        %swap3A_1467 = arith.constant 32 : index
        %swap3A_1468 = tpu.vector_load %arg6[%swap3A_1466, %swap3A_1467] {strides = array<i32>} : memref<8x64xf32, #tpu.memory_space<vmem>>, vector<1x16xf32>,
        %swap3A_1469 = vector.shape_cast %swap3A_1468 : vector<1x16xf32> to vector<16xf32>
        %swap3A_1470 = vector.shape_cast %max3A_1449 : vector<16xf32> to vector<1x16xf32>
        tpu.vector_store %arg6[%swap3A_1466, %swap3A_1467], %swap3A_1470 {strides = array<i32>} : memref<8x64xf32, #tpu.memory_space<vmem>>, vector<1x16xf32>,
        %swap3A_1471 = arith.index_cast %scan3A_68 : i32 to index
        %swap3A_1472 = arith.constant 48 : index
        %swap3A_1473 = tpu.vector_load %arg6[%swap3A_1471, %swap3A_1472] {strides = array<i32>} : memref<8x64xf32, #tpu.memory_space<vmem>>, vector<1x16xf32>,
        %swap3A_1474 = vector.shape_cast %swap3A_1473 : vector<1x16xf32> to vector<16xf32>
        %swap3A_1475 = vector.shape_cast %max3A_1456 : vector<16xf32> to vector<1x16xf32>
        tpu.vector_store %arg6[%swap3A_1471, %swap3A_1472], %swap3A_1475 {strides = array<i32>} : memref<8x64xf32, #tpu.memory_space<vmem>>, vector<1x16xf32>,
      }
      %scan3A_64 = arith.constant 8 : i32
      %mul3A_65 = arith.constant 8 : i32
      %mul3A_66 = arith.muli %add3A_58, %mul3A_65 : i32
      %add3A_67 = arith.addi %mul3A_6, %mul3A_66 : i32
      "tpu.region"() ({
        %run_scoped3A = tpu.sem_alloc : memref<!tpu.dma_semaphore, #tpu.memory_space<semaphore_mem>>
        %dma_start3A_68 = arith.constant 0 : i32
        %dma_start3A_69 = tpu.memref_slice %arg3[%add3A_67, %dma_start3A_68] : memref<16384x64xf32, #tpu.memory_space<hbm>> -> memref<8x64xf32, #tpu.memory_space<hbm>>
        %dma_start3A_70 = arith.constant 0 : i32
        %dma_start3A_71 = tpu.memref_slice %arg3[%add3A_67, %dma_start3A_70] : memref<16384x64xf32, #tpu.memory_space<hbm>> -> memref<8x64xf32, #tpu.memory_space<hbm>>
        tpu.enqueue_dma source(%arg6 : memref<8x64xf32, #tpu.memory_space<vmem>>) target(%dma_start3A_71 : memref<8x64xf32, #tpu.memory_space<hbm>>) target_semaphore(%run_scoped3A : memref<!tpu.dma_semaphore, #tpu.memory_space<semaphore_mem>>)
        %dma_wait3A_72 = arith.constant 0 : i32
        %dma_wait3A_73 = tpu.memref_slice %arg3[%add3A_67, %dma_wait3A_72] : memref<16384x64xf32, #tpu.memory_space<hbm>> -> memref<8x64xf32, #tpu.memory_space<hbm>>
        %dma_wait3A_74 = arith.constant 0 : i32
        %dma_wait3A_75 = tpu.memref_slice %arg3[%add3A_67, %dma_wait3A_74] : memref<16384x64xf32, #tpu.memory_space<hbm>> -> memref<8x64xf32, #tpu.memory_space<hbm>>
        tpu.wait_dma2 semaphore(%run_scoped3A : memref<!tpu.dma_semaphore, #tpu.memory_space<semaphore_mem>>) src(%arg6 : memref<8x64xf32, #tpu.memory_space<vmem>>) dst(%dma_wait3A_75 : memref<8x64xf32, #tpu.memory_space<hbm>>)
        tpu.yield
      }) : () -> ()
    }
    %scan3A_16 = arith.constant 32 : i32
    return
  }
}

module attributes {stable_mosaic.version = 14 : i64} {
  func.func @_bce_body(%arg0: i32, %arg1: memref<1024x64xf32, #tpu.memory_space<vmem>>, %arg2: memref<1024x64xf32, #tpu.memory_space<vmem>>, %arg3: memref<1024x64xf32, #tpu.memory_space<vmem>>, %arg4: memref<1x1xf32, #tpu.memory_space<smem>>) attributes {dimension_semantics = [#tpu.dimension_semantics<arbitrary>], iteration_bounds = array<i64: 16>, scalar_prefetch = 0 : i64, scratch_operands = 0 : i64, tpu.core_type = #tpu.core_type<tc>, window_params = [{transform_indices = @transform_0, window_bounds = array<i64: 1024, 64>}, {transform_indices = @transform_1, window_bounds = array<i64: 1024, 64>}, {transform_indices = @transform_2, window_bounds = array<i64: 1024, 64>}, {transform_indices = @transform_3, window_bounds = array<i64: 1, 1>}]} {
    %get3A = arith.constant 0 : index
    %get3A_0 = arith.constant 0 : index
    %get3A_1 = vector.load %arg3[%get3A, %get3A_0] : memref<1024x64xf32, #tpu.memory_space<vmem>>, vector<1024x64xf32>
    %get3A_2 = arith.constant 0 : index
    %get3A_3 = arith.constant 0 : index
    %get3A_4 = vector.load %arg2[%get3A_2, %get3A_3] : memref<1024x64xf32, #tpu.memory_space<vmem>>, vector<1024x64xf32>
    %log3A = math.log %get3A_4 : vector<1024x64xf32>
    %max3A = arith.constant -1.000000e+02 : f32
    %max3A_5 = vector.broadcast %max3A : f32 to vector<1024x64xf32>
    %max3A_6 = arith.maximumf %log3A, %max3A_5 : vector<1024x64xf32>
    %neg3A = arith.constant 0.000000e+00 : f32
    %neg3A_7 = vector.broadcast %neg3A : f32 to vector<1024x64xf32>
    %neg3A_8 = arith.subf %neg3A_7, %get3A_4 : vector<1024x64xf32>
    %log1p3A = math.log1p %neg3A_8 : vector<1024x64xf32>
    %max3A_9 = arith.constant -1.000000e+02 : f32
    %max3A_10 = vector.broadcast %max3A_9 : f32 to vector<1024x64xf32>
    %max3A_11 = arith.maximumf %log1p3A, %max3A_10 : vector<1024x64xf32>
    %mul3A = arith.mulf %get3A_1, %max3A_6 : vector<1024x64xf32>
    %sub3A = arith.constant 1.000000e+00 : f32
    %sub3A_12 = vector.broadcast %sub3A : f32 to vector<1024x64xf32>
    %sub3A_13 = arith.subf %sub3A_12, %get3A_1 : vector<1024x64xf32>
    %mul3A_14 = arith.mulf %sub3A_13, %max3A_11 : vector<1024x64xf32>
    %add3A = arith.addf %mul3A, %mul3A_14 : vector<1024x64xf32>
    %get3A_15 = arith.constant 0 : index
    %get3A_16 = arith.constant 0 : index
    %get3A_17 = vector.load %arg1[%get3A_15, %get3A_16] : memref<1024x64xf32, #tpu.memory_space<vmem>>, vector<1024x64xf32>
    %log3A_18 = math.log %get3A_17 : vector<1024x64xf32>
    %max3A_19 = arith.constant -1.000000e+02 : f32
    %max3A_20 = vector.broadcast %max3A_19 : f32 to vector<1024x64xf32>
    %max3A_21 = arith.maximumf %log3A_18, %max3A_20 : vector<1024x64xf32>
    %neg3A_22 = arith.constant 0.000000e+00 : f32
    %neg3A_23 = vector.broadcast %neg3A_22 : f32 to vector<1024x64xf32>
    %neg3A_24 = arith.subf %neg3A_23, %get3A_17 : vector<1024x64xf32>
    %log1p3A_25 = math.log1p %neg3A_24 : vector<1024x64xf32>
    %max3A_26 = arith.constant -1.000000e+02 : f32
    %max3A_27 = vector.broadcast %max3A_26 : f32 to vector<1024x64xf32>
    %max3A_28 = arith.maximumf %log1p3A_25, %max3A_27 : vector<1024x64xf32>
    %mul3A_29 = arith.mulf %get3A_1, %max3A_21 : vector<1024x64xf32>
    %sub3A_30 = arith.constant 1.000000e+00 : f32
    %sub3A_31 = vector.broadcast %sub3A_30 : f32 to vector<1024x64xf32>
    %sub3A_32 = arith.subf %sub3A_31, %get3A_1 : vector<1024x64xf32>
    %mul3A_33 = arith.mulf %sub3A_32, %max3A_28 : vector<1024x64xf32>
    %add3A_34 = arith.addf %mul3A_29, %mul3A_33 : vector<1024x64xf32>
    %add3A_35 = arith.addf %add3A, %add3A_34 : vector<1024x64xf32>
    %reduce_sum3A = vector.shape_cast %add3A_35 : vector<1024x64xf32> to vector<1x1024x64xf32>
    %reduce_sum3A_36 = arith.constant dense<0.000000e+00> : vector<1xf32>
    %reduce_sum3A_37 = vector.multi_reduction <add>, %reduce_sum3A, %reduce_sum3A_36 [1, 2] : vector<1x1024x64xf32> to vector<1xf32>
    %reduce_sum3A_38 = vector.shape_cast %reduce_sum3A_37 : vector<1xf32> to vector<1x1x1xf32>
    %reduce_sum3A_39 = vector.extract %reduce_sum3A_38[0, 0, 0] : f32 from vector<1x1x1xf32>
    %eq3A = arith.constant 0 : i32
    %eq3A_40 = arith.cmpi eq, %arg0, %eq3A : i32
    %convert_element_type3A = arith.extui %eq3A_40 : i1 to i32
    %cond3A = arith.constant 0 : i32
    %cond3A_41 = arith.cmpi ne, %convert_element_type3A, %cond3A : i32
    scf.if %cond3A_41 {
      %swap3A_51 = arith.constant 0.000000e+00 : f32
      %swap3A_52 = arith.constant 0 : index
      %swap3A_53 = arith.constant 0 : index
      %swap3A_54 = memref.load %arg4[%swap3A_52, %swap3A_53] : memref<1x1xf32, #tpu.memory_space<smem>>
      memref.store %swap3A_51, %arg4[%swap3A_52, %swap3A_53] : memref<1x1xf32, #tpu.memory_space<smem>>
    } else {
    }
    %get3A_42 = arith.constant 0 : index
    %get3A_43 = arith.constant 0 : index
    %get3A_44 = memref.load %arg4[%get3A_42, %get3A_43] : memref<1x1xf32, #tpu.memory_space<smem>>
    %neg3A_45 = arith.constant 0.000000e+00 : f32
    %neg3A_46 = arith.subf %neg3A_45, %reduce_sum3A_39 : f32
    %div3A = arith.constant 0x49800000 : f32
    %div3A_47 = arith.divf %neg3A_46, %div3A : f32
    %add3A_48 = arith.addf %get3A_44, %div3A_47 : f32
    %swap3A = arith.constant 0 : index
    %swap3A_49 = arith.constant 0 : index
    %swap3A_50 = memref.load %arg4[%swap3A, %swap3A_49] : memref<1x1xf32, #tpu.memory_space<smem>>
    memref.store %add3A_48, %arg4[%swap3A, %swap3A_49] : memref<1x1xf32, #tpu.memory_space<smem>>
    return
  }
  func.func @transform_0(%arg0: i32) -> (i32, i32) {
    %c0_i32 = arith.constant 0 : i32
    %c0_i32_0 = arith.constant 0 : i32
    return %arg0, %c0_i32 : i32, i32
  }
  func.func @transform_1(%arg0: i32) -> (i32, i32) {
    %c0_i32 = arith.constant 0 : i32
    %c0_i32_0 = arith.constant 0 : i32
    return %arg0, %c0_i32 : i32, i32
  }
  func.func @transform_2(%arg0: i32) -> (i32, i32) {
    %c0_i32 = arith.constant 0 : i32
    %c0_i32_0 = arith.constant 0 : i32
    return %arg0, %c0_i32 : i32, i32
  }
  func.func @transform_3(%arg0: i32) -> (i32, i32) {
    %c0_i32 = arith.constant 0 : i32
    %c0_i32_0 = arith.constant 0 : i32
    %c0_i32_1 = arith.constant 0 : i32
    return %c0_i32, %c0_i32_0 : i32, i32
  }
}

</mosaic_0001>

<sc_bundles>
// kernel: kernel.4.cloned.1.call-start
scs
__scs_entry_jumppad:
0x0: {  	(pc) =	sbr.rel $0x88, $3  }
0x1: {  	(tag) =	ssettag $0x0;
	lr =	simm.s32 $0x1  }
0x2: {  	[smem:$0x3F9E] =	sst lr;
	_ =	strace $0xD0000000  }
0x3: {  	_ = 	snop  }
0x4: {  	_ = 	snop  }
0x5: {  	_ = 	snop  }
0x6: {  	_ = 	snop  }
0x7: {  	_ = 	snop  }
__scs_overlays_trampoline_lowered:
0x8: {  	[smem:$0x3FAD] =	sst s0  }
0x9: {  	[smem:$0x3FAE] =	sst s1  }
0xa: {  	[smem:$0x3FAF] =	sst s2  }
0xb: {  	[smem:$0x3FB0] =	sst s3  }
0xc: {  	[smem:$0x3FB1] =	sst s4  }
0xd: {  	[smem:$0x3FB2] =	sst s5  }
0xe: {  	[smem:$0x3FB3] =	sst s6  }
0xf: {  	[smem:$0x3FB4] =	sst s7  }
0x10: {  	[smem:$0x3FB5] =	sst s8  }
0x11: {  	[smem:$0x3FB6] =	sst s9;
	s0 =	simm.s32 @!p0 $0x0  }
0x12: {  	s1 =	sld [smem:$0x3F9C];
	s0 =	simm.s32 @p0 $0x1  }
0x13: {  	[smem:$0x3FB7] =	sst s0;
	s0 =	simm.s32 @!p1 $0x0  }
0x14: {  	s2 =	sld [smem:$0x3F9B];
	s0 =	simm.s32 @p1 $0x1  }
0x15: {  	[smem:$0x3FB8] =	sst s0;
	s0 =	simm.s32 @!p2 $0x0  }
0x16: {  	s3 =	sld [smem:$0x3FDB];
	s0 =	simm.s32 @p2 $0x1  }
0x17: {  	s4 =	simm.s32 $0x1BF5;
	[smem:$0x3FBA] =	sst s0  }
0x18: {  	s0 =	sld [smem:$0x3F9D];
	_ =	swait.ge [sflag:s4], $0x0  }
0x19: {  	s7 =	sld [smem:$0x3F9E]  }
0x1a: {  	s8 =	sadd.s32 $0xFFFFE003, lr  }
0x1b: {  	s9 =	sadd.s32 $0xFFFFFEF7, lr;
	s5 =	simm.s32 $0xFFFFFFFF;
	p2 =	slt.u32 s8, $0xFFFFF086  }
0x1c: {  	p1 =	slt.u32 s9, $0xF7A;
	s5 =	simm.s32 @!p2 $0x0  }
0x1d: {  	s5 =	simm.s32 @p1 $0x1;
	p0 =	seq.s32 s7, s2  }
0x1e: {  	s7 =	smul.u32 @!p0 $0xF7A, s2;
	p2 =	seq.s32 @!p0 s5, $0x0  }
0x1f: {  	s9 =	smul.u32 $0xF7A, s1;
	s8 =	simm.s32 @!p0 $0x1BF5;
	p2 =	por !p2, p0  }
0x20: {  	[sflag:s8] =	ssyncset.s32 @!p0 $0xFFFFF086;
	s6 =	sadd.s32 @!p0 s3, s7;
	s7 =	simm.s32 @!p0 $0x108  }
0x21: {  	s3 =	sadd.s32 s3, s9;
	s6 =	sadd.s32 @!p0 $0x88, s6;
	s7 =	simm.s32 @p2 $0x1082  }
0x22: {  	[simem:s7], [sflag:s8] =	dma.local @!p0 [hbm:s6], $0xF7A  }
0x23: {  	s9 =	sor.u32 $0xD0000000, s2;
	s6 =	simm.s32 $0x108;
	_ =	swait.ge @!p0 [sflag:s8], $0x0  }
0x24: {  	s3 =	sadd.s32 $0x88, s3;
	s6 =	simm.s32 @!p1 $0x1082;
	[sflag:s4] =	ssyncset.s32 $0xFFFFF086  }
0x25: {  	[simem:s6], [sflag:s4] =	dma.local [hbm:s3], $0xF7A  }
0x26: {  	[smem:$0x3F9E] =	sst s1;
	(tag) =	ssettag s2;
	_ =	strace s9  }
0x27: {  	s1 =	sld [smem:$0x3FAE]  }
0x28: {  	s2 =	sld [smem:$0x3FAF]  }
0x29: {  	s4 =	sld [smem:$0x3FB1]  }
0x2a: {  	p0 =	seq.s32 s5, $0x0;
	s5 =	sld [smem:$0x3FB2]  }
0x2b: {  	s6 =	sld [smem:$0x3FB3]  }
0x2c: {  	s7 =	sld [smem:$0x3FB4]  }
0x2d: {  	s3 =	simm.s32 $0x108;
	s8 =	sld [smem:$0x3FB5]  }
0x2e: {  	s3 =	simm.s32 @!p0 $0x1082;
	s9 =	sld [smem:$0x3FB6]  }
0x2f: {  	lr =	sadd.s32 s0, s3;
	s0 =	sld [smem:$0x3FAD]  }
0x30: {  	s3 =	sld [smem:$0x3FB0]  }
0x31: {  	[smem:$0x3FB9] =	sst s10  }
0x32: {  	s10 =	sld [smem:$0x3FB7];
	_ =	sdelay $0x3  }
0x33: {  	p0 =	seq.s32 s10, $0x1;
	s10 =	sld [smem:$0x3FB9];
	_ =	sdelay $0x3  }
0x34: {  	[smem:$0x3FB9] =	sst s10  }
0x35: {  	s10 =	sld [smem:$0x3FB8];
	_ =	sdelay $0x3  }
0x36: {  	p1 =	seq.s32 s10, $0x1;
	s10 =	sld [smem:$0x3FB9];
	_ =	sdelay $0x3  }
0x37: {  	[smem:$0x3FB9] =	sst s10  }
0x38: {  	s10 =	sld [smem:$0x3FBA]  }
0x39: {  	_ = 	snop;
	(pc) =	sbr.ind lr, $3  }
0x3a: {  	_ = 	snop  }
0x3b: {  	_ = 	snop  }
0x3c: {  	p2 =	seq.s32 s10, $0x1;
	s10 =	sld [smem:$0x3FB9]  }
0x3d: {  	_ =	shalt  }
0x3e: {  	_ =	shalt  }
0x3f: {  	_ =	shalt  }
0x40: {  	_ =	shalt  }
0x41: {  	_ =	shalt  }
0x42: {  	_ =	shalt  }
0x43: {  	_ =	shalt  }
0x44: {  	_ =	shalt  }
0x45: {  	_ =	shalt  }
0x46: {  	_ =	shalt  }
0x47: {  	_ =	shalt  }
0x48: {  	_ =	shalt  }
0x49: {  	_ =	shalt  }
0x4a: {  	_ =	shalt  }
0x4b: {  	_ =	shalt  }
0x4c: {  	_ =	shalt  }
0x4d: {  	_ =	shalt  }
0x4e: {  	_ =	shalt  }
0x4f: {  	_ =	shalt  }
0x50: {  	_ =	shalt  }
0x51: {  	_ =	shalt  }
0x52: {  	_ =	shalt  }
0x53: {  	_ =	shalt  }
0x54: {  	_ =	shalt  }
0x55: {  	_ =	shalt  }
0x56: {  	_ =	shalt  }
0x57: {  	_ =	shalt  }
0x58: {  	_ =	shalt  }
0x59: {  	_ =	shalt  }
0x5a: {  	_ =	shalt  }
0x5b: {  	_ =	shalt  }
0x5c: {  	_ =	shalt  }
0x5d: {  	_ =	shalt  }
0x5e: {  	_ =	shalt  }
0x5f: {  	_ =	shalt  }
0x60: {  	_ =	shalt  }
0x61: {  	_ =	shalt  }
0x62: {  	_ =	shalt  }
0x63: {  	_ =	shalt  }
0x64: {  	_ =	shalt  }
0x65: {  	_ =	shalt  }
0x66: {  	_ =	shalt  }
0x67: {  	_ =	shalt  }
0x68: {  	_ =	shalt  }
0x69: {  	_ =	shalt  }
0x6a: {  	_ =	shalt  }
0x6b: {  	_ =	shalt  }
0x6c: {  	_ =	shalt  }
0x6d: {  	_ =	shalt  }
0x6e: {  	_ =	shalt  }
0x6f: {  	_ =	shalt  }
0x70: {  	_ =	shalt  }
0x71: {  	_ =	shalt  }
0x72: {  	_ =	shalt  }
0x73: {  	_ =	shalt  }
0x74: {  	_ =	shalt  }
0x75: {  	_ =	shalt  }
0x76: {  	_ =	shalt  }
0x77: {  	_ =	shalt  }
0x78: {  	_ =	shalt  }
0x79: {  	_ =	shalt  }
0x7a: {  	_ =	shalt  }
0x7b: {  	_ =	shalt  }
0x7c: {  	_ =	shalt  }
0x7d: {  	_ =	shalt  }
0x7e: {  	_ =	shalt  }
0x7f: {  	_ =	shalt  }
0x80: {  	_ =	shalt  }
0x81: {  	_ =	shalt  }
0x82: {  	_ =	shalt  }
0x83: {  	_ =	shalt  }
0x84: {  	_ =	shalt  }
0x85: {  	_ =	shalt  }
0x86: {  	_ =	shalt  }
0x87: {  	_ =	shalt  }
.Lfunc_end0:
.L_simem_size_0:
called_computation_lowered:
.L_overlay_start_0:
0x88: {  	s2 =	sld [smem:$0x3FD9]  }
0x89: {  	s3 =	sld [smem:$0x3FFE];
	_ =	sdelay $0x1  }
0x8a: {  	s1 =	srdreg.scid  }
0x8b: {  	s0 =	sand.u32 $0x1, s1  }
0x8c: {  	s16 =	sshll.u32 s0, $0xA;
	s2 =	sadd.s32 s3, s2  }
0x8d: {  	s2 =	sadd.s32 s2, s16  }
0x8e: {  	[smem:$0x3FC5] =	sst s2  }
0x8f: {  	_ = 	snop  }
0x90: {  	(tm) =	ssettm $0x1  }
0x91: {  	s17 =	sld [smem:$0x3FFB];
	_ =	sdelay $0x3  }
0x92: {  	_ =	strace s17  }
0x93: {  	s2 =	sld [smem:$0x3FFC];
	_ =	sdelay $0x3  }
0x94: {  	_ =	strace s2  }
0x95: {  	s2 =	sld [smem:$0x3FFD];
	_ =	sdelay $0x3  }
0x96: {  	_ =	strace s2  }
0x97: {  	_ =	strace $0x8FFFFFFF  }
0x98: {  	s18 =	sld [smem:$0x3FDB];
	_ =	sdelay $0x1  }
0x99: {  	s19 =	simm.s32 $_scs_section_size  }
0x9a: {  	s4 =	simm.s32 $_size__tile_overlayer_lowered;
	s5 =	simm.s32 $_tile_overlayer_lowered  }
0x9b: {  	s22 =	simm.s32 $0x1BFF;
	s21 =	sshll.u32 s5, $0x1;
	s2 =	sadd.s32 s19, s18  }
0x9c: {  	s6 =	simm.s32 $0x0;
	s20 =	sshll.u32 s4, $0x1;
	s4 =	sadd.s32 s21, s2  }
0x9d: {  	[timem:s6], [sflag:s22] =	dma.local [hbm:s4], s20  }
0x9e: {  	_ =	swait.ge [sflag:s22], s20  }
0x9f: {  	s3 =	ssub.s32 $0x0, s20;
	[sflag:s22] =	ssyncset.done $0x0  }
0xa0: {  	[sflag:s22] =	ssyncadd.s32 s3;
	_ =	sdelay $0x1  }
0xa1: {  	s23 =	simm.s32 $0x1B8B  }
0xa2: {  	_ =	swait.ge [sflag:s23], $0x1  }
0xa3: {  	[sflag:s23] =	ssyncset.done $0x0  }
0xa4: {  	s25 =	simm.s32 $0x1B8E;
	s24 =	sld [smem:$0x3FFE];
	[sflag:s23] =	ssyncadd.s32 $0xFFFFFFFF  }
0xa5: {  	s26 =	simm.s32 $execute0_lowered;
	[smem:$0x3FD2] =	sst s25  }
0xa6: {  	s4 =	sshll.u32 s26, $0x1;
	_ =	strace $0x80000046;
	[dreg:$0x1] =	wrdreg $0xFFFFFFFF  }
0xa7: {  	s28 =	simm.s32 $_size_execute0_lowered;
	s2 =	sadd.s32 s2, s4;
	[dreg:$0x0] =	wrdreg $0x0  }
0xa8: {  	s4 =	sshll.u32 s28, $0x1;
	[dreg:$0x2] =	wrdreg s2  }
0xa9: {  	[dreg:$0x3] =	wrdreg s4  }
0xaa: {  	[dreg:$0x4] =	wrdreg $0xC0  }
0xab: {  	_ =	task [dreg:s6], $0x5FFFF  }
0xac: {  	[dreg:$0x1] =	wrdreg $0xFFFFFFFF  }
0xad: {  	[dreg:$0x0] =	wrdreg $0x60  }
0xae: {  	[dreg:$0x2] =	wrdreg s24  }
0xaf: {  	[dreg:$0x3] =	wrdreg $0x9  }
0xb0: {  	_ =	task.clear_ibuf [dreg:s6], $0x4FFFF;
	_ =	strace $0x90000046  }
0xb1: {  	s29 =	simm.s32 $0x9;
	_ =	strace $0x80000048  }
0xb2: {  	_ =	swait.ge [sflag:s29], $0x1  }
0xb3: {  	[sflag:s29] =	ssyncadd.s32 $0xFFFFFFFF  }
0xb4: {  	_ =	strace $0x90000048  }
0xb5: {  	_ =	sfence  }
0xb6: {  	s30 =	sld [smem:$0x0];
	_ =	sdelay $0x2  }
0xb7: {  	s31 =	sshll.u32 s1, $0xD;
	s1 =	sshrl.u32 s1, $0x2  }
0xb8: {  	s3 =	sand.u32 $0x4000, s31;
	s1 =	sadd.s32 s1, s30  }
0xb9: {  	s0 =	sor.u32 s3, s0;
	s1 =	sshll.u32 s1, $0x11  }
0xba: {  	s0 =	sor.u32 s1, s0  }
0xbb: {  	s0 =	sadd.s32 $0x8F2B, s0  }
0xbc: {  	[sflag:s0] =	ssyncadd.remote.s32 $0x1  }
0xbd: {  	_ =	sfence.sel $0xFFFF  }
0xbe: {  	[dreg:$0x0] =	wrdreg $0xFFFFFFFF;
	(pc) =	sbr.abs _section_cstart, $3  }
0xbf: {  	[dreg:$0x1] =	wrdreg $0xFFFFFFFF  }
0xc0: {  	_ =	task.clear_ibuf [dreg:s6], $0x2FFFF;
	_ =	strace $0x9FFFFFFF  }
0xc1: {  	(tm) =	ssettm $0x7FFFFFFF  }
tec
execute0_lowered:
.L_overlay_start_1:
0x0: {  	(tag) =	ssettag $0x1  }
0x1: {  	s5 =	rddreg [dreg:$0x0]  }
0x2: {  	s0 =	rddreg [dreg:$0x1];
	s2 =	simm.s32 $0x0;
	s3 =	srdreg.scid  }
0x3: {  	s1 =	stileid.u32;
	s11 =	simm.s32 $0x19000;
	s12 =	simm.s32 $0x3  }
0x4: {  	s13 =	simm.s32 $0x2;
	s14 =	simm.s32 $0x0;
	[smem:$0x7FF] =	sst s2  }
0x5: {  	s4 =	sand.u32 $0x1, s3;
	s29 =	sshll.u32 s1, $0x1;
	s3 =	sadd.s32 $0xA00, s5  }
0x6: {  	_ =	strace $0x80000047;
	s6 =	sor.u32 s4, s29;
	s7 =	ssub.s32 $0x2, s4  }
0x7: {  	s8 =	smul.u32 $0x64000, s6;
	s9 =	sshll.u32 s6, $0xD;
	s10 =	sshrl.u32 s7, $0x1  }
0x8: {  	s4 =	smul.u32 $0x6400, s6;
	s30 =	sadd.s32 s9, s5;
	s31 =	ssub.s32 s7, s10  }
0x9: {  	s9 =	simm.s32 $0xC800;
	s10 =	simm.s32 $0x1;
	s5 =	sadd.s32 s3, s8  }
0xa: {  	s6 =	sadd.s32 $0xC80A00, s30;
	s7 =	sor.u32 $0x320, s4;
	s8 =	smax.u32 s31, $0x1  }
.LBB2_1:
0xb: {  	[tilespmem:s2], [sflag:$0x1] =	stream.linear.gather [hbm4b:s5+s2], $0xC800, $0x38;
	[tilespmem:$0x19400] =	vst v63  }
0xc: {  	s16 =	simm.s32 $0x0  }
.LBB2_2:
0xd: {  	s15 =	sshllo.u32 s16, $0x1  }
0xe: {  	s17 =	smul.u32 $0x190, s15;
	_ =	sdelay $0x1  }
0xf: {  	s17 =	sadd.s32 s4, s17  }
0x10: {  	s17 =	sshll.u32 s17, $0x4  }
0x11: {  	s18 =	sadd.s32 s3, s17;
	s17 =	simm.s32 $0x0  }
0x12: {  	[tilespmem:s9], [sflag:$0x2] =	stream.linear.gather [hbm4b:s18+s17], $0xC800, $0x38;
	[tilespmem:$0x19400] =	vst v63  }
0x13: {  	_ =	swait.ge [sflag:s10], $0xC800  }
0x14: {  	[sflag:s10] =	ssyncset.done $0x0  }
0x15: {  	[sflag:s10] =	ssyncadd.s32 $0xFFFF3800  }
.LBB2_3:
0x16: {  	s18 =	smul.u32 $0x6400, s17;
	_ =	sdelay $0x1  }
0x17: {  	s18 =	sshra.s32 s18, $0x2  }
0x18: {  	v62 =	vld [tilespmem:s18+$0x7A0];
	_ =	sdelay $0x4  }
0x19: {  	[tilespmem:$0x1FB00] =	vst v62;
	v62 =	vld [tilespmem:s18+$0x800];
	_ =	sdelay $0x4  }
0x1a: {  	[tilespmem:$0x1FB10] =	vst v62;
	v62 =	vld [tilespmem:s18+$0x810];
	_ =	sdelay $0x4  }
0x1b: {  	[tilespmem:$0x1FB20] =	vst v62;
	v62 =	vld [tilespmem:s18+$0x820];
	_ =	sdelay $0x4  }
0x1c: {  	[tilespmem:$0x1FB30] =	vst v62;
	v62 =	vld [tilespmem:s18+$0x830];
	_ =	sdelay $0x4  }
0x1d: {  	[tilespmem:$0x1FB40] =	vst v62;
	v62 =	vld [tilespmem:s18+$0x880];
	_ =	sdelay $0x4  }
0x1e: {  	[tilespmem:$0x1FB50] =	vst v62;
	v62 =	vld [tilespmem:s18+$0x890];
	_ =	sdelay $0x4  }
0x1f: {  	[tilespmem:$0x1FB60] =	vst v62;
	v62 =	vld [tilespmem:s18+$0x8A0];
	_ =	sdelay $0x4  }
0x20: {  	[tilespmem:$0x1FB70] =	vst v62;
	v62 =	vld [tilespmem:s18+$0x8B0];
	_ =	sdelay $0x4  }
0x21: {  	[tilespmem:$0x1FB80] =	vst v62;
	v62 =	vld [tilespmem:s18+$0x900];
	_ =	sdelay $0x4  }
0x22: {  	[tilespmem:$0x1FB90] =	vst v62;
	v62 =	vld [tilespmem:s18+$0x910];
	_ =	sdelay $0x4  }
0x23: {  	[tilespmem:$0x1FBA0] =	vst v62;
	v62 =	vld [tilespmem:s18+$0x920];
	_ =	sdelay $0x4  }
0x24: {  	[tilespmem:$0x1FBB0] =	vst v62;
	v62 =	vld [tilespmem:s18+$0x930];
	_ =	sdelay $0x4  }
0x25: {  	[tilespmem:$0x1FBC0] =	vst v62;
	v62 =	vld [tilespmem:s18+$0x980];
	_ =	sdelay $0x4  }
0x26: {  	[tilespmem:$0x1FBD0] =	vst v62;
	v62 =	vld [tilespmem:s18+$0x990];
	_ =	sdelay $0x4  }
0x27: {  	[tilespmem:$0x1FBE0] =	vst v62;
	v62 =	vld [tilespmem:s18+$0x9A0];
	_ =	sdelay $0x4  }
0x28: {  	[tilespmem:$0x1FBF0] =	vst v62;
	v62 =	vld [tilespmem:s18+$0x9B0];
	_ =	sdelay $0x4  }
0x29: {  	[tilespmem:$0x1FC00] =	vst v62;
	v62 =	vld [tilespmem:s18+$0xA00];
	_ =	sdelay $0x4  }
0x2a: {  	[tilespmem:$0x1FC10] =	vst v62;
	v62 =	vld [tilespmem:s18+$0xA10];
	_ =	sdelay $0x4  }
0x2b: {  	[tilespmem:$0x1FC20] =	vst v62;
	v62 =	vld [tilespmem:s18+$0xA20];
	_ =	sdelay $0x4  }
0x2c: {  	[tilespmem:$0x1FC30] =	vst v62;
	v62 =	vld [tilespmem:s18+$0xA30];
	_ =	sdelay $0x4  }
0x2d: {  	[tilespmem:$0x1FC40] =	vst v62;
	v62 =	vld [tilespmem:s18+$0xA80];
	_ =	sdelay $0x4  }
0x2e: {  	[tilespmem:$0x1FC50] =	vst v62;
	v62 =	vld [tilespmem:s18+$0xA90];
	_ =	sdelay $0x4  }
0x2f: {  	[tilespmem:$0x1FC60] =	vst v62;
	v62 =	vld [tilespmem:s18+$0xAA0];
	_ =	sdelay $0x4  }
0x30: {  	[tilespmem:$0x1FC70] =	vst v62;
	v62 =	vld [tilespmem:s18+$0xAB0];
	_ =	sdelay $0x4  }
0x31: {  	[tilespmem:$0x1FC80] =	vst v62;
	v62 =	vld [tilespmem:s18+$0xB00];
	_ =	sdelay $0x4  }
0x32: {  	[tilespmem:$0x1FC90] =	vst v62;
	v62 =	vld [tilespmem:s18+$0xB10];
	_ =	sdelay $0x4  }
0x33: {  	[tilespmem:$0x1FCA0] =	vst v62;
	v62 =	vld [tilespmem:s18+$0xB20];
	_ =	sdelay $0x4  }
0x34: {  	[tilespmem:$0x1FCB0] =	vst v62;
	v62 =	vld [tilespmem:s18+$0xB30];
	_ =	sdelay $0x4  }
0x35: {  	[tilespmem:$0x1FCC0] =	vst v62;
	v62 =	vld [tilespmem:s18+$0xB80];
	_ =	sdelay $0x1  }
0x36: {  	v12 =	vld [tilespmem:s18+$0x0]  }
0x37: {  	v18 =	vld [tilespmem:s18+$0x10]  }
0x38: {  	v19 =	vld [tilespmem:s18+$0x20]  }
0x39: {  	[tilespmem:$0x1FCD0] =	vst v62;
	v62 =	vld [tilespmem:s18+$0xB90]  }
0x3a: {  	v14 =	vld [tilespmem:s18+$0x30]  }
0x3b: {  	v0 =	vld [tilespmem:s18+$0x80]  }
0x3c: {  	v3 =	vld [tilespmem:s18+$0x90]  }
0x3d: {  	v1 =	vld [tilespmem:s18+$0xA0]  }
0x3e: {  	[tilespmem:$0x1FCE0] =	vst v62;
	v62 =	vld [tilespmem:s18+$0xBA0]  }
0x3f: {  	v2 =	vld [tilespmem:s18+$0xB0]  }
0x40: {  	v6 =	vld [tilespmem:s18+$0x100]  }
0x41: {  	v4 =	vld [tilespmem:s18+$0x110]  }
0x42: {  	v5 =	vld [tilespmem:s18+$0x120]  }
0x43: {  	[tilespmem:$0x1FCF0] =	vst v62;
	v62 =	vld [tilespmem:s18+$0xBB0]  }
0x44: {  	v9 =	vld [tilespmem:s18+$0x130]  }
0x45: {  	v7 =	vld [tilespmem:s18+$0x180]  }
0x46: {  	v8 =	vld [tilespmem:s18+$0x190]  }
0x47: {  	v13 =	vld [tilespmem:s18+$0x1A0]  }
0x48: {  	[tilespmem:$0x1FD00] =	vst v62;
	v62 =	vld [tilespmem:s18+$0xC00]  }
0x49: {  	v10 =	vld [tilespmem:s18+$0x1B0]  }
0x4a: {  	v11 =	vld [tilespmem:s18+$0x200]  }
0x4b: {  	v15 =	vld [tilespmem:s18+$0x210]  }
0x4c: {  	v16 =	vld [tilespmem:s18+$0x220]  }
0x4d: {  	[tilespmem:$0x1FD10] =	vst v62;
	v62 =	vld [tilespmem:s18+$0xC10]  }
0x4e: {  	v17 =	vld [tilespmem:s18+$0x230]  }
0x4f: {  	v58 =	vld [tilespmem:s18+$0x280]  }
0x50: {  	v20 =	vld [tilespmem:s18+$0x290]  }
0x51: {  	v21 =	vld [tilespmem:s18+$0x2A0]  }
0x52: {  	[tilespmem:$0x1FD20] =	vst v62;
	v62 =	vld [tilespmem:s18+$0xC20]  }
0x53: {  	v51 =	vld [tilespmem:s18+$0x2B0]  }
0x54: {  	v22 =	vld [tilespmem:s18+$0x300]  }
0x55: {  	v23 =	vld [tilespmem:s18+$0x310]  }
0x56: {  	v43 =	vld [tilespmem:s18+$0x320]  }
0x57: {  	[tilespmem:$0x1FD30] =	vst v62;
	v62 =	vld [tilespmem:s18+$0xC30]  }
0x58: {  	v24 =	vld [tilespmem:s18+$0x330]  }
0x59: {  	v25 =	vld [tilespmem:s18+$0x380]  }
0x5a: {  	v31 =	vld [tilespmem:s18+$0x390]  }
0x5b: {  	v26 =	vld [tilespmem:s18+$0x3A0]  }
0x5c: {  	[tilespmem:$0x1FD40] =	vst v62;
	v62 =	vld [tilespmem:s18+$0xC80]  }
0x5d: {  	v27 =	vld [tilespmem:s18+$0x3B0]  }
0x5e: {  	v28 =	vld [tilespmem:s18+$0x400]  }
0x5f: {  	v30 =	vld [tilespmem:s18+$0x410]  }
0x60: {  	v29 =	vld [tilespmem:s18+$0x420]  }
0x61: {  	[tilespmem:$0x1FD50] =	vst v62;
	v62 =	vld [tilespmem:s18+$0xC90]  }
0x62: {  	v34 =	vld [tilespmem:s18+$0x430]  }
0x63: {  	v33 =	vld [tilespmem:s18+$0x480]  }
0x64: {  	v32 =	vld [tilespmem:s18+$0x490]  }
0x65: {  	v36 =	vld [tilespmem:s18+$0x4A0]  }
0x66: {  	[tilespmem:$0x1FD60] =	vst v62;
	v62 =	vld [tilespmem:s18+$0xCA0]  }
0x67: {  	v37 =	vld [tilespmem:s18+$0x4B0]  }
0x68: {  	v35 =	vld [tilespmem:s18+$0x500]  }
0x69: {  	v39 =	vld [tilespmem:s18+$0x510]  }
0x6a: {  	v40 =	vld [tilespmem:s18+$0x520]  }
0x6b: {  	[tilespmem:$0x1FD70] =	vst v62;
	v62 =	vld [tilespmem:s18+$0xCB0]  }
0x6c: {  	v38 =	vld [tilespmem:s18+$0x530]  }
0x6d: {  	v42 =	vld [tilespmem:s18+$0x580]  }
0x6e: {  	v44 =	vld [tilespmem:s18+$0x590]  }
0x6f: {  	v41 =	vld [tilespmem:s18+$0x5A0]  }
0x70: {  	[tilespmem:$0x1FD80] =	vst v62;
	v62 =	vld [tilespmem:s18+$0xD00]  }
0x71: {  	v45 =	vld [tilespmem:s18+$0x5B0]  }
0x72: {  	v46 =	vld [tilespmem:s18+$0x600]  }
0x73: {  	v47 =	vld [tilespmem:s18+$0x610]  }
0x74: {  	v48 =	vld [tilespmem:s18+$0x620]  }
0x75: {  	[tilespmem:$0x1FD90] =	vst v62;
	v62 =	vld [tilespmem:s18+$0xD10]  }
0x76: {  	v49 =	vld [tilespmem:s18+$0x630]  }
0x77: {  	v50 =	vld [tilespmem:s18+$0x680]  }
0x78: {  	v53 =	vld [tilespmem:s18+$0x690]  }
0x79: {  	v54 =	vld [tilespmem:s18+$0x6A0]  }
0x7a: {  	[tilespmem:$0x1FDA0] =	vst v62;
	v62 =	vld [tilespmem:s18+$0xD20]  }
0x7b: {  	v52 =	vld [tilespmem:s18+$0x6B0]  }
0x7c: {  	v57 =	vld [tilespmem:s18+$0x700]  }
0x7d: {  	v55 =	vld [tilespmem:s18+$0x710]  }
0x7e: {  	v56 =	vld [tilespmem:s18+$0x720]  }
0x7f: {  	[tilespmem:$0x1FDB0] =	vst v62;
	v62 =	vld [tilespmem:s18+$0xD30]  }
0x80: {  	v61 =	vld [tilespmem:s18+$0x730]  }
0x81: {  	v59 =	vld [tilespmem:s18+$0x780]  }
0x82: {  	v60 =	vld [tilespmem:s18+$0x790]  }
0x83: {  	v63 =	vld [tilespmem:s18+$0x7B0]  }
0x84: {  	[tilespmem:$0x1FDC0] =	vst v62;
	v62 =	vld [tilespmem:s18+$0xD80]  }
0x85: {  	v1 =	vmax.f32 v19, v1;
	v19 =	vld [tilespmem:s18+$0x1130]  }
0x86: {  	v0 =	vmax.f32 v12, v0;
	v12 =	vld [tilespmem:s18+$0x1180]  }
0x87: {  	v2 =	vmax.f32 v14, v2;
	v14 =	vld [tilespmem:s18+$0x1190]  }
0x88: {  	v3 =	vmax.f32 v18, v3;
	v18 =	vld [tilespmem:s18+$0x11A0]  }
0x89: {  	v0 =	vmax.f32 v0, v6;
	v1 =	vmax.f32 v1, v5;
	[tilespmem:$0x1FDD0] =	vst v62;
	v62 =	vld [tilespmem:s18+$0xD90]  }
0x8a: {  	v3 =	vmax.f32 v3, v4;
	v0 =	vmax.f32 v0, v7;
	v1 =	vmax.f32 v1, v13;
	v13 =	vld [tilespmem:s18+$0x13A0]  }
0x8b: {  	v3 =	vmax.f32 v3, v8;
	v0 =	vmax.f32 v0, v11;
	v11 =	vld [tilespmem:s18+$0x1290]  }
0x8c: {  	v3 =	vmax.f32 v3, v15;
	v15 =	vld [tilespmem:s18+$0x1400]  }
0x8d: {  	v2 =	vmax.f32 v2, v9;
	v1 =	vmax.f32 v1, v16;
	v16 =	vld [tilespmem:s18+$0x1410]  }
0x8e: {  	v2 =	vmax.f32 v2, v10;
	[tilespmem:$0x1FDE0] =	vst v62;
	v62 =	vld [tilespmem:s18+$0xDA0]  }
0x8f: {  	v2 =	vmax.f32 v2, v17;
	v17 =	vld [tilespmem:s18+$0x1420]  }
0x90: {  	v0 =	vmax.f32 v0, v58;
	v58 =	vld [tilespmem:s18+$0x1200]  }
0x91: {  	v2 =	vmax.f32 v2, v51;
	v51 =	vld [tilespmem:s18+$0x1210]  }
0x92: {  	[tilespmem:$0x1FFB0] =	vst v19;
	v19 =	vld [tilespmem:s18+$0x11B0]  }
0x93: {  	v1 =	vmax.f32 v1, v21;
	[tilespmem:$0x1FDF0] =	vst v62;
	v62 =	vld [tilespmem:s18+$0xDB0]  }
0x94: {  	v1 =	vmax.f32 v1, v43;
	v43 =	vld [tilespmem:s18+$0x1220]  }
0x95: {  	v3 =	vmax.f32 v3, v20;
	[tilespmem:$0x1FFC0] =	vst v12;
	v0 =	vmax.f32 v0, v22;
	v12 =	vld [tilespmem:s18+$0x1390]  }
0x96: {  	[tilespmem:$0x1FFD0] =	vst v14;
	v3 =	vmax.f32 v3, v23;
	v2 =	vmax.f32 v2, v24;
	v14 =	vld [tilespmem:s18+$0x13B0];
	v0 =	vmax.f32 v0, v25  }
0x97: {  	[tilespmem:$0x1FFE0] =	vst v18;
	v18 =	vld [tilespmem:s18+$0x1430];
	v3 =	vmax.f32 v3, v31;
	v1 =	vmax.f32 v1, v26;
	v2 =	vmax.f32 v2, v27  }
0x98: {  	v0 =	vmax.f32 v0, v28;
	v3 =	vmax.f32 v3, v30;
	v1 =	vmax.f32 v1, v29;
	[tilespmem:$0x1FE00] =	vst v62;
	v62 =	vld [tilespmem:s18+$0xE00]  }
0x99: {  	v31 =	vld [tilespmem:s18+$0x1230];
	v2 =	vmax.f32 v2, v34;
	v0 =	vmax.f32 v0, v33;
	v3 =	vmax.f32 v3, v32  }
0x9a: {  	v1 =	vmax.f32 v1, v36;
	v2 =	vmax.f32 v2, v37;
	v37 =	vmax.f32 v0, v35;
	v0 =	vld [tilespmem:s18+$0x12A0]  }
0x9b: {  	v3 =	vmax.f32 v3, v39;
	v39 =	vmax.f32 v1, v40;
	v1 =	vld [tilespmem:s18+$0x12B0]  }
0x9c: {  	v40 =	vmax.f32 v2, v38;
	v2 =	vld [tilespmem:s18+$0x1300]  }
0x9d: {  	[tilespmem:$0x1FE10] =	vst v62;
	v62 =	vld [tilespmem:s18+$0xE10]  }
0x9e: {  	[tilespmem:$0x1FFF0] =	vst v19;
	v19 =	vld [tilespmem:s18+$0x1280];
	v3 =	vmax.f32 v3, v44  }
0x9f: {  	v5 =	vmax.f32 v39, v41;
	v44 =	vmax.f32 v3, v47;
	v3 =	vld [tilespmem:s18+$0x1310]  }
0xa0: {  	v6 =	vmax.f32 v40, v45;
	v5 =	vmax.f32 v5, v48;
	v48 =	vld [tilespmem:$0x1FB00]  }
0xa1: {  	v4 =	vmax.f32 v37, v42;
	v6 =	vmax.f32 v6, v49;
	v49 =	vld [tilespmem:$0x1FB10]  }
0xa2: {  	v4 =	vmax.f32 v4, v46;
	[tilespmem:$0x1FE20] =	vst v62;
	v62 =	vld [tilespmem:s18+$0xE20]  }
0xa3: {  	v45 =	vmax.f32 v4, v50;
	v4 =	vld [tilespmem:s18+$0x1320]  }
0xa4: {  	v46 =	vmax.f32 v5, v54;
	v5 =	vld [tilespmem:s18+$0x1330]  }
0xa5: {  	v47 =	vmax.f32 v6, v52;
	v6 =	vld [tilespmem:s18+$0x1380]  }
0xa6: {  	v50 =	vld [tilespmem:$0x1FB20]  }
0xa7: {  	[tilespmem:$0x1FE30] =	vst v62;
	v62 =	vld [tilespmem:s18+$0xE30]  }
0xa8: {  	v52 =	vld [tilespmem:$0x1FB30]  }
0xa9: {  	v7 =	vmax.f32 v44, v53;
	v53 =	vld [tilespmem:$0x1FB40]  }
0xaa: {  	v54 =	vld [tilespmem:$0x1FB50]  }
0xab: {  	v7 =	vmax.f32 v7, v55;
	v55 =	vld [tilespmem:$0x1FB60]  }
0xac: {  	[tilespmem:$0x1FE40] =	vst v62;
	v62 =	vld [tilespmem:s18+$0xE80]  }
0xad: {  	v9 =	vmax.f32 v46, v56;
	v56 =	vld [tilespmem:$0x1FB70]  }
0xae: {  	v8 =	vmax.f32 v45, v57;
	v57 =	vld [tilespmem:$0x1FB80]  }
0xaf: {  	v8 =	vmax.f32 v8, v59;
	v59 =	vld [tilespmem:$0x1FB90]  }
0xb0: {  	v7 =	vmax.f32 v7, v60;
	v60 =	vld [tilespmem:$0x1FBA0]  }
0xb1: {  	[tilespmem:$0x1FE50] =	vst v62;
	v62 =	vld [tilespmem:s18+$0xE90]  }
0xb2: {  	v10 =	vmax.f32 v47, v61;
	v61 =	vld [tilespmem:$0x1FBB0]  }
0xb3: {  	v20 =	vld [tilespmem:$0x1FBD0]  }
0xb4: {  	v21 =	vld [tilespmem:$0x1FBE0]  }
0xb5: {  	v10 =	vmax.f32 v10, v63;
	v8 =	vmax.f32 v8, v49;
	v63 =	vld [tilespmem:$0x1FBC0]  }
0xb6: {  	v7 =	vmax.f32 v7, v50;
	v8 =	vmax.f32 v8, v54;
	[tilespmem:$0x1FE60] =	vst v62;
	v62 =	vld [tilespmem:s18+$0xEA0]  }
0xb7: {  	v7 =	vmax.f32 v7, v55;
	v8 =	vmax.f32 v8, v59;
	v22 =	vld [tilespmem:$0x1FBF0]  }
0xb8: {  	v9 =	vmax.f32 v9, v48;
	v7 =	vmax.f32 v7, v60;
	v8 =	vmax.f32 v8, v20;
	v20 =	vld [tilespmem:s18+$0x1480]  }
0xb9: {  	v9 =	vmax.f32 v9, v52;
	v7 =	vmax.f32 v7, v21;
	v21 =	vld [tilespmem:s18+$0x1490]  }
0xba: {  	v9 =	vmax.f32 v9, v56;
	v23 =	vld [tilespmem:$0x1FC00]  }
0xbb: {  	v9 =	vmax.f32 v9, v61;
	[tilespmem:$0x1FE70] =	vst v62;
	v62 =	vld [tilespmem:s18+$0xEB0]  }
0xbc: {  	v10 =	vmax.f32 v10, v53;
	v9 =	vmax.f32 v9, v22;
	v22 =	vld [tilespmem:s18+$0x14A0]  }
0xbd: {  	v10 =	vmax.f32 v10, v57;
	v24 =	vld [tilespmem:$0x1FC10]  }
0xbe: {  	v10 =	vmax.f32 v10, v63;
	v25 =	vld [tilespmem:$0x1FC20]  }
0xbf: {  	v10 =	vmax.f32 v10, v23;
	v23 =	vld [tilespmem:s18+$0x14B0]  }
0xc0: {  	[tilespmem:$0x1FE80] =	vst v62;
	v62 =	vld [tilespmem:s18+$0xF00]  }
0xc1: {  	v26 =	vld [tilespmem:$0x1FC30]  }
0xc2: {  	v8 =	vmax.f32 v8, v24;
	v24 =	vld [tilespmem:s18+$0x1500]  }
0xc3: {  	v7 =	vmax.f32 v7, v25;
	v25 =	vld [tilespmem:s18+$0x1510]  }
0xc4: {  	v27 =	vld [tilespmem:$0x1FC40]  }
0xc5: {  	[tilespmem:$0x1FE90] =	vst v62;
	v62 =	vld [tilespmem:s18+$0xF10]  }
0xc6: {  	v9 =	vmax.f32 v9, v26;
	v26 =	vld [tilespmem:s18+$0x1520]  }
0xc7: {  	v28 =	vld [tilespmem:$0x1FC50]  }
0xc8: {  	v29 =	vld [tilespmem:$0x1FC60]  }
0xc9: {  	v10 =	vmax.f32 v10, v27;
	v27 =	vld [tilespmem:s18+$0x1530]  }
0xca: {  	[tilespmem:$0x1FEA0] =	vst v62;
	v62 =	vld [tilespmem:s18+$0xF20]  }
0xcb: {  	v30 =	vld [tilespmem:$0x1FC70]  }
0xcc: {  	v8 =	vmax.f32 v8, v28;
	v28 =	vld [tilespmem:s18+$0x1580]  }
0xcd: {  	v7 =	vmax.f32 v7, v29;
	v29 =	vld [tilespmem:s18+$0x1590]  }
0xce: {  	v32 =	vld [tilespmem:$0x1FC80]  }
0xcf: {  	[tilespmem:$0x1FEB0] =	vst v62;
	v62 =	vld [tilespmem:s18+$0xF30]  }
0xd0: {  	v9 =	vmax.f32 v9, v30;
	v30 =	vld [tilespmem:s18+$0x15A0]  }
0xd1: {  	v33 =	vld [tilespmem:$0x1FC90]  }
0xd2: {  	v34 =	vld [tilespmem:$0x1FCA0]  }
0xd3: {  	v10 =	vmax.f32 v10, v32;
	v32 =	vld [tilespmem:s18+$0x15B0]  }
0xd4: {  	[tilespmem:$0x1FEC0] =	vst v62;
	v62 =	vld [tilespmem:s18+$0xF80]  }
0xd5: {  	v35 =	vld [tilespmem:$0x1FCB0]  }
0xd6: {  	v8 =	vmax.f32 v8, v33;
	v33 =	vld [tilespmem:s18+$0x1600]  }
0xd7: {  	v7 =	vmax.f32 v7, v34;
	v34 =	vld [tilespmem:s18+$0x1610]  }
0xd8: {  	v36 =	vld [tilespmem:$0x1FCC0]  }
0xd9: {  	[tilespmem:$0x1FED0] =	vst v62;
	v62 =	vld [tilespmem:s18+$0xF90]  }
0xda: {  	v9 =	vmax.f32 v9, v35;
	v35 =	vld [tilespmem:s18+$0x1620]  }
0xdb: {  	v37 =	vld [tilespmem:$0x1FCD0]  }
0xdc: {  	v38 =	vld [tilespmem:$0x1FCE0]  }
0xdd: {  	v39 =	vld [tilespmem:$0x1FCF0]  }
0xde: {  	[tilespmem:$0x1FEE0] =	vst v62;
	v62 =	vld [tilespmem:s18+$0xFA0]  }
0xdf: {  	v40 =	vld [tilespmem:$0x1FD00]  }
0xe0: {  	v41 =	vld [tilespmem:$0x1FD10]  }
0xe1: {  	v42 =	vld [tilespmem:$0x1FD20]  }
0xe2: {  	v44 =	vld [tilespmem:$0x1FD30]  }
0xe3: {  	[tilespmem:$0x1FEF0] =	vst v62;
	v62 =	vld [tilespmem:s18+$0xFB0]  }
0xe4: {  	v45 =	vld [tilespmem:$0x1FD40]  }
0xe5: {  	v46 =	vld [tilespmem:$0x1FD50]  }
0xe6: {  	v47 =	vld [tilespmem:$0x1FD60]  }
0xe7: {  	v48 =	vld [tilespmem:$0x1FD70]  }
0xe8: {  	[tilespmem:$0x1FF00] =	vst v62;
	v62 =	vld [tilespmem:s18+$0x1000]  }
0xe9: {  	v49 =	vld [tilespmem:$0x1FD80]  }
0xea: {  	v50 =	vld [tilespmem:$0x1FD90]  }
0xeb: {  	v52 =	vld [tilespmem:$0x1FDA0]  }
0xec: {  	v53 =	vld [tilespmem:$0x1FDB0]  }
0xed: {  	[tilespmem:$0x1FF10] =	vst v62;
	v62 =	vld [tilespmem:s18+$0x1010]  }
0xee: {  	v54 =	vld [tilespmem:$0x1FDC0]  }
0xef: {  	v55 =	vld [tilespmem:$0x1FDD0]  }
0xf0: {  	v56 =	vld [tilespmem:$0x1FDE0]  }
0xf1: {  	v57 =	vld [tilespmem:$0x1FDF0]  }
0xf2: {  	[tilespmem:$0x1FF20] =	vst v62;
	v62 =	vld [tilespmem:s18+$0x1020]  }
0xf3: {  	v59 =	vld [tilespmem:$0x1FE00]  }
0xf4: {  	v60 =	vld [tilespmem:$0x1FE10]  }
0xf5: {  	v9 =	vmax.f32 v9, v39;
	v63 =	vld [tilespmem:$0x1FE30]  }
0xf6: {  	v9 =	vmax.f32 v9, v44;
	v61 =	vld [tilespmem:$0x1FE20]  }
0xf7: {  	v10 =	vmax.f32 v10, v36;
	v8 =	vmax.f32 v8, v37;
	v9 =	vmax.f32 v9, v48;
	[tilespmem:$0x1FF30] =	vst v62;
	v62 =	vld [tilespmem:s18+$0x1030]  }
0xf8: {  	v7 =	vmax.f32 v7, v38;
	v10 =	vmax.f32 v10, v40;
	v9 =	vmax.f32 v9, v53;
	v36 =	vld [tilespmem:$0x1FE40]  }
0xf9: {  	v8 =	vmax.f32 v8, v41;
	v10 =	vmax.f32 v10, v45;
	v9 =	vmax.f32 v9, v57;
	v37 =	vld [tilespmem:$0x1FE50]  }
0xfa: {  	v8 =	vmax.f32 v8, v46;
	v10 =	vmax.f32 v10, v49;
	v9 =	vmax.f32 v9, v63;
	v63 =	vld [tilespmem:s18+$0x16B0]  }
0xfb: {  	v7 =	vmax.f32 v7, v42;
	v8 =	vmax.f32 v8, v50;
	v10 =	vmax.f32 v10, v54;
	v38 =	vld [tilespmem:$0x1FE60]  }
0xfc: {  	v7 =	vmax.f32 v7, v47;
	v8 =	vmax.f32 v8, v55;
	v10 =	vmax.f32 v10, v59;
	[tilespmem:$0x1FF40] =	vst v62;
	v62 =	vld [tilespmem:s18+$0x1080]  }
0xfd: {  	v7 =	vmax.f32 v7, v52;
	v8 =	vmax.f32 v8, v60;
	v10 =	vmax.f32 v10, v36;
	v36 =	vld [tilespmem:s18+$0x1630]  }
0xfe: {  	v7 =	vmax.f32 v7, v56;
	v8 =	vmax.f32 v8, v37;
	v37 =	vld [tilespmem:s18+$0x1680]  }
0xff: {  	v7 =	vmax.f32 v7, v61;
	v39 =	vld [tilespmem:$0x1FE70]  }
0x100: {  	v7 =	vmax.f32 v7, v38;
	v38 =	vld [tilespmem:s18+$0x1690]  }
0x101: {  	[tilespmem:$0x1FF50] =	vst v62;
	v62 =	vld [tilespmem:s18+$0x1090]  }
0x102: {  	v40 =	vld [tilespmem:$0x1FE80]  }
0x103: {  	v44 =	vld [tilespmem:$0x1FEB0]  }
0x104: {  	v41 =	vld [tilespmem:$0x1FE90]  }
0x105: {  	v45 =	vld [tilespmem:$0x1FEC0]  }
0x106: {  	[tilespmem:$0x1FF60] =	vst v62;
	v62 =	vld [tilespmem:s18+$0x10A0]  }
0x107: {  	v9 =	vmax.f32 v9, v39;
	v42 =	vld [tilespmem:$0x1FEA0]  }
0x108: {  	v9 =	vmax.f32 v9, v44;
	v44 =	vld [tilespmem:$0x1FFC0]  }
0x109: {  	v10 =	vmax.f32 v10, v40;
	v46 =	vld [tilespmem:$0x1FED0]  }
0x10a: {  	v10 =	vmax.f32 v10, v45;
	v45 =	vld [tilespmem:$0x1FFD0]  }
0x10b: {  	[tilespmem:$0x1FF70] =	vst v62;
	v62 =	vld [tilespmem:s18+$0x10B0]  }
0x10c: {  	v47 =	vld [tilespmem:$0x1FEE0]  }
0x10d: {  	v48 =	vld [tilespmem:$0x1FEF0]  }
0x10e: {  	v49 =	vld [tilespmem:$0x1FF00]  }
0x10f: {  	v50 =	vld [tilespmem:$0x1FF10]  }
0x110: {  	[tilespmem:$0x1FF80] =	vst v62;
	v62 =	vld [tilespmem:s18+$0x1100]  }
0x111: {  	v52 =	vld [tilespmem:$0x1FF20]  }
0x112: {  	v53 =	vld [tilespmem:$0x1FF30]  }
0x113: {  	v54 =	vld [tilespmem:$0x1FF40]  }
0x114: {  	v55 =	vld [tilespmem:$0x1FF50]  }
0x115: {  	[tilespmem:$0x1FF90] =	vst v62;
	v62 =	vld [tilespmem:s18+$0x1110]  }
0x116: {  	v56 =	vld [tilespmem:$0x1FF60]  }
0x117: {  	v60 =	vld [tilespmem:$0x1FF90]  }
0x118: {  	v8 =	vmax.f32 v8, v41;
	v57 =	vld [tilespmem:$0x1FF70]  }
0x119: {  	v8 =	vmax.f32 v8, v46;
	v59 =	vld [tilespmem:$0x1FF80]  }
0x11a: {  	v7 =	vmax.f32 v7, v42;
	v8 =	vmax.f32 v8, v50;
	[tilespmem:$0x1FFA0] =	vst v62;
	v62 =	vld [tilespmem:s18+$0x1120]  }
0x11b: {  	v7 =	vmax.f32 v7, v47;
	v8 =	vmax.f32 v8, v55;
	v61 =	vld [tilespmem:$0x1FFA0]  }
0x11c: {  	v46 =	vld [tilespmem:$0x1FFE0];
	v9 =	vmax.f32 v9, v48;
	v10 =	vmax.f32 v10, v49;
	v8 =	vmax.f32 v8, v60  }
0x11d: {  	v39 =	vld [tilespmem:s18+$0x16A0];
	v7 =	vmax.f32 v7, v52;
	v9 =	vmax.f32 v9, v53;
	v8 =	vmax.f32 v8, v44  }
0x11e: {  	v47 =	vld [tilespmem:s18+$0x1700];
	v10 =	vmax.f32 v10, v54;
	v9 =	vmax.f32 v9, v57;
	v8 =	vmax.f32 v8, v58  }
0x11f: {  	v7 =	vmax.f32 v7, v56;
	v8 =	vmax.f32 v8, v19;
	v9 =	vmax.f32 v9, v62;
	v62 =	vld [tilespmem:$0x1FFB0]  }
0x120: {  	v48 =	vld [tilespmem:$0x1FFF0];
	v10 =	vmax.f32 v10, v59;
	v2 =	vmax.f32 v8, v2;
	v7 =	vmax.f32 v7, v61  }
0x121: {  	v49 =	vld [tilespmem:s18+$0x1710];
	v9 =	vmax.f32 v9, v46;
	v2 =	vmax.f32 v2, v6;
	v7 =	vmax.f32 v7, v45  }
0x122: {  	v50 =	vld [tilespmem:s18+$0x1720];
	v9 =	vmax.f32 v9, v43;
	v2 =	vmax.f32 v2, v15;
	v7 =	vmax.f32 v7, v51  }
0x123: {  	v52 =	vld [tilespmem:s18+$0x1780];
	v0 =	vmax.f32 v9, v0;
	v2 =	vmax.f32 v2, v20;
	v7 =	vmax.f32 v7, v11  }
0x124: {  	v53 =	vld [tilespmem:s18+$0x1790];
	v0 =	vmax.f32 v0, v4;
	v2 =	vmax.f32 v2, v24;
	v10 =	vmax.f32 v10, v62  }
0x125: {  	v54 =	vld [tilespmem:s18+$0x17A0];
	v3 =	vmax.f32 v7, v3;
	v0 =	vmax.f32 v0, v13;
	v10 =	vmax.f32 v10, v48  }
0x126: {  	v55 =	vld [tilespmem:s18+$0x17B0];
	v2 =	vmax.f32 v2, v28;
	v3 =	vmax.f32 v3, v12;
	v10 =	vmax.f32 v10, v31  }
0x127: {  	v56 =	vld [tilespmem:s18+$0x1800];
	v0 =	vmax.f32 v0, v17;
	v2 =	vmax.f32 v2, v33;
	v1 =	vmax.f32 v10, v1  }
0x128: {  	v57 =	vld [tilespmem:s18+$0x1810];
	v3 =	vmax.f32 v3, v16;
	v0 =	vmax.f32 v0, v22;
	v1 =	vmax.f32 v1, v5  }
0x129: {  	v59 =	vld [tilespmem:s18+$0x1830];
	v2 =	vmax.f32 v2, v37;
	v3 =	vmax.f32 v3, v21;
	v1 =	vmax.f32 v1, v14  }
0x12a: {  	v60 =	vld [tilespmem:s18+$0x1880];
	v0 =	vmax.f32 v0, v26;
	v2 =	vmax.f32 v2, v47;
	v1 =	vmax.f32 v1, v18  }
0x12b: {  	v58 =	vld [tilespmem:s18+$0x1820];
	v3 =	vmax.f32 v3, v25;
	v0 =	vmax.f32 v0, v30;
	v1 =	vmax.f32 v1, v23  }
0x12c: {  	v51 =	vld [tilespmem:s18+$0x1730];
	v2 =	vmax.f32 v2, v52;
	v3 =	vmax.f32 v3, v29;
	v1 =	vmax.f32 v1, v27  }
0x12d: {  	v61 =	vld [tilespmem:s18+$0x1890];
	v0 =	vmax.f32 v0, v35;
	v3 =	vmax.f32 v3, v34;
	v1 =	vmax.f32 v1, v32  }
0x12e: {  	v62 =	vld [tilespmem:s18+$0x18A0];
	v2 =	vmax.f32 v2, v56;
	v3 =	vmax.f32 v3, v38;
	v1 =	vmax.f32 v1, v36  }
0x12f: {  	v0 =	vmax.f32 v0, v39;
	v3 =	vmax.f32 v3, v49;
	v1 =	vmax.f32 v1, v63;
	v63 =	vld [tilespmem:s18+$0x18B0]  }
0x130: {  	s31 =	sshll.u32 s17, $0x7;
	p0 =	sne.s32 s17, $0x7;
	v2 =	vmax.f32 v2, v60;
	v0 =	vmax.f32 v0, v50;
	v3 =	vmax.f32 v3, v53  }
.Ltmp0:
0x131: {  	v0 =	vmax.f32 v0, v54;
	v3 =	vmax.f32 v3, v57;
	s18 =	sand.u32 $0x3FFFFF80, s31;
	v1 =	vmax.f32 v1, v51;
	(pc) =	sbr.rel @p0 .LBB2_3-.Ltmp0, $4  }
0x132: {  	v0 =	vmax.f32 v0, v58;
	v3 =	vmax.f32 v3, v61;
	[tilespmem:s18+$0x19000] =	vst v2;
	v1 =	vmax.f32 v1, v55  }
0x133: {  	v0 =	vmax.f32 v0, v62;
	[tilespmem:s18+$0x19010] =	vst v3;
	v1 =	vmax.f32 v1, v59  }
0x134: {  	[tilespmem:s18+$0x19020] =	vst v0;
	v1 =	vmax.f32 v1, v63  }
0x135: {  	s17 =	sadd.s32 $0x1, s17;
	[tilespmem:s18+$0x19030] =	vst v1  }
0x136: {  	s17 =	sshll.u32 s16, $0x8;
	p0 =	seq.s32 s16, $0x1F  }
0x137: {  	s17 =	sadd.s32 s17, s6;
	s18 =	smul.u32 @!p0 $0x320, s16  }
0x138: {  	[hbm4b:s17+s2] =	stream.linear.scatter [tilespmem:s11], [sflag:$0x3], $0x400, $0x38;
	[tilespmem:$0x19400] =	vst v63  }
0x139: {  	_ =	swait.ge [sflag:s12], $0x400;
	s17 =	sadd.s32 @!p0 s18, s7  }
0x13a: {  	[sflag:s12] =	ssyncset.done $0x0;
	s17 =	sshll.u32 @!p0 s17, $0x4  }
0x13b: {  	s18 =	simm.s32 @!p0 $0x0;
	[sflag:s12] =	ssyncadd.s32 $0xFFFFFC00;
	s17 =	sadd.s32 @!p0 s3, s17  }
0x13c: {  	[tilespmem:s18], [sflag:$0x1] =	stream.linear.gather @!p0 [hbm4b:s17+s18], $0xC800, $0x38;
	[tilespmem:$0x19400] =	vst v63  }
0x13d: {  	_ =	swait.ge [sflag:s13], $0xC800  }
0x13e: {  	[sflag:s13] =	ssyncset.done $0x0  }
0x13f: {  	s16 =	sadd.s32 $0x1, s16;
	s17 =	simm.s32 $0x0;
	[sflag:s13] =	ssyncadd.s32 $0xFFFF3800  }
.LBB2_5:
0x140: {  	s18 =	smul.u32 $0x6400, s17;
	_ =	sdelay $0x1  }
0x141: {  	s18 =	sshra.s32 s18, $0x2  }
0x142: {  	v62 =	vld [tilespmem:s18+$0xCFA0];
	_ =	sdelay $0x4  }
0x143: {  	[tilespmem:$0x1F600] =	vst v62;
	v62 =	vld [tilespmem:s18+$0xD000];
	_ =	sdelay $0x4  }
0x144: {  	[tilespmem:$0x1F610] =	vst v62;
	v62 =	vld [tilespmem:s18+$0xD010];
	_ =	sdelay $0x4  }
0x145: {  	[tilespmem:$0x1F620] =	vst v62;
	v62 =	vld [tilespmem:s18+$0xD020];
	_ =	sdelay $0x4  }
0x146: {  	[tilespmem:$0x1F630] =	vst v62;
	v62 =	vld [tilespmem:s18+$0xD030];
	_ =	sdelay $0x4  }
0x147: {  	[tilespmem:$0x1F640] =	vst v62;
	v62 =	vld [tilespmem:s18+$0xD080];
	_ =	sdelay $0x4  }
0x148: {  	[tilespmem:$0x1F650] =	vst v62;
	v62 =	vld [tilespmem:s18+$0xD090];
	_ =	sdelay $0x4  }
0x149: {  	[tilespmem:$0x1F660] =	vst v62;
	v62 =	vld [tilespmem:s18+$0xD0A0];
	_ =	sdelay $0x4  }
0x14a: {  	[tilespmem:$0x1F670] =	vst v62;
	v62 =	vld [tilespmem:s18+$0xD0B0];
	_ =	sdelay $0x4  }
0x14b: {  	[tilespmem:$0x1F680] =	vst v62;
	v62 =	vld [tilespmem:s18+$0xD100];
	_ =	sdelay $0x4  }
0x14c: {  	[tilespmem:$0x1F690] =	vst v62;
	v62 =	vld [tilespmem:s18+$0xD110];
	_ =	sdelay $0x4  }
0x14d: {  	[tilespmem:$0x1F6A0] =	vst v62;
	v62 =	vld [tilespmem:s18+$0xD120];
	_ =	sdelay $0x4  }
0x14e: {  	[tilespmem:$0x1F6B0] =	vst v62;
	v62 =	vld [tilespmem:s18+$0xD130];
	_ =	sdelay $0x4  }
0x14f: {  	[tilespmem:$0x1F6C0] =	vst v62;
	v62 =	vld [tilespmem:s18+$0xD180];
	_ =	sdelay $0x4  }
0x150: {  	[tilespmem:$0x1F6D0] =	vst v62;
	v62 =	vld [tilespmem:s18+$0xD190];
	_ =	sdelay $0x4  }
0x151: {  	[tilespmem:$0x1F6E0] =	vst v62;
	v62 =	vld [tilespmem:s18+$0xD1A0];
	_ =	sdelay $0x4  }
0x152: {  	[tilespmem:$0x1F6F0] =	vst v62;
	v62 =	vld [tilespmem:s18+$0xD1B0];
	_ =	sdelay $0x4  }
0x153: {  	[tilespmem:$0x1F700] =	vst v62;
	v62 =	vld [tilespmem:s18+$0xD200];
	_ =	sdelay $0x4  }
0x154: {  	[tilespmem:$0x1F710] =	vst v62;
	v62 =	vld [tilespmem:s18+$0xD210];
	_ =	sdelay $0x4  }
0x155: {  	[tilespmem:$0x1F720] =	vst v62;
	v62 =	vld [tilespmem:s18+$0xD220];
	_ =	sdelay $0x4  }
0x156: {  	[tilespmem:$0x1F730] =	vst v62;
	v62 =	vld [tilespmem:s18+$0xD230];
	_ =	sdelay $0x4  }
0x157: {  	[tilespmem:$0x1F740] =	vst v62;
	v62 =	vld [tilespmem:s18+$0xD280];
	_ =	sdelay $0x4  }
0x158: {  	[tilespmem:$0x1F750] =	vst v62;
	v62 =	vld [tilespmem:s18+$0xD290];
	_ =	sdelay $0x4  }
0x159: {  	[tilespmem:$0x1F760] =	vst v62;
	v62 =	vld [tilespmem:s18+$0xD2A0];
	_ =	sdelay $0x4  }
0x15a: {  	[tilespmem:$0x1F770] =	vst v62;
	v62 =	vld [tilespmem:s18+$0xD2B0];
	_ =	sdelay $0x4  }
0x15b: {  	[tilespmem:$0x1F780] =	vst v62;
	v62 =	vld [tilespmem:s18+$0xD300];
	_ =	sdelay $0x4  }
0x15c: {  	[tilespmem:$0x1F790] =	vst v62;
	v62 =	vld [tilespmem:s18+$0xD310];
	_ =	sdelay $0x4  }
0x15d: {  	[tilespmem:$0x1F7A0] =	vst v62;
	v62 =	vld [tilespmem:s18+$0xD320];
	_ =	sdelay $0x4  }
0x15e: {  	[tilespmem:$0x1F7B0] =	vst v62;
	v62 =	vld [tilespmem:s18+$0xD330];
	_ =	sdelay $0x4  }
0x15f: {  	[tilespmem:$0x1F7C0] =	vst v62;
	v62 =	vld [tilespmem:s18+$0xD380];
	_ =	sdelay $0x1  }
0x160: {  	v12 =	vld [tilespmem:s18+$0xC800]  }
0x161: {  	v18 =	vld [tilespmem:s18+$0xC810]  }
0x162: {  	v19 =	vld [tilespmem:s18+$0xC820]  }
0x163: {  	[tilespmem:$0x1F7D0] =	vst v62;
	v62 =	vld [tilespmem:s18+$0xD390]  }
0x164: {  	v14 =	vld [tilespmem:s18+$0xC830]  }
0x165: {  	v0 =	vld [tilespmem:s18+$0xC880]  }
0x166: {  	v3 =	vld [tilespmem:s18+$0xC890]  }
0x167: {  	v1 =	vld [tilespmem:s18+$0xC8A0]  }
0x168: {  	[tilespmem:$0x1F7E0] =	vst v62;
	v62 =	vld [tilespmem:s18+$0xD3A0]  }
0x169: {  	v2 =	vld [tilespmem:s18+$0xC8B0]  }
0x16a: {  	v6 =	vld [tilespmem:s18+$0xC900]  }
0x16b: {  	v4 =	vld [tilespmem:s18+$0xC910]  }
0x16c: {  	v5 =	vld [tilespmem:s18+$0xC920]  }
0x16d: {  	[tilespmem:$0x1F7F0] =	vst v62;
	v62 =	vld [tilespmem:s18+$0xD3B0]  }
0x16e: {  	v9 =	vld [tilespmem:s18+$0xC930]  }
0x16f: {  	v7 =	vld [tilespmem:s18+$0xC980]  }
0x170: {  	v8 =	vld [tilespmem:s18+$0xC990]  }
0x171: {  	v13 =	vld [tilespmem:s18+$0xC9A0]  }
0x172: {  	[tilespmem:$0x1F800] =	vst v62;
	v62 =	vld [tilespmem:s18+$0xD400]  }
0x173: {  	v10 =	vld [tilespmem:s18+$0xC9B0]  }
0x174: {  	v11 =	vld [tilespmem:s18+$0xCA00]  }
0x175: {  	v15 =	vld [tilespmem:s18+$0xCA10]  }
0x176: {  	v16 =	vld [tilespmem:s18+$0xCA20]  }
0x177: {  	[tilespmem:$0x1F810] =	vst v62;
	v62 =	vld [tilespmem:s18+$0xD410]  }
0x178: {  	v17 =	vld [tilespmem:s18+$0xCA30]  }
0x179: {  	v58 =	vld [tilespmem:s18+$0xCA80]  }
0x17a: {  	v20 =	vld [tilespmem:s18+$0xCA90]  }
0x17b: {  	v21 =	vld [tilespmem:s18+$0xCAA0]  }
0x17c: {  	[tilespmem:$0x1F820] =	vst v62;
	v62 =	vld [tilespmem:s18+$0xD420]  }
0x17d: {  	v51 =	vld [tilespmem:s18+$0xCAB0]  }
0x17e: {  	v22 =	vld [tilespmem:s18+$0xCB00]  }
0x17f: {  	v23 =	vld [tilespmem:s18+$0xCB10]  }
0x180: {  	v43 =	vld [tilespmem:s18+$0xCB20]  }
0x181: {  	[tilespmem:$0x1F830] =	vst v62;
	v62 =	vld [tilespmem:s18+$0xD430]  }
0x182: {  	v24 =	vld [tilespmem:s18+$0xCB30]  }
0x183: {  	v25 =	vld [tilespmem:s18+$0xCB80]  }
0x184: {  	v31 =	vld [tilespmem:s18+$0xCB90]  }
0x185: {  	v26 =	vld [tilespmem:s18+$0xCBA0]  }
0x186: {  	[tilespmem:$0x1F840] =	vst v62;
	v62 =	vld [tilespmem:s18+$0xD480]  }
0x187: {  	v27 =	vld [tilespmem:s18+$0xCBB0]  }
0x188: {  	v28 =	vld [tilespmem:s18+$0xCC00]  }
0x189: {  	v30 =	vld [tilespmem:s18+$0xCC10]  }
0x18a: {  	v29 =	vld [tilespmem:s18+$0xCC20]  }
0x18b: {  	[tilespmem:$0x1F850] =	vst v62;
	v62 =	vld [tilespmem:s18+$0xD490]  }
0x18c: {  	v34 =	vld [tilespmem:s18+$0xCC30]  }
0x18d: {  	v33 =	vld [tilespmem:s18+$0xCC80]  }
0x18e: {  	v32 =	vld [tilespmem:s18+$0xCC90]  }
0x18f: {  	v36 =	vld [tilespmem:s18+$0xCCA0]  }
0x190: {  	[tilespmem:$0x1F860] =	vst v62;
	v62 =	vld [tilespmem:s18+$0xD4A0]  }
0x191: {  	v37 =	vld [tilespmem:s18+$0xCCB0]  }
0x192: {  	v35 =	vld [tilespmem:s18+$0xCD00]  }
0x193: {  	v39 =	vld [tilespmem:s18+$0xCD10]  }
0x194: {  	v40 =	vld [tilespmem:s18+$0xCD20]  }
0x195: {  	[tilespmem:$0x1F870] =	vst v62;
	v62 =	vld [tilespmem:s18+$0xD4B0]  }
0x196: {  	v38 =	vld [tilespmem:s18+$0xCD30]  }
0x197: {  	v42 =	vld [tilespmem:s18+$0xCD80]  }
0x198: {  	v44 =	vld [tilespmem:s18+$0xCD90]  }
0x199: {  	v41 =	vld [tilespmem:s18+$0xCDA0]  }
0x19a: {  	[tilespmem:$0x1F880] =	vst v62;
	v62 =	vld [tilespmem:s18+$0xD500]  }
0x19b: {  	v45 =	vld [tilespmem:s18+$0xCDB0]  }
0x19c: {  	v46 =	vld [tilespmem:s18+$0xCE00]  }
0x19d: {  	v47 =	vld [tilespmem:s18+$0xCE10]  }
0x19e: {  	v48 =	vld [tilespmem:s18+$0xCE20]  }
0x19f: {  	[tilespmem:$0x1F890] =	vst v62;
	v62 =	vld [tilespmem:s18+$0xD510]  }
0x1a0: {  	v49 =	vld [tilespmem:s18+$0xCE30]  }
0x1a1: {  	v50 =	vld [tilespmem:s18+$0xCE80]  }
0x1a2: {  	v53 =	vld [tilespmem:s18+$0xCE90]  }
0x1a3: {  	v54 =	vld [tilespmem:s18+$0xCEA0]  }
0x1a4: {  	[tilespmem:$0x1F8A0] =	vst v62;
	v62 =	vld [tilespmem:s18+$0xD520]  }
0x1a5: {  	v52 =	vld [tilespmem:s18+$0xCEB0]  }
0x1a6: {  	v57 =	vld [tilespmem:s18+$0xCF00]  }
0x1a7: {  	v55 =	vld [tilespmem:s18+$0xCF10]  }
0x1a8: {  	v56 =	vld [tilespmem:s18+$0xCF20]  }
0x1a9: {  	[tilespmem:$0x1F8B0] =	vst v62;
	v62 =	vld [tilespmem:s18+$0xD530]  }
0x1aa: {  	v61 =	vld [tilespmem:s18+$0xCF30]  }
0x1ab: {  	v59 =	vld [tilespmem:s18+$0xCF80]  }
0x1ac: {  	v60 =	vld [tilespmem:s18+$0xCF90]  }
0x1ad: {  	v63 =	vld [tilespmem:s18+$0xCFB0]  }
0x1ae: {  	[tilespmem:$0x1F8C0] =	vst v62;
	v62 =	vld [tilespmem:s18+$0xD580]  }
0x1af: {  	v1 =	vmax.f32 v19, v1;
	v19 =	vld [tilespmem:s18+$0xD930]  }
0x1b0: {  	v0 =	vmax.f32 v12, v0;
	v12 =	vld [tilespmem:s18+$0xD980]  }
0x1b1: {  	v2 =	vmax.f32 v14, v2;
	v14 =	vld [tilespmem:s18+$0xD990]  }
0x1b2: {  	v3 =	vmax.f32 v18, v3;
	v18 =	vld [tilespmem:s18+$0xD9A0]  }
0x1b3: {  	v0 =	vmax.f32 v0, v6;
	v1 =	vmax.f32 v1, v5;
	[tilespmem:$0x1F8D0] =	vst v62;
	v62 =	vld [tilespmem:s18+$0xD590]  }
0x1b4: {  	v3 =	vmax.f32 v3, v4;
	v0 =	vmax.f32 v0, v7;
	v1 =	vmax.f32 v1, v13;
	v13 =	vld [tilespmem:s18+$0xDBA0]  }
0x1b5: {  	v3 =	vmax.f32 v3, v8;
	v0 =	vmax.f32 v0, v11;
	v11 =	vld [tilespmem:s18+$0xDA90]  }
0x1b6: {  	v3 =	vmax.f32 v3, v15;
	v15 =	vld [tilespmem:s18+$0xDC00]  }
0x1b7: {  	v2 =	vmax.f32 v2, v9;
	v1 =	vmax.f32 v1, v16;
	v16 =	vld [tilespmem:s18+$0xDC10]  }
0x1b8: {  	v2 =	vmax.f32 v2, v10;
	[tilespmem:$0x1F8E0] =	vst v62;
	v62 =	vld [tilespmem:s18+$0xD5A0]  }
0x1b9: {  	v2 =	vmax.f32 v2, v17;
	v17 =	vld [tilespmem:s18+$0xDC20]  }
0x1ba: {  	v0 =	vmax.f32 v0, v58;
	v58 =	vld [tilespmem:s18+$0xDA00]  }
0x1bb: {  	v2 =	vmax.f32 v2, v51;
	v51 =	vld [tilespmem:s18+$0xDA10]  }
0x1bc: {  	[tilespmem:$0x1FAB0] =	vst v19;
	v19 =	vld [tilespmem:s18+$0xD9B0]  }
0x1bd: {  	v1 =	vmax.f32 v1, v21;
	[tilespmem:$0x1F8F0] =	vst v62;
	v62 =	vld [tilespmem:s18+$0xD5B0]  }
0x1be: {  	v1 =	vmax.f32 v1, v43;
	v43 =	vld [tilespmem:s18+$0xDA20]  }
0x1bf: {  	v3 =	vmax.f32 v3, v20;
	[tilespmem:$0x1FAC0] =	vst v12;
	v0 =	vmax.f32 v0, v22;
	v12 =	vld [tilespmem:s18+$0xDB90]  }
0x1c0: {  	[tilespmem:$0x1FAD0] =	vst v14;
	v3 =	vmax.f32 v3, v23;
	v2 =	vmax.f32 v2, v24;
	v14 =	vld [tilespmem:s18+$0xDBB0];
	v0 =	vmax.f32 v0, v25  }
0x1c1: {  	[tilespmem:$0x1FAE0] =	vst v18;
	v18 =	vld [tilespmem:s18+$0xDC30];
	v3 =	vmax.f32 v3, v31;
	v1 =	vmax.f32 v1, v26;
	v2 =	vmax.f32 v2, v27  }
0x1c2: {  	v0 =	vmax.f32 v0, v28;
	v3 =	vmax.f32 v3, v30;
	v1 =	vmax.f32 v1, v29;
	[tilespmem:$0x1F900] =	vst v62;
	v62 =	vld [tilespmem:s18+$0xD600]  }
0x1c3: {  	v31 =	vld [tilespmem:s18+$0xDA30];
	v2 =	vmax.f32 v2, v34;
	v0 =	vmax.f32 v0, v33;
	v3 =	vmax.f32 v3, v32  }
0x1c4: {  	v1 =	vmax.f32 v1, v36;
	v2 =	vmax.f32 v2, v37;
	v37 =	vmax.f32 v0, v35;
	v0 =	vld [tilespmem:s18+$0xDAA0]  }
0x1c5: {  	v3 =	vmax.f32 v3, v39;
	v39 =	vmax.f32 v1, v40;
	v1 =	vld [tilespmem:s18+$0xDAB0]  }
0x1c6: {  	v40 =	vmax.f32 v2, v38;
	v2 =	vld [tilespmem:s18+$0xDB00]  }
0x1c7: {  	[tilespmem:$0x1F910] =	vst v62;
	v62 =	vld [tilespmem:s18+$0xD610]  }
0x1c8: {  	[tilespmem:$0x1FAF0] =	vst v19;
	v19 =	vld [tilespmem:s18+$0xDA80];
	v3 =	vmax.f32 v3, v44  }
0x1c9: {  	v5 =	vmax.f32 v39, v41;
	v44 =	vmax.f32 v3, v47;
	v3 =	vld [tilespmem:s18+$0xDB10]  }
0x1ca: {  	v6 =	vmax.f32 v40, v45;
	v5 =	vmax.f32 v5, v48;
	v48 =	vld [tilespmem:$0x1F600]  }
0x1cb: {  	v4 =	vmax.f32 v37, v42;
	v6 =	vmax.f32 v6, v49;
	v49 =	vld [tilespmem:$0x1F610]  }
0x1cc: {  	v4 =	vmax.f32 v4, v46;
	[tilespmem:$0x1F920] =	vst v62;
	v62 =	vld [tilespmem:s18+$0xD620]  }
0x1cd: {  	v45 =	vmax.f32 v4, v50;
	v4 =	vld [tilespmem:s18+$0xDB20]  }
0x1ce: {  	v46 =	vmax.f32 v5, v54;
	v5 =	vld [tilespmem:s18+$0xDB30]  }
0x1cf: {  	v47 =	vmax.f32 v6, v52;
	v6 =	vld [tilespmem:s18+$0xDB80]  }
0x1d0: {  	v50 =	vld [tilespmem:$0x1F620]  }
0x1d1: {  	[tilespmem:$0x1F930] =	vst v62;
	v62 =	vld [tilespmem:s18+$0xD630]  }
0x1d2: {  	v52 =	vld [tilespmem:$0x1F630]  }
0x1d3: {  	v7 =	vmax.f32 v44, v53;
	v53 =	vld [tilespmem:$0x1F640]  }
0x1d4: {  	v54 =	vld [tilespmem:$0x1F650]  }
0x1d5: {  	v7 =	vmax.f32 v7, v55;
	v55 =	vld [tilespmem:$0x1F660]  }
0x1d6: {  	[tilespmem:$0x1F940] =	vst v62;
	v62 =	vld [tilespmem:s18+$0xD680]  }
0x1d7: {  	v9 =	vmax.f32 v46, v56;
	v56 =	vld [tilespmem:$0x1F670]  }
0x1d8: {  	v8 =	vmax.f32 v45, v57;
	v57 =	vld [tilespmem:$0x1F680]  }
0x1d9: {  	v8 =	vmax.f32 v8, v59;
	v59 =	vld [tilespmem:$0x1F690]  }
0x1da: {  	v7 =	vmax.f32 v7, v60;
	v60 =	vld [tilespmem:$0x1F6A0]  }
0x1db: {  	[tilespmem:$0x1F950] =	vst v62;
	v62 =	vld [tilespmem:s18+$0xD690]  }
0x1dc: {  	v10 =	vmax.f32 v47, v61;
	v61 =	vld [tilespmem:$0x1F6B0]  }
0x1dd: {  	v20 =	vld [tilespmem:$0x1F6D0]  }
0x1de: {  	v21 =	vld [tilespmem:$0x1F6E0]  }
0x1df: {  	v10 =	vmax.f32 v10, v63;
	v8 =	vmax.f32 v8, v49;
	v63 =	vld [tilespmem:$0x1F6C0]  }
0x1e0: {  	v7 =	vmax.f32 v7, v50;
	v8 =	vmax.f32 v8, v54;
	[tilespmem:$0x1F960] =	vst v62;
	v62 =	vld [tilespmem:s18+$0xD6A0]  }
0x1e1: {  	v7 =	vmax.f32 v7, v55;
	v8 =	vmax.f32 v8, v59;
	v22 =	vld [tilespmem:$0x1F6F0]  }
0x1e2: {  	v9 =	vmax.f32 v9, v48;
	v7 =	vmax.f32 v7, v60;
	v8 =	vmax.f32 v8, v20;
	v20 =	vld [tilespmem:s18+$0xDC80]  }
0x1e3: {  	v9 =	vmax.f32 v9, v52;
	v7 =	vmax.f32 v7, v21;
	v21 =	vld [tilespmem:s18+$0xDC90]  }
0x1e4: {  	v9 =	vmax.f32 v9, v56;
	v23 =	vld [tilespmem:$0x1F700]  }
0x1e5: {  	v9 =	vmax.f32 v9, v61;
	[tilespmem:$0x1F970] =	vst v62;
	v62 =	vld [tilespmem:s18+$0xD6B0]  }
0x1e6: {  	v10 =	vmax.f32 v10, v53;
	v9 =	vmax.f32 v9, v22;
	v22 =	vld [tilespmem:s18+$0xDCA0]  }
0x1e7: {  	v10 =	vmax.f32 v10, v57;
	v24 =	vld [tilespmem:$0x1F710]  }
0x1e8: {  	v10 =	vmax.f32 v10, v63;
	v25 =	vld [tilespmem:$0x1F720]  }
0x1e9: {  	v10 =	vmax.f32 v10, v23;
	v23 =	vld [tilespmem:s18+$0xDCB0]  }
0x1ea: {  	[tilespmem:$0x1F980] =	vst v62;
	v62 =	vld [tilespmem:s18+$0xD700]  }
0x1eb: {  	v26 =	vld [tilespmem:$0x1F730]  }
0x1ec: {  	v8 =	vmax.f32 v8, v24;
	v24 =	vld [tilespmem:s18+$0xDD00]  }
0x1ed: {  	v7 =	vmax.f32 v7, v25;
	v25 =	vld [tilespmem:s18+$0xDD10]  }
0x1ee: {  	v27 =	vld [tilespmem:$0x1F740]  }
0x1ef: {  	[tilespmem:$0x1F990] =	vst v62;
	v62 =	vld [tilespmem:s18+$0xD710]  }
0x1f0: {  	v9 =	vmax.f32 v9, v26;
	v26 =	vld [tilespmem:s18+$0xDD20]  }
0x1f1: {  	v28 =	vld [tilespmem:$0x1F750]  }
0x1f2: {  	v29 =	vld [tilespmem:$0x1F760]  }
0x1f3: {  	v10 =	vmax.f32 v10, v27;
	v27 =	vld [tilespmem:s18+$0xDD30]  }
0x1f4: {  	[tilespmem:$0x1F9A0] =	vst v62;
	v62 =	vld [tilespmem:s18+$0xD720]  }
0x1f5: {  	v30 =	vld [tilespmem:$0x1F770]  }
0x1f6: {  	v8 =	vmax.f32 v8, v28;
	v28 =	vld [tilespmem:s18+$0xDD80]  }
0x1f7: {  	v7 =	vmax.f32 v7, v29;
	v29 =	vld [tilespmem:s18+$0xDD90]  }
0x1f8: {  	v32 =	vld [tilespmem:$0x1F780]  }
0x1f9: {  	[tilespmem:$0x1F9B0] =	vst v62;
	v62 =	vld [tilespmem:s18+$0xD730]  }
0x1fa: {  	v9 =	vmax.f32 v9, v30;
	v30 =	vld [tilespmem:s18+$0xDDA0]  }
0x1fb: {  	v33 =	vld [tilespmem:$0x1F790]  }
0x1fc: {  	v34 =	vld [tilespmem:$0x1F7A0]  }
0x1fd: {  	v10 =	vmax.f32 v10, v32;
	v32 =	vld [tilespmem:s18+$0xDDB0]  }
0x1fe: {  	[tilespmem:$0x1F9C0] =	vst v62;
	v62 =	vld [tilespmem:s18+$0xD780]  }
0x1ff: {  	v35 =	vld [tilespmem:$0x1F7B0]  }
0x200: {  	v8 =	vmax.f32 v8, v33;
	v33 =	vld [tilespmem:s18+$0xDE00]  }
0x201: {  	v7 =	vmax.f32 v7, v34;
	v34 =	vld [tilespmem:s18+$0xDE10]  }
0x202: {  	v36 =	vld [tilespmem:$0x1F7C0]  }
0x203: {  	[tilespmem:$0x1F9D0] =	vst v62;
	v62 =	vld [tilespmem:s18+$0xD790]  }
0x204: {  	v9 =	vmax.f32 v9, v35;
	v35 =	vld [tilespmem:s18+$0xDE20]  }
0x205: {  	v37 =	vld [tilespmem:$0x1F7D0]  }
0x206: {  	v38 =	vld [tilespmem:$0x1F7E0]  }
0x207: {  	v39 =	vld [tilespmem:$0x1F7F0]  }
0x208: {  	[tilespmem:$0x1F9E0] =	vst v62;
	v62 =	vld [tilespmem:s18+$0xD7A0]  }
0x209: {  	v40 =	vld [tilespmem:$0x1F800]  }
0x20a: {  	v41 =	vld [tilespmem:$0x1F810]  }
0x20b: {  	v42 =	vld [tilespmem:$0x1F820]  }
0x20c: {  	v44 =	vld [tilespmem:$0x1F830]  }
0x20d: {  	[tilespmem:$0x1F9F0] =	vst v62;
	v62 =	vld [tilespmem:s18+$0xD7B0]  }
0x20e: {  	v45 =	vld [tilespmem:$0x1F840]  }
0x20f: {  	v46 =	vld [tilespmem:$0x1F850]  }
0x210: {  	v47 =	vld [tilespmem:$0x1F860]  }
0x211: {  	v48 =	vld [tilespmem:$0x1F870]  }
0x212: {  	[tilespmem:$0x1FA00] =	vst v62;
	v62 =	vld [tilespmem:s18+$0xD800]  }
0x213: {  	v49 =	vld [tilespmem:$0x1F880]  }
0x214: {  	v50 =	vld [tilespmem:$0x1F890]  }
0x215: {  	v52 =	vld [tilespmem:$0x1F8A0]  }
0x216: {  	v53 =	vld [tilespmem:$0x1F8B0]  }
0x217: {  	[tilespmem:$0x1FA10] =	vst v62;
	v62 =	vld [tilespmem:s18+$0xD810]  }
0x218: {  	v54 =	vld [tilespmem:$0x1F8C0]  }
0x219: {  	v55 =	vld [tilespmem:$0x1F8D0]  }
0x21a: {  	v56 =	vld [tilespmem:$0x1F8E0]  }
0x21b: {  	v57 =	vld [tilespmem:$0x1F8F0]  }
0x21c: {  	[tilespmem:$0x1FA20] =	vst v62;
	v62 =	vld [tilespmem:s18+$0xD820]  }
0x21d: {  	v59 =	vld [tilespmem:$0x1F900]  }
0x21e: {  	v60 =	vld [tilespmem:$0x1F910]  }
0x21f: {  	v9 =	vmax.f32 v9, v39;
	v63 =	vld [tilespmem:$0x1F930]  }
0x220: {  	v9 =	vmax.f32 v9, v44;
	v61 =	vld [tilespmem:$0x1F920]  }
0x221: {  	v10 =	vmax.f32 v10, v36;
	v8 =	vmax.f32 v8, v37;
	v9 =	vmax.f32 v9, v48;
	[tilespmem:$0x1FA30] =	vst v62;
	v62 =	vld [tilespmem:s18+$0xD830]  }
0x222: {  	v7 =	vmax.f32 v7, v38;
	v10 =	vmax.f32 v10, v40;
	v9 =	vmax.f32 v9, v53;
	v36 =	vld [tilespmem:$0x1F940]  }
0x223: {  	v8 =	vmax.f32 v8, v41;
	v10 =	vmax.f32 v10, v45;
	v9 =	vmax.f32 v9, v57;
	v37 =	vld [tilespmem:$0x1F950]  }
0x224: {  	v8 =	vmax.f32 v8, v46;
	v10 =	vmax.f32 v10, v49;
	v9 =	vmax.f32 v9, v63;
	v63 =	vld [tilespmem:s18+$0xDEB0]  }
0x225: {  	v7 =	vmax.f32 v7, v42;
	v8 =	vmax.f32 v8, v50;
	v10 =	vmax.f32 v10, v54;
	v38 =	vld [tilespmem:$0x1F960]  }
0x226: {  	v7 =	vmax.f32 v7, v47;
	v8 =	vmax.f32 v8, v55;
	v10 =	vmax.f32 v10, v59;
	[tilespmem:$0x1FA40] =	vst v62;
	v62 =	vld [tilespmem:s18+$0xD880]  }
0x227: {  	v7 =	vmax.f32 v7, v52;
	v8 =	vmax.f32 v8, v60;
	v10 =	vmax.f32 v10, v36;
	v36 =	vld [tilespmem:s18+$0xDE30]  }
0x228: {  	v7 =	vmax.f32 v7, v56;
	v8 =	vmax.f32 v8, v37;
	v37 =	vld [tilespmem:s18+$0xDE80]  }
0x229: {  	v7 =	vmax.f32 v7, v61;
	v39 =	vld [tilespmem:$0x1F970]  }
0x22a: {  	v7 =	vmax.f32 v7, v38;
	v38 =	vld [tilespmem:s18+$0xDE90]  }
0x22b: {  	[tilespmem:$0x1FA50] =	vst v62;
	v62 =	vld [tilespmem:s18+$0xD890]  }
0x22c: {  	v40 =	vld [tilespmem:$0x1F980]  }
0x22d: {  	v44 =	vld [tilespmem:$0x1F9B0]  }
0x22e: {  	v41 =	vld [tilespmem:$0x1F990]  }
0x22f: {  	v45 =	vld [tilespmem:$0x1F9C0]  }
0x230: {  	[tilespmem:$0x1FA60] =	vst v62;
	v62 =	vld [tilespmem:s18+$0xD8A0]  }
0x231: {  	v9 =	vmax.f32 v9, v39;
	v42 =	vld [tilespmem:$0x1F9A0]  }
0x232: {  	v9 =	vmax.f32 v9, v44;
	v44 =	vld [tilespmem:$0x1FAC0]  }
0x233: {  	v10 =	vmax.f32 v10, v40;
	v46 =	vld [tilespmem:$0x1F9D0]  }
0x234: {  	v10 =	vmax.f32 v10, v45;
	v45 =	vld [tilespmem:$0x1FAD0]  }
0x235: {  	[tilespmem:$0x1FA70] =	vst v62;
	v62 =	vld [tilespmem:s18+$0xD8B0]  }
0x236: {  	v47 =	vld [tilespmem:$0x1F9E0]  }
0x237: {  	v48 =	vld [tilespmem:$0x1F9F0]  }
0x238: {  	v49 =	vld [tilespmem:$0x1FA00]  }
0x239: {  	v50 =	vld [tilespmem:$0x1FA10]  }
0x23a: {  	[tilespmem:$0x1FA80] =	vst v62;
	v62 =	vld [tilespmem:s18+$0xD900]  }
0x23b: {  	v52 =	vld [tilespmem:$0x1FA20]  }
0x23c: {  	v53 =	vld [tilespmem:$0x1FA30]  }
0x23d: {  	v54 =	vld [tilespmem:$0x1FA40]  }
0x23e: {  	v55 =	vld [tilespmem:$0x1FA50]  }
0x23f: {  	[tilespmem:$0x1FA90] =	vst v62;
	v62 =	vld [tilespmem:s18+$0xD910]  }
0x240: {  	v56 =	vld [tilespmem:$0x1FA60]  }
0x241: {  	v60 =	vld [tilespmem:$0x1FA90]  }
0x242: {  	v8 =	vmax.f32 v8, v41;
	v57 =	vld [tilespmem:$0x1FA70]  }
0x243: {  	v8 =	vmax.f32 v8, v46;
	v59 =	vld [tilespmem:$0x1FA80]  }
0x244: {  	v7 =	vmax.f32 v7, v42;
	v8 =	vmax.f32 v8, v50;
	[tilespmem:$0x1FAA0] =	vst v62;
	v62 =	vld [tilespmem:s18+$0xD920]  }
0x245: {  	v7 =	vmax.f32 v7, v47;
	v8 =	vmax.f32 v8, v55;
	v61 =	vld [tilespmem:$0x1FAA0]  }
0x246: {  	v46 =	vld [tilespmem:$0x1FAE0];
	v9 =	vmax.f32 v9, v48;
	v10 =	vmax.f32 v10, v49;
	v8 =	vmax.f32 v8, v60  }
0x247: {  	v39 =	vld [tilespmem:s18+$0xDEA0];
	v7 =	vmax.f32 v7, v52;
	v9 =	vmax.f32 v9, v53;
	v8 =	vmax.f32 v8, v44  }
0x248: {  	v47 =	vld [tilespmem:s18+$0xDF00];
	v10 =	vmax.f32 v10, v54;
	v9 =	vmax.f32 v9, v57;
	v8 =	vmax.f32 v8, v58  }
0x249: {  	v7 =	vmax.f32 v7, v56;
	v8 =	vmax.f32 v8, v19;
	v9 =	vmax.f32 v9, v62;
	v62 =	vld [tilespmem:$0x1FAB0]  }
0x24a: {  	v48 =	vld [tilespmem:$0x1FAF0];
	v10 =	vmax.f32 v10, v59;
	v2 =	vmax.f32 v8, v2;
	v7 =	vmax.f32 v7, v61  }
0x24b: {  	v49 =	vld [tilespmem:s18+$0xDF10];
	v9 =	vmax.f32 v9, v46;
	v2 =	vmax.f32 v2, v6;
	v7 =	vmax.f32 v7, v45  }
0x24c: {  	v50 =	vld [tilespmem:s18+$0xDF20];
	v9 =	vmax.f32 v9, v43;
	v2 =	vmax.f32 v2, v15;
	v7 =	vmax.f32 v7, v51  }
0x24d: {  	v52 =	vld [tilespmem:s18+$0xDF80];
	v0 =	vmax.f32 v9, v0;
	v2 =	vmax.f32 v2, v20;
	v7 =	vmax.f32 v7, v11  }
0x24e: {  	v53 =	vld [tilespmem:s18+$0xDF90];
	v0 =	vmax.f32 v0, v4;
	v2 =	vmax.f32 v2, v24;
	v10 =	vmax.f32 v10, v62  }
0x24f: {  	v54 =	vld [tilespmem:s18+$0xDFA0];
	v3 =	vmax.f32 v7, v3;
	v0 =	vmax.f32 v0, v13;
	v10 =	vmax.f32 v10, v48  }
0x250: {  	v55 =	vld [tilespmem:s18+$0xDFB0];
	v2 =	vmax.f32 v2, v28;
	v3 =	vmax.f32 v3, v12;
	v10 =	vmax.f32 v10, v31  }
0x251: {  	v56 =	vld [tilespmem:s18+$0xE000];
	v0 =	vmax.f32 v0, v17;
	v2 =	vmax.f32 v2, v33;
	v1 =	vmax.f32 v10, v1  }
0x252: {  	v57 =	vld [tilespmem:s18+$0xE010];
	v3 =	vmax.f32 v3, v16;
	v0 =	vmax.f32 v0, v22;
	v1 =	vmax.f32 v1, v5  }
0x253: {  	v59 =	vld [tilespmem:s18+$0xE030];
	v2 =	vmax.f32 v2, v37;
	v3 =	vmax.f32 v3, v21;
	v1 =	vmax.f32 v1, v14  }
0x254: {  	v60 =	vld [tilespmem:s18+$0xE080];
	v0 =	vmax.f32 v0, v26;
	v2 =	vmax.f32 v2, v47;
	v1 =	vmax.f32 v1, v18  }
0x255: {  	v58 =	vld [tilespmem:s18+$0xE020];
	v3 =	vmax.f32 v3, v25;
	v0 =	vmax.f32 v0, v30;
	v1 =	vmax.f32 v1, v23  }
0x256: {  	v51 =	vld [tilespmem:s18+$0xDF30];
	v2 =	vmax.f32 v2, v52;
	v3 =	vmax.f32 v3, v29;
	v1 =	vmax.f32 v1, v27  }
0x257: {  	v61 =	vld [tilespmem:s18+$0xE090];
	v0 =	vmax.f32 v0, v35;
	v3 =	vmax.f32 v3, v34;
	v1 =	vmax.f32 v1, v32  }
0x258: {  	v62 =	vld [tilespmem:s18+$0xE0A0];
	v2 =	vmax.f32 v2, v56;
	v3 =	vmax.f32 v3, v38;
	v1 =	vmax.f32 v1, v36  }
0x259: {  	v0 =	vmax.f32 v0, v39;
	v3 =	vmax.f32 v3, v49;
	v1 =	vmax.f32 v1, v63;
	v63 =	vld [tilespmem:s18+$0xE0B0]  }
0x25a: {  	s31 =	sshll.u32 s17, $0x7;
	p0 =	sne.s32 s17, $0x7;
	v2 =	vmax.f32 v2, v60;
	v0 =	vmax.f32 v0, v50;
	v3 =	vmax.f32 v3, v53  }
.Ltmp1:
0x25b: {  	v0 =	vmax.f32 v0, v54;
	v3 =	vmax.f32 v3, v57;
	s18 =	sand.u32 $0x3FFFFF80, s31;
	v1 =	vmax.f32 v1, v51;
	(pc) =	sbr.rel @p0 .LBB2_5-.Ltmp1, $4  }
0x25c: {  	v0 =	vmax.f32 v0, v58;
	v3 =	vmax.f32 v3, v61;
	[tilespmem:s18+$0x19000] =	vst v2;
	v1 =	vmax.f32 v1, v55  }
0x25d: {  	v0 =	vmax.f32 v0, v62;
	[tilespmem:s18+$0x19010] =	vst v3;
	v1 =	vmax.f32 v1, v59  }
0x25e: {  	[tilespmem:s18+$0x19020] =	vst v0;
	v1 =	vmax.f32 v1, v63  }
0x25f: {  	s17 =	sadd.s32 $0x1, s17;
	[tilespmem:s18+$0x19030] =	vst v1  }
0x260: {  	s15 =	sshll.u32 s15, $0x7;
	p0 =	sne.s32 s16, $0x20  }
.Ltmp2:
0x261: {  	s15 =	sadd.s32 s15, s6;
	(pc) =	sbr.rel @p0 .LBB2_2-.Ltmp2, $4  }
0x262: {  	[hbm4b:s15+s2] =	stream.linear.scatter [tilespmem:s11], [sflag:$0x3], $0x400, $0x38;
	[tilespmem:$0x19400] =	vst v63  }
0x263: {  	_ =	swait.ge [sflag:s12], $0x400  }
0x264: {  	[sflag:s12] =	ssyncset.done $0x0  }
0x265: {  	[sflag:s12] =	ssyncadd.s32 $0xFFFFFC00  }
0x266: {  	s14 =	sadd.s32 $0x1, s14  }
0x267: {  	p0 =	sne.s32 s14, s8  }
.Ltmp3:
0x268: {  	_ = 	snop;
	(pc) =	sbr.rel @p0 .LBB2_1-.Ltmp3, $1  }
0x269: {  	_ =	sdelay $0x3  }
0x26a: {  	_ =	sfence.sel $0x180000  }
0x26b: {  	[bflag:$0x0] =	sbarrier.arrive $0xFFFF  }
0x26c: {  	p0 =	sne.s32 s1, $0x0;
	_ =	strace $0x90000047  }
0x26d: {  	s0 =	sadd.s32 @!p0 $0x100000, s0;
	[bflag:$0x2] =	sbarrier.arrive $0xFFFF  }
0x26e: {  	[sflag:s0] =	ssyncadd.tile.s32 @!p0 $0x1;
	_ =	shalt  }
.Lfunc_end2:
_tile_overlayer_lowered:
.L_overlay_start_2:
0x26f: {  	(tag) =	ssettag $0x2  }
0x270: {  	s0 =	rddreg [dreg:$0x0];
	s2 =	stileid.u32  }
0x271: {  	s1 =	rddreg [dreg:$0x1];
	p0 =	sne.s32 s2, $0x0  }
0x272: {  	s3 =	rddreg [dreg:$0x2];
	[bflag:$0x3] =	sbarrier.arrive $0xFFFF;
	s2 =	simm.s32 @!p0 $0x1C03  }
0x273: {  	[timem:s3], [sflag:s2] =	dma.local @!p0 [hbm:s0], s1  }
0x274: {  	s0 =	simm.s32 @!p0 $0x3  }
0x275: {  	_ =	swait.ge @!p0 [sflag:s0], s1  }
0x276: {  	s1 =	ssub.s32 @!p0 $0x0, s1;
	[sflag:s0] =	ssyncset.done @!p0 $0x0  }
0x277: {  	[sflag:s0] =	ssyncadd.s32 @!p0 s1  }
0x278: {  	[bflag:$0x3] =	sbarrier.arrive $0xFFFF  }
0x279: {  	_ =	shalt  }

</sc_bundles>
